<compile_context>
chip_gen: v7x
topology: tpu7x:2x2x1
jax: 0.10.2.dev20260603
libtpu: 0.0.44.dev20260713+nightly
codegen_flags: <defaults>
</compile_context>

<pallas_src>
import functools

import jax
import jax.numpy as jnp
from jax import lax
from jax.experimental import pallas as pl
from jax.experimental.pallas import tpu as pltpu
from jax.experimental.pallas import tpu_sc as plsc

B = 4096
L = 50
D = 32
NR5 = 5
EPS_BN = 1e-5

NW = 32
RTOT = B * L
RPW = RTOT // NW
CH = 128
NCH = RPW // CH
BPW = B // NW

PK = 4
BP = B // PK
DP = PK * D


def _sc_gather(hist_idx, nodes_idx, i2e_w, u2e_w):
    mesh = plsc.VectorSubcoreMesh(core_axis_name="c", subcore_axis_name="s")

    @functools.partial(
        pl.kernel,
        mesh=mesh,
        compiler_params=pltpu.CompilerParams(use_tc_tiling_on_sc=False),
        out_type=(
            jax.ShapeDtypeStruct((RTOT, D), jnp.float32),
            jax.ShapeDtypeStruct((B, D), jnp.float32),
        ),
        scratch_types=[
            pltpu.VMEM((NCH, CH), jnp.int32),
            pltpu.VMEM((CH, D), jnp.float32),
            pltpu.VMEM((CH, D), jnp.float32),
            pltpu.VMEM((1, CH), jnp.int32),
            pltpu.VMEM((CH, D), jnp.float32),
            pltpu.SemaphoreType.DMA,
        ],
    )
    def k(idx_hbm, nodes_hbm, i2e_hbm, u2e_hbm, eui_out, self_out,
          idxv, buf0, buf1, idxu, bufu, sem):
        c = lax.axis_index("c")
        s = lax.axis_index("s")
        wid = s * 2 + c
        pltpu.sync_copy(idx_hbm.at[wid], idxv)

        def body(j2, _):
            j = j2 * 2
            base0 = pl.multiple_of(wid * RPW + j * CH, CH)
            base1 = pl.multiple_of(wid * RPW + (j + 1) * CH, CH)
            h0 = pltpu.async_copy(i2e_hbm.at[idxv.at[j]], buf0, sem)
            h1 = pltpu.async_copy(i2e_hbm.at[idxv.at[j + 1]], buf1, sem)
            h0.wait()
            pltpu.sync_copy(buf0, eui_out.at[pl.ds(base0, CH)])
            h1.wait()
            pltpu.sync_copy(buf1, eui_out.at[pl.ds(base1, CH)])
            return 0

        lax.fori_loop(0, NCH // 2, body, 0, unroll=False)

        pltpu.sync_copy(nodes_hbm.at[wid], idxu)
        pltpu.async_copy(u2e_hbm.at[idxu.at[0]], bufu, sem).wait()
        sbase = pl.multiple_of(wid * BPW, BPW)
        pltpu.sync_copy(bufu, self_out.at[pl.ds(sbase, BPW)])

    return k(hist_idx.reshape(NW, NCH, CH), nodes_idx.reshape(NW, 1, BPW),
             i2e_w, u2e_w)


TK = 8192
TKQ = TK // PK


def _tc_linearize(table):
    n = table.shape[0]
    nblk = -(-n // TK)
    tq = TK // PK

    def kern(x_ref, o_ref):
        for q in range(PK):
            o_ref[:, q * D:(q + 1) * D] = jnp.transpose(
                x_ref[:, q * tq:(q + 1) * tq])

    return pl.pallas_call(
        kern,
        grid=(nblk,),
        in_specs=[pl.BlockSpec((D, TK), lambda i: (0, i))],
        out_specs=pl.BlockSpec((tq, DP), lambda i: (i, 0)),
        out_shape=jax.ShapeDtypeStruct((nblk * tq, DP), jnp.float32),
    )(table.T)


_SH_BLK = TK.bit_length() - 1
_SH_Q = TKQ.bit_length() - 1


def _perm_idx(r):
    return (((r >> _SH_BLK) << _SH_BLK) | ((r & (TKQ - 1)) << 2)
            | ((r >> _SH_Q) & 3))


NBP = 256


def _tc_stage1(eui_p, oh_p, w20, g0b, g1b, g2b, bd1, gbp):

    def kern(eui_ref, oh_ref, w20_ref, g0_ref, g1_ref, g2_ref, bd1_ref,
             gb_ref, out_ref):
        w20v = w20_ref[...]
        g0 = g0_ref[...]
        g1 = g1_ref[...]
        g2 = g2_ref[...]
        bd1 = bd1_ref[...]
        gb = gb_ref[...]
        acc = jnp.zeros((NBP, DP), jnp.float32)
        for j in range(L):
            e = eui_ref[j]
            r = lax.dot_general(oh_ref[j], w20v, (((0,), (0,)), ((), ())),
                                preferred_element_type=jnp.float32)
            x = e * r
            z = (jnp.dot(e, g0, preferred_element_type=jnp.float32)
                 + jnp.dot(r, g1, preferred_element_type=jnp.float32)
                 + jnp.dot(x, g2, preferred_element_type=jnp.float32)
                 + gb)
            alpha = jax.nn.sigmoid(z)
            o = alpha * e + (1.0 - alpha) * r
            n2 = jnp.dot(o * o, bd1, preferred_element_type=jnp.float32)
            n = jnp.sqrt(n2)
            acc = acc + o / jnp.maximum(n, 1e-12)
        out_ref[...] = acc

    return pl.pallas_call(
        kern,
        grid=(BP // NBP,),
        in_specs=[
            pl.BlockSpec((L, NBP, DP), lambda b: (0, b, 0)),
            pl.BlockSpec((L, PK * NR5, NBP), lambda b: (0, 0, b)),
            pl.BlockSpec((PK * NR5, DP), lambda b: (0, 0)),
            pl.BlockSpec((DP, DP), lambda b: (0, 0)),
            pl.BlockSpec((DP, DP), lambda b: (0, 0)),
            pl.BlockSpec((DP, DP), lambda b: (0, 0)),
            pl.BlockSpec((DP, DP), lambda b: (0, 0)),
            pl.BlockSpec((1, DP), lambda b: (0, 0)),
        ],
        out_specs=pl.BlockSpec((NBP, DP), lambda b: (b, 0)),
        out_shape=jax.ShapeDtypeStruct((BP, DP), jnp.float32),
    )(eui_p, oh_p, w20, g0b, g1b, g2b, bd1, gbp)


def _selu(x):
    a = 1.6732632423543772848170429916717
    s = 1.0507009873554804934193349852946
    return s * jnp.where(x > 0, x, a * (jnp.exp(x) - 1.0))


def _tc_stage2(embed_p, sf_p, inwb, inbp, outwb, outbp, g10, g11, g12, g1bp,
               bngp, bnbp, bn1gp, bn1bp, mavg):

    def kern(em_ref, sf_ref, inw_ref, inb_ref, outw_ref, outb_ref,
             g10_ref, g11_ref, g12_ref, g1b_ref, bng_ref, bnb_ref,
             bn1g_ref, bn1b_ref, mavg_ref, out_ref):
        em = em_ref[...]
        mv = mavg_ref[...]
        m = jnp.dot(jnp.mean(em, axis=0, keepdims=True), mv,
                    preferred_element_type=jnp.float32)
        v = jnp.dot(jnp.mean((em - m) ** 2, axis=0, keepdims=True), mv,
                    preferred_element_type=jnp.float32)
        xb = (em - m) / jnp.sqrt(v + EPS_BN) * bng_ref[...] + bnb_ref[...]
        xb = _selu(jnp.dot(xb, inw_ref[...],
                           preferred_element_type=jnp.float32) + inb_ref[...])
        m1 = jnp.dot(jnp.mean(xb, axis=0, keepdims=True), mv,
                     preferred_element_type=jnp.float32)
        v1 = jnp.dot(jnp.mean((xb - m1) ** 2, axis=0, keepdims=True), mv,
                     preferred_element_type=jnp.float32)
        xb = (xb - m1) / jnp.sqrt(v1 + EPS_BN) * bn1g_ref[...] + bn1b_ref[...]
        neigh = jnp.dot(xb, outw_ref[...],
                        preferred_element_type=jnp.float32) + outb_ref[...]
        sfv = sf_ref[...]
        z = (jnp.dot(sfv, g10_ref[...], preferred_element_type=jnp.float32)
             + jnp.dot(neigh, g11_ref[...],
                       preferred_element_type=jnp.float32)
             + jnp.dot(sfv * neigh, g12_ref[...],
                       preferred_element_type=jnp.float32)
             + g1b_ref[...])
        beta = jax.nn.sigmoid(z)
        out_ref[...] = beta * sfv + (1.0 - beta) * neigh

    return pl.pallas_call(
        kern,
        out_shape=jax.ShapeDtypeStruct((BP, DP), jnp.float32),
    )(embed_p, sf_p, inwb, inbp, outwb, outbp, g10, g11, g12, g1bp,
      bngp, bnbp, bn1gp, bn1bp, mavg)


def _bd(w):
    return jnp.kron(jnp.eye(PK, dtype=jnp.float32), w)


def _tile_row(v):
    return jnp.tile(v, PK).reshape(1, DP)


def kernel(nodes, history_ui, history_r, u2e_w, i2e_w, r2e_w, l1W, l1b,
           a1W, a1b, a2W, a2b, a3W, a3b, gate_W, gate_b, gate1_W, gate1_b,
           bn_g, bn_b, inW, inb, bn1_g, bn1_b, outW, outb):
    hist_idx = _perm_idx(history_ui.astype(jnp.int32)).T.reshape(-1)
    nodes_idx = _perm_idx(nodes.astype(jnp.int32))

    i2e_lin = _tc_linearize(i2e_w).reshape(-1, D)
    u2e_lin = _tc_linearize(u2e_w).reshape(-1, D)

    eui_flat, sf = _sc_gather(hist_idx, nodes_idx, i2e_lin, u2e_lin)
    eui_p = eui_flat.reshape(L, BP, DP)
    sf_p = sf.reshape(BP, DP)

    hr3 = history_r.astype(jnp.int32).T.reshape(L, BP, PK)
    hr3 = jnp.transpose(hr3, (0, 2, 1))
    kk = jnp.arange(PK * NR5, dtype=jnp.int32)
    oh_p = (hr3[:, kk // NR5, :] == (kk % NR5)[None, :, None]
            ).astype(jnp.float32)

    gate_wt = gate_W.T
    embed_p = _tc_stage1(
        eui_p, oh_p,
        _bd(r2e_w),
        _bd(gate_wt[:D]), _bd(gate_wt[D:2 * D]), _bd(gate_wt[2 * D:]),
        jnp.kron(jnp.eye(PK, dtype=jnp.float32),
                 jnp.ones((D, D), jnp.float32)),
        _tile_row(gate_b))

    g1t = gate1_W.T
    mavg = jnp.kron(jnp.full((PK, PK), 1.0 / PK, jnp.float32),
                    jnp.eye(D, dtype=jnp.float32))
    out_p = _tc_stage2(
        embed_p, sf_p,
        _bd(inW.T), _tile_row(inb), _bd(outW.T), _tile_row(outb),
        _bd(g1t[:D]), _bd(g1t[D:2 * D]), _bd(g1t[2 * D:]), _tile_row(gate1_b),
        _tile_row(bn_g), _tile_row(bn_b), _tile_row(bn1_g), _tile_row(bn1_b),
        mavg)

    return out_p.reshape(B, D)

# --- scband reference (transcript-rebuilt; emitter-appended) ---
"""Pipeline reference for scband-ui-aggregator-79998060855420 (READ-ONLY COPY).

The authoritative reference and input builder live on the scoring server;
editing this copy changes nothing except your own understanding.
"""

import jax, jax.numpy as jnp
import numpy as np

B = 4096; L = 50; D = 32; NU = 100000; NI = 1000000; NR = 5; H = 2
EPS_BN = 1e-5


def _normalize(x):
    n = jnp.linalg.norm(x, axis=-1, keepdims=True)
    return x / jnp.maximum(n, 1e-12)


def entmax_bisect(x, alpha, n_iter=25):
    # alpha-entmax over the last dim via bisection (matches entmax.entmax_bisect default dim=-1)
    d = x.shape[-1]
    xs = x * (alpha - 1.0)
    mx = jnp.max(xs, axis=-1, keepdims=True)
    lo = mx - 1.0
    hi = mx - (1.0 / d) ** (alpha - 1.0)
    inv = 1.0 / (alpha - 1.0)
    for _ in range(n_iter):
        mid = 0.5 * (lo + hi)
        p = jnp.clip(xs - mid, 0.0, None) ** inv
        f = jnp.sum(p, axis=-1, keepdims=True) - 1.0
        big = f > 0
        lo = jnp.where(big, mid, lo)
        hi = jnp.where(big, hi, mid)
    tau = 0.5 * (lo + hi)
    p = jnp.clip(xs - tau, 0.0, None) ** inv
    return p / jnp.sum(p, axis=-1, keepdims=True)


def setup_inputs(seed: int = 0):
    key = jax.random.key(seed)
    ks = [jax.random.fold_in(key, i) for i in range(30)]
    s = 0.05
    inp = {}
    inp['nodes'] = jax.random.randint(ks[0], (B,), 0, NU)
    inp['history_ui'] = jax.random.randint(ks[1], (B, L), 0, NI)
    inp['history_r'] = jax.random.randint(ks[2], (B, L), 0, NR)
    inp['u2e_w'] = jax.random.normal(ks[3], (NU, D), jnp.float32) * s
    inp['i2e_w'] = jax.random.normal(ks[4], (NI, D), jnp.float32) * s
    inp['r2e_w'] = jax.random.normal(ks[5], (NR, D), jnp.float32) * s
    inp['l1W'] = jax.random.normal(ks[6], (H, 1, D), jnp.float32) * s
    inp['l1b'] = jnp.zeros((H, 1), jnp.float32)
    inp['a1W'] = jax.random.normal(ks[7], (H, D, 2 * D), jnp.float32) * s
    inp['a1b'] = jnp.zeros((H, D), jnp.float32)
    inp['a2W'] = jax.random.normal(ks[8], (H, D // 4, D), jnp.float32) * s
    inp['a2b'] = jnp.zeros((H, D // 4), jnp.float32)
    inp['a3W'] = jax.random.normal(ks[9], (H, 1, D // 4), jnp.float32) * s
    inp['a3b'] = jnp.zeros((H, 1), jnp.float32)
    inp['gate_W'] = jax.random.normal(ks[10], (D, 3 * D), jnp.float32) * s
    inp['gate_b'] = jnp.zeros((D,), jnp.float32)
    inp['gate1_W'] = jax.random.normal(ks[11], (D, 3 * D), jnp.float32) * s
    inp['gate1_b'] = jnp.zeros((D,), jnp.float32)
    inp['bn_g'] = jnp.ones((D,), jnp.float32)
    inp['bn_b'] = jnp.zeros((D,), jnp.float32)
    inp['inW'] = jax.random.normal(ks[12], (D, D), jnp.float32) * s
    inp['inb'] = jnp.zeros((D,), jnp.float32)
    inp['bn1_g'] = jnp.ones((D,), jnp.float32)
    inp['bn1_b'] = jnp.zeros((D,), jnp.float32)
    inp['outW'] = jax.random.normal(ks[13], (D, D), jnp.float32) * s
    inp['outb'] = jnp.zeros((D,), jnp.float32)
    return inp


def _forward(nodes, history_ui, history_r, u2e_w, i2e_w, r2e_w, l1W, l1b, a1W, a1b, a2W, a2b, a3W, a3b, gate_W, gate_b, gate1_W, gate1_b, bn_g, bn_b, inW, inb, bn1_g, bn1_b, outW, outb):
    def per_node(node, hist, rh):
        e_ui = jnp.take(i2e_w, hist, axis=0)            # [L, D] (user=True path)
        ui_rep = jnp.take(u2e_w, node, axis=0)[None, :]  # [1, D]
        e_r = jnp.take(r2e_w, rh, axis=0)                # [L, D]
        x = jnp.concatenate([e_ui, e_r, e_ui * e_r], axis=-1)
        alpha = jax.nn.sigmoid(x @ gate_W.T + gate_b)
        o_history = alpha * e_ui + (1.0 - alpha) * e_r
        feats = []
        for h in range(H):
            o_history = _normalize(o_history)
            ui_rep = _normalize(ui_rep)
            uv = jnp.broadcast_to(ui_rep, (L, D))
            xx = jnp.concatenate([o_history, uv], axis=-1)
            w = jax.nn.sigmoid(o_history @ l1W[h].T + l1b[h]) + 1.0
            y = jax.nn.selu(xx @ a1W[h].T + a1b[h])
            y = jax.nn.selu(y @ a2W[h].T + a2b[h])
            y = y @ a3W[h].T + a3b[h]
            att = entmax_bisect(y, w)                    # [L, 1]
            ui_rep = (o_history.T @ att).T               # [1, D]
            feats.append(ui_rep)
        att_history = sum(feats) / float(H)
        return att_history[0]
    embed = jax.vmap(per_node)(nodes, history_ui, history_r)  # [B, D]
    # GAT_MLP: BatchNorm1d (train-mode batch stats) -> Linear -> SELU -> BN -> Dropout(eval=identity) -> Linear
    m = jnp.mean(embed, axis=0)
    v = jnp.var(embed, axis=0)
    xb = (embed - m) / jnp.sqrt(v + EPS_BN) * bn_g + bn_b
    xb = jax.nn.selu(xb @ inW.T + inb)
    m1 = jnp.mean(xb, axis=0)
    v1 = jnp.var(xb, axis=0)
    xb = (xb - m1) / jnp.sqrt(v1 + EPS_BN) * bn1_g + bn1_b
    neigh = xb @ outW.T + outb
    self_feats = jnp.take(u2e_w, nodes, axis=0)
    combined = jnp.concatenate([self_feats, neigh, self_feats * neigh], axis=-1)
    beta = jax.nn.sigmoid(combined @ gate1_W.T + gate1_b)
    return beta * self_feats + (1.0 - beta) * neigh


def reference(nodes, history_ui, history_r, u2e_w, i2e_w, r2e_w, l1W, l1b, a1W, a1b, a2W, a2b, a3W, a3b, gate_W, gate_b, gate1_W, gate1_b, bn_g, bn_b, inW, inb, bn1_g, bn1_b, outW, outb):
    return _forward(nodes, history_ui, history_r, u2e_w, i2e_w, r2e_w, l1W, l1b, a1W, a1b, a2W, a2b, a3W, a3b, gate_W, gate_b, gate1_W, gate1_b, bn_g, bn_b, inW, inb, bn1_g, bn1_b, outW, outb)

if __name__ == "__main__":
    import jax
    _d = setup_inputs()
    print(jax.jit(kernel)(*tuple(_d.values())))

</pallas_src>

<mosaic_0001>
#map = affine_map<(d0, d1) -> (0, 0, 0)>
#map1 = affine_map<(d0, d1) -> (0, 0)>
module attributes {stable_mosaic.version = 14 : i64} {
  func.func @k(%arg0: i32, %arg1: i32, %arg2: memref<32x50x128xi32, #tpu.memory_space<hbm>>, %arg3: memref<32x1x128xi32, #tpu.memory_space<hbm>>, %arg4: memref<1007616x32xf32, #tpu.memory_space<hbm>>, %arg5: memref<106496x32xf32, #tpu.memory_space<hbm>>, %arg6: memref<204800x32xf32, #tpu.memory_space<hbm>>, %arg7: memref<4096x32xf32, #tpu.memory_space<hbm>>, %arg8: memref<50x128xi32, #tpu.memory_space<vmem>>, %arg9: memref<128x32xf32, #tpu.memory_space<vmem>>, %arg10: memref<128x32xf32, #tpu.memory_space<vmem>>, %arg11: memref<1x128xi32, #tpu.memory_space<vmem>>, %arg12: memref<128x32xf32, #tpu.memory_space<vmem>>, %arg13: memref<!tpu.dma_semaphore, #tpu.memory_space<semaphore_mem>>) attributes {dimension_semantics = [#tpu.dimension_semantics<core_parallel>, #tpu.dimension_semantics<subcore_parallel>], iteration_bounds = array<i64: 2, 16>, scalar_prefetch = 0 : i64, scratch_operands = 6 : i64, tpu.core_type = #tpu.core_type<sc_vector_subcore>, window_params = [{transform_indices = #map}, {transform_indices = #map}, {transform_indices = #map1}, {transform_indices = #map1}, {transform_indices = #map1}, {transform_indices = #map1}]} {
    %mul3A = arith.constant 2 : i32
    %mul3A_0 = arith.muli %arg1, %mul3A : i32
    %add3A = arith.addi %mul3A_0, %arg0 : i32
    "tpu.region"() ({
      %run_scoped3A = tpu.sem_alloc : memref<!tpu.dma_semaphore, #tpu.memory_space<semaphore_mem>>
      %dma_start3A_21 = arith.constant 0 : i32
      %dma_start3A_22 = arith.constant 0 : i32
      %dma_start3A_23 = tpu.memref_slice %arg2[%add3A, %dma_start3A_21, %dma_start3A_22] : memref<32x50x128xi32, #tpu.memory_space<hbm>> -> memref<1x50x128xi32, #tpu.memory_space<hbm>>
      %dma_start3A_24 = tpu.memref_squeeze %dma_start3A_23 : memref<1x50x128xi32, #tpu.memory_space<hbm>> -> memref<50x128xi32, #tpu.memory_space<hbm>>
      %dma_start3A_25 = arith.constant 0 : i32
      %dma_start3A_26 = arith.constant 0 : i32
      %dma_start3A_27 = tpu.memref_slice %arg2[%add3A, %dma_start3A_25, %dma_start3A_26] : memref<32x50x128xi32, #tpu.memory_space<hbm>> -> memref<1x50x128xi32, #tpu.memory_space<hbm>>
      %dma_start3A_28 = tpu.memref_squeeze %dma_start3A_27 : memref<1x50x128xi32, #tpu.memory_space<hbm>> -> memref<50x128xi32, #tpu.memory_space<hbm>>
      tpu.enqueue_dma source(%dma_start3A_28 : memref<50x128xi32, #tpu.memory_space<hbm>>) target(%arg8 : memref<50x128xi32, #tpu.memory_space<vmem>>) target_semaphore(%run_scoped3A : memref<!tpu.dma_semaphore, #tpu.memory_space<semaphore_mem>>)
      %dma_wait3A_29 = arith.constant 0 : i32
      %dma_wait3A_30 = arith.constant 0 : i32
      %dma_wait3A_31 = tpu.memref_slice %arg2[%add3A, %dma_wait3A_29, %dma_wait3A_30] : memref<32x50x128xi32, #tpu.memory_space<hbm>> -> memref<1x50x128xi32, #tpu.memory_space<hbm>>
      %dma_wait3A_32 = tpu.memref_squeeze %dma_wait3A_31 : memref<1x50x128xi32, #tpu.memory_space<hbm>> -> memref<50x128xi32, #tpu.memory_space<hbm>>
      %dma_wait3A_33 = arith.constant 0 : i32
      %dma_wait3A_34 = arith.constant 0 : i32
      %dma_wait3A_35 = tpu.memref_slice %arg2[%add3A, %dma_wait3A_33, %dma_wait3A_34] : memref<32x50x128xi32, #tpu.memory_space<hbm>> -> memref<1x50x128xi32, #tpu.memory_space<hbm>>
      %dma_wait3A_36 = tpu.memref_squeeze %dma_wait3A_35 : memref<1x50x128xi32, #tpu.memory_space<hbm>> -> memref<50x128xi32, #tpu.memory_space<hbm>>
      tpu.wait_dma2 semaphore(%run_scoped3A : memref<!tpu.dma_semaphore, #tpu.memory_space<semaphore_mem>>) src(%dma_wait3A_36 : memref<50x128xi32, #tpu.memory_space<hbm>>) dst(%arg8 : memref<50x128xi32, #tpu.memory_space<vmem>>)
      tpu.yield
    }) : () -> ()
    %scan3A = arith.constant 0 : i32
    %scan3A_1 = arith.constant 0 : i32
    %scan3A_2 = arith.constant 25 : i32
    %scan3A_3 = arith.addi %scan3A_1, %scan3A_2 : i32
    %scan3A_4 = arith.constant 1 : i32
    %scan3A_5 = scf.for %scan3A_21 = %scan3A_1 to %scan3A_3 step %scan3A_4 iter_args(%scan3A_22 = %scan3A) -> (i32)  : i32 {
      %mul3A_23 = arith.constant 2 : i32
      %mul3A_24 = arith.muli %scan3A_21, %mul3A_23 : i32
      %mul3A_25 = arith.constant 6400 : i32
      %mul3A_26 = arith.muli %add3A, %mul3A_25 : i32
      %mul3A_27 = arith.constant 128 : i32
      %mul3A_28 = arith.muli %mul3A_24, %mul3A_27 : i32
      %add3A_29 = arith.addi %mul3A_26, %mul3A_28 : i32
      %multiple_of3A_30 = tpu.assume_multiple %add3A_29, 128 : i32
      %mul3A_31 = arith.constant 6400 : i32
      %mul3A_32 = arith.muli %add3A, %mul3A_31 : i32
      %add3A_33 = arith.constant 1 : i32
      %add3A_34 = arith.addi %mul3A_24, %add3A_33 : i32
      %mul3A_35 = arith.constant 128 : i32
      %mul3A_36 = arith.muli %add3A_34, %mul3A_35 : i32
      %add3A_37 = arith.addi %mul3A_32, %mul3A_36 : i32
      %multiple_of3A_38 = tpu.assume_multiple %add3A_37, 128 : i32
      %dma_start3A_39 = arith.constant 0 : i32
      %dma_start3A_40 = tpu.memref_slice %arg8[%mul3A_24, %dma_start3A_39] : memref<50x128xi32, #tpu.memory_space<vmem>> -> memref<1x128xi32, #tpu.memory_space<vmem>>
      %dma_start3A_41 = tpu.memref_squeeze %dma_start3A_40 : memref<1x128xi32, #tpu.memory_space<vmem>> -> memref<128xi32, #tpu.memory_space<vmem>>
      %dma_start3A_42 = arith.constant 0 : i32
      %dma_start3A_43 = arith.constant 0 : i32
      %dma_start3A_44 = tpu.memref_slice %arg4[%dma_start3A_42, %dma_start3A_43] : memref<1007616x32xf32, #tpu.memory_space<hbm>> -> memref<1007616x32xf32, #tpu.memory_space<hbm>>
      tpu.enqueue_indirect_dma source(%dma_start3A_44 : memref<1007616x32xf32, #tpu.memory_space<hbm>>) target(%arg9 : memref<128x32xf32, #tpu.memory_space<vmem>>) offsets(%dma_start3A_41 : memref<128xi32, #tpu.memory_space<vmem>>) semaphore(%arg13 : memref<!tpu.dma_semaphore, #tpu.memory_space<semaphore_mem>>)
      %add3A_45 = arith.constant 1 : i32
      %add3A_46 = arith.addi %mul3A_24, %add3A_45 : i32
      %dma_start3A_47 = arith.constant 0 : i32
      %dma_start3A_48 = tpu.memref_slice %arg8[%add3A_46, %dma_start3A_47] : memref<50x128xi32, #tpu.memory_space<vmem>> -> memref<1x128xi32, #tpu.memory_space<vmem>>
      %dma_start3A_49 = tpu.memref_squeeze %dma_start3A_48 : memref<1x128xi32, #tpu.memory_space<vmem>> -> memref<128xi32, #tpu.memory_space<vmem>>
      %dma_start3A_50 = arith.constant 0 : i32
      %dma_start3A_51 = arith.constant 0 : i32
      %dma_start3A_52 = tpu.memref_slice %arg4[%dma_start3A_50, %dma_start3A_51] : memref<1007616x32xf32, #tpu.memory_space<hbm>> -> memref<1007616x32xf32, #tpu.memory_space<hbm>>
      tpu.enqueue_indirect_dma source(%dma_start3A_52 : memref<1007616x32xf32, #tpu.memory_space<hbm>>) target(%arg10 : memref<128x32xf32, #tpu.memory_space<vmem>>) offsets(%dma_start3A_49 : memref<128xi32, #tpu.memory_space<vmem>>) semaphore(%arg13 : memref<!tpu.dma_semaphore, #tpu.memory_space<semaphore_mem>>)
      %dma_wait3A_53 = arith.constant 0 : i32
      %dma_wait3A_54 = tpu.memref_slice %arg8[%mul3A_24, %dma_wait3A_53] : memref<50x128xi32, #tpu.memory_space<vmem>> -> memref<1x128xi32, #tpu.memory_space<vmem>>
      %dma_wait3A_55 = tpu.memref_squeeze %dma_wait3A_54 : memref<1x128xi32, #tpu.memory_space<vmem>> -> memref<128xi32, #tpu.memory_space<vmem>>
      %dma_wait3A_56 = arith.constant 0 : i32
      %dma_wait3A_57 = arith.constant 0 : i32
      %dma_wait3A_58 = tpu.memref_slice %arg4[%dma_wait3A_56, %dma_wait3A_57] : memref<1007616x32xf32, #tpu.memory_space<hbm>> -> memref<1007616x32xf32, #tpu.memory_space<hbm>>
      tpu.wait_indirect_dma semaphore(%arg13 : memref<!tpu.dma_semaphore, #tpu.memory_space<semaphore_mem>>) src(%dma_wait3A_58 : memref<1007616x32xf32, #tpu.memory_space<hbm>>) dst(%arg9 : memref<128x32xf32, #tpu.memory_space<vmem>>)
      "tpu.region"() ({
        %run_scoped3A = tpu.sem_alloc : memref<!tpu.dma_semaphore, #tpu.memory_space<semaphore_mem>>
        %dma_start3A_66 = arith.constant 0 : i32
        %dma_start3A_67 = tpu.memref_slice %arg6[%multiple_of3A_30, %dma_start3A_66] : memref<204800x32xf32, #tpu.memory_space<hbm>> -> memref<128x32xf32, #tpu.memory_space<hbm>>
        %dma_start3A_68 = arith.constant 0 : i32
        %dma_start3A_69 = tpu.memref_slice %arg6[%multiple_of3A_30, %dma_start3A_68] : memref<204800x32xf32, #tpu.memory_space<hbm>> -> memref<128x32xf32, #tpu.memory_space<hbm>>
        tpu.enqueue_dma source(%arg9 : memref<128x32xf32, #tpu.memory_space<vmem>>) target(%dma_start3A_69 : memref<128x32xf32, #tpu.memory_space<hbm>>) target_semaphore(%run_scoped3A : memref<!tpu.dma_semaphore, #tpu.memory_space<semaphore_mem>>)
        %dma_wait3A_70 = arith.constant 0 : i32
        %dma_wait3A_71 = tpu.memref_slice %arg6[%multiple_of3A_30, %dma_wait3A_70] : memref<204800x32xf32, #tpu.memory_space<hbm>> -> memref<128x32xf32, #tpu.memory_space<hbm>>
        %dma_wait3A_72 = arith.constant 0 : i32
        %dma_wait3A_73 = tpu.memref_slice %arg6[%multiple_of3A_30, %dma_wait3A_72] : memref<204800x32xf32, #tpu.memory_space<hbm>> -> memref<128x32xf32, #tpu.memory_space<hbm>>
        tpu.wait_dma2 semaphore(%run_scoped3A : memref<!tpu.dma_semaphore, #tpu.memory_space<semaphore_mem>>) src(%arg9 : memref<128x32xf32, #tpu.memory_space<vmem>>) dst(%dma_wait3A_73 : memref<128x32xf32, #tpu.memory_space<hbm>>)
        tpu.yield
      }) : () -> ()
      %dma_wait3A_59 = arith.constant 0 : i32
      %dma_wait3A_60 = tpu.memref_slice %arg8[%add3A_46, %dma_wait3A_59] : memref<50x128xi32, #tpu.memory_space<vmem>> -> memref<1x128xi32, #tpu.memory_space<vmem>>
      %dma_wait3A_61 = tpu.memref_squeeze %dma_wait3A_60 : memref<1x128xi32, #tpu.memory_space<vmem>> -> memref<128xi32, #tpu.memory_space<vmem>>
      %dma_wait3A_62 = arith.constant 0 : i32
      %dma_wait3A_63 = arith.constant 0 : i32
      %dma_wait3A_64 = tpu.memref_slice %arg4[%dma_wait3A_62, %dma_wait3A_63] : memref<1007616x32xf32, #tpu.memory_space<hbm>> -> memref<1007616x32xf32, #tpu.memory_space<hbm>>
      tpu.wait_indirect_dma semaphore(%arg13 : memref<!tpu.dma_semaphore, #tpu.memory_space<semaphore_mem>>) src(%dma_wait3A_64 : memref<1007616x32xf32, #tpu.memory_space<hbm>>) dst(%arg10 : memref<128x32xf32, #tpu.memory_space<vmem>>)
      "tpu.region"() ({
        %run_scoped3A = tpu.sem_alloc : memref<!tpu.dma_semaphore, #tpu.memory_space<semaphore_mem>>
        %dma_start3A_66 = arith.constant 0 : i32
        %dma_start3A_67 = tpu.memref_slice %arg6[%multiple_of3A_38, %dma_start3A_66] : memref<204800x32xf32, #tpu.memory_space<hbm>> -> memref<128x32xf32, #tpu.memory_space<hbm>>
        %dma_start3A_68 = arith.constant 0 : i32
        %dma_start3A_69 = tpu.memref_slice %arg6[%multiple_of3A_38, %dma_start3A_68] : memref<204800x32xf32, #tpu.memory_space<hbm>> -> memref<128x32xf32, #tpu.memory_space<hbm>>
        tpu.enqueue_dma source(%arg10 : memref<128x32xf32, #tpu.memory_space<vmem>>) target(%dma_start3A_69 : memref<128x32xf32, #tpu.memory_space<hbm>>) target_semaphore(%run_scoped3A : memref<!tpu.dma_semaphore, #tpu.memory_space<semaphore_mem>>)
        %dma_wait3A_70 = arith.constant 0 : i32
        %dma_wait3A_71 = tpu.memref_slice %arg6[%multiple_of3A_38, %dma_wait3A_70] : memref<204800x32xf32, #tpu.memory_space<hbm>> -> memref<128x32xf32, #tpu.memory_space<hbm>>
        %dma_wait3A_72 = arith.constant 0 : i32
        %dma_wait3A_73 = tpu.memref_slice %arg6[%multiple_of3A_38, %dma_wait3A_72] : memref<204800x32xf32, #tpu.memory_space<hbm>> -> memref<128x32xf32, #tpu.memory_space<hbm>>
        tpu.wait_dma2 semaphore(%run_scoped3A : memref<!tpu.dma_semaphore, #tpu.memory_space<semaphore_mem>>) src(%arg10 : memref<128x32xf32, #tpu.memory_space<vmem>>) dst(%dma_wait3A_73 : memref<128x32xf32, #tpu.memory_space<hbm>>)
        tpu.yield
      }) : () -> ()
      %scan3A_65 = arith.constant 0 : i32
      scf.yield %scan3A_65 : i32
    }
    %scan3A_6 = arith.constant 25 : i32
    "tpu.region"() ({
      %run_scoped3A = tpu.sem_alloc : memref<!tpu.dma_semaphore, #tpu.memory_space<semaphore_mem>>
      %dma_start3A_21 = arith.constant 0 : i32
      %dma_start3A_22 = arith.constant 0 : i32
      %dma_start3A_23 = tpu.memref_slice %arg3[%add3A, %dma_start3A_21, %dma_start3A_22] : memref<32x1x128xi32, #tpu.memory_space<hbm>> -> memref<1x1x128xi32, #tpu.memory_space<hbm>>
      %dma_start3A_24 = tpu.memref_squeeze %dma_start3A_23 : memref<1x1x128xi32, #tpu.memory_space<hbm>> -> memref<1x128xi32, #tpu.memory_space<hbm>>
      %dma_start3A_25 = arith.constant 0 : i32
      %dma_start3A_26 = arith.constant 0 : i32
      %dma_start3A_27 = tpu.memref_slice %arg3[%add3A, %dma_start3A_25, %dma_start3A_26] : memref<32x1x128xi32, #tpu.memory_space<hbm>> -> memref<1x1x128xi32, #tpu.memory_space<hbm>>
      %dma_start3A_28 = tpu.memref_squeeze %dma_start3A_27 : memref<1x1x128xi32, #tpu.memory_space<hbm>> -> memref<1x128xi32, #tpu.memory_space<hbm>>
      tpu.enqueue_dma source(%dma_start3A_28 : memref<1x128xi32, #tpu.memory_space<hbm>>) target(%arg11 : memref<1x128xi32, #tpu.memory_space<vmem>>) target_semaphore(%run_scoped3A : memref<!tpu.dma_semaphore, #tpu.memory_space<semaphore_mem>>)
      %dma_wait3A_29 = arith.constant 0 : i32
      %dma_wait3A_30 = arith.constant 0 : i32
      %dma_wait3A_31 = tpu.memref_slice %arg3[%add3A, %dma_wait3A_29, %dma_wait3A_30] : memref<32x1x128xi32, #tpu.memory_space<hbm>> -> memref<1x1x128xi32, #tpu.memory_space<hbm>>
      %dma_wait3A_32 = tpu.memref_squeeze %dma_wait3A_31 : memref<1x1x128xi32, #tpu.memory_space<hbm>> -> memref<1x128xi32, #tpu.memory_space<hbm>>
      %dma_wait3A_33 = arith.constant 0 : i32
      %dma_wait3A_34 = arith.constant 0 : i32
      %dma_wait3A_35 = tpu.memref_slice %arg3[%add3A, %dma_wait3A_33, %dma_wait3A_34] : memref<32x1x128xi32, #tpu.memory_space<hbm>> -> memref<1x1x128xi32, #tpu.memory_space<hbm>>
      %dma_wait3A_36 = tpu.memref_squeeze %dma_wait3A_35 : memref<1x1x128xi32, #tpu.memory_space<hbm>> -> memref<1x128xi32, #tpu.memory_space<hbm>>
      tpu.wait_dma2 semaphore(%run_scoped3A : memref<!tpu.dma_semaphore, #tpu.memory_space<semaphore_mem>>) src(%dma_wait3A_36 : memref<1x128xi32, #tpu.memory_space<hbm>>) dst(%arg11 : memref<1x128xi32, #tpu.memory_space<vmem>>)
      tpu.yield
    }) : () -> ()
    %dma_start3A = arith.constant 0 : i32
    %dma_start3A_7 = arith.constant 0 : i32
    %dma_start3A_8 = tpu.memref_slice %arg11[%dma_start3A, %dma_start3A_7] : memref<1x128xi32, #tpu.memory_space<vmem>> -> memref<1x128xi32, #tpu.memory_space<vmem>>
    %dma_start3A_9 = tpu.memref_squeeze %dma_start3A_8 : memref<1x128xi32, #tpu.memory_space<vmem>> -> memref<128xi32, #tpu.memory_space<vmem>>
    %dma_start3A_10 = arith.constant 0 : i32
    %dma_start3A_11 = arith.constant 0 : i32
    %dma_start3A_12 = tpu.memref_slice %arg5[%dma_start3A_10, %dma_start3A_11] : memref<106496x32xf32, #tpu.memory_space<hbm>> -> memref<106496x32xf32, #tpu.memory_space<hbm>>
    tpu.enqueue_indirect_dma source(%dma_start3A_12 : memref<106496x32xf32, #tpu.memory_space<hbm>>) target(%arg12 : memref<128x32xf32, #tpu.memory_space<vmem>>) offsets(%dma_start3A_9 : memref<128xi32, #tpu.memory_space<vmem>>) semaphore(%arg13 : memref<!tpu.dma_semaphore, #tpu.memory_space<semaphore_mem>>)
    %dma_wait3A = arith.constant 0 : i32
    %dma_wait3A_13 = arith.constant 0 : i32
    %dma_wait3A_14 = tpu.memref_slice %arg11[%dma_wait3A, %dma_wait3A_13] : memref<1x128xi32, #tpu.memory_space<vmem>> -> memref<1x128xi32, #tpu.memory_space<vmem>>
    %dma_wait3A_15 = tpu.memref_squeeze %dma_wait3A_14 : memref<1x128xi32, #tpu.memory_space<vmem>> -> memref<128xi32, #tpu.memory_space<vmem>>
    %dma_wait3A_16 = arith.constant 0 : i32
    %dma_wait3A_17 = arith.constant 0 : i32
    %dma_wait3A_18 = tpu.memref_slice %arg5[%dma_wait3A_16, %dma_wait3A_17] : memref<106496x32xf32, #tpu.memory_space<hbm>> -> memref<106496x32xf32, #tpu.memory_space<hbm>>
    tpu.wait_indirect_dma semaphore(%arg13 : memref<!tpu.dma_semaphore, #tpu.memory_space<semaphore_mem>>) src(%dma_wait3A_18 : memref<106496x32xf32, #tpu.memory_space<hbm>>) dst(%arg12 : memref<128x32xf32, #tpu.memory_space<vmem>>)
    %mul3A_19 = arith.constant 128 : i32
    %mul3A_20 = arith.muli %add3A, %mul3A_19 : i32
    %multiple_of3A = tpu.assume_multiple %mul3A_20, 128 : i32
    "tpu.region"() ({
      %run_scoped3A = tpu.sem_alloc : memref<!tpu.dma_semaphore, #tpu.memory_space<semaphore_mem>>
      %dma_start3A_21 = arith.constant 0 : i32
      %dma_start3A_22 = tpu.memref_slice %arg7[%multiple_of3A, %dma_start3A_21] : memref<4096x32xf32, #tpu.memory_space<hbm>> -> memref<128x32xf32, #tpu.memory_space<hbm>>
      %dma_start3A_23 = arith.constant 0 : i32
      %dma_start3A_24 = tpu.memref_slice %arg7[%multiple_of3A, %dma_start3A_23] : memref<4096x32xf32, #tpu.memory_space<hbm>> -> memref<128x32xf32, #tpu.memory_space<hbm>>
      tpu.enqueue_dma source(%arg12 : memref<128x32xf32, #tpu.memory_space<vmem>>) target(%dma_start3A_24 : memref<128x32xf32, #tpu.memory_space<hbm>>) target_semaphore(%run_scoped3A : memref<!tpu.dma_semaphore, #tpu.memory_space<semaphore_mem>>)
      %dma_wait3A_25 = arith.constant 0 : i32
      %dma_wait3A_26 = tpu.memref_slice %arg7[%multiple_of3A, %dma_wait3A_25] : memref<4096x32xf32, #tpu.memory_space<hbm>> -> memref<128x32xf32, #tpu.memory_space<hbm>>
      %dma_wait3A_27 = arith.constant 0 : i32
      %dma_wait3A_28 = tpu.memref_slice %arg7[%multiple_of3A, %dma_wait3A_27] : memref<4096x32xf32, #tpu.memory_space<hbm>> -> memref<128x32xf32, #tpu.memory_space<hbm>>
      tpu.wait_dma2 semaphore(%run_scoped3A : memref<!tpu.dma_semaphore, #tpu.memory_space<semaphore_mem>>) src(%arg12 : memref<128x32xf32, #tpu.memory_space<vmem>>) dst(%dma_wait3A_28 : memref<128x32xf32, #tpu.memory_space<hbm>>)
      tpu.yield
    }) : () -> ()
    return
  }
}

module attributes {stable_mosaic.version = 14 : i64} {
  func.func @kern(%arg0: i32, %arg1: memref<32x8192xf32, #tpu.memory_space<vmem>>, %arg2: memref<2048x128xf32, #tpu.memory_space<vmem>>) attributes {dimension_semantics = [#tpu.dimension_semantics<arbitrary>], iteration_bounds = array<i64: 123>, scalar_prefetch = 0 : i64, scratch_operands = 0 : i64, tpu.core_type = #tpu.core_type<tc>, window_params = [{transform_indices = @transform_0, window_bounds = array<i64: 32, 8192>}, {transform_indices = @transform_1, window_bounds = array<i64: 2048, 128>}]} {
    %get3A = arith.constant 0 : index
    %get3A_0 = arith.constant 0 : index
    %get3A_1 = vector.load %arg1[%get3A, %get3A_0] : memref<32x8192xf32, #tpu.memory_space<vmem>>, vector<32x2048xf32>
    %transpose3A = tpu.transpose %get3A_1, [1, 0] : vector<32x2048xf32> -> vector<2048x32xf32>
    %swap3A = arith.constant 0 : index
    %swap3A_2 = arith.constant 0 : index
    %swap3A_3 = vector.load %arg2[%swap3A, %swap3A_2] : memref<2048x128xf32, #tpu.memory_space<vmem>>, vector<2048x32xf32>
    tpu.vector_store %arg2[%swap3A, %swap3A_2], %transpose3A {strides = array<i32>} : memref<2048x128xf32, #tpu.memory_space<vmem>>, vector<2048x32xf32>,
    %get3A_4 = arith.constant 0 : index
    %get3A_5 = arith.constant 2048 : index
    %get3A_6 = vector.load %arg1[%get3A_4, %get3A_5] : memref<32x8192xf32, #tpu.memory_space<vmem>>, vector<32x2048xf32>
    %transpose3A_7 = tpu.transpose %get3A_6, [1, 0] : vector<32x2048xf32> -> vector<2048x32xf32>
    %swap3A_8 = arith.constant 0 : index
    %swap3A_9 = arith.constant 32 : index
    %swap3A_10 = vector.load %arg2[%swap3A_8, %swap3A_9] : memref<2048x128xf32, #tpu.memory_space<vmem>>, vector<2048x32xf32>
    tpu.vector_store %arg2[%swap3A_8, %swap3A_9], %transpose3A_7 {strides = array<i32>} : memref<2048x128xf32, #tpu.memory_space<vmem>>, vector<2048x32xf32>,
    %get3A_11 = arith.constant 0 : index
    %get3A_12 = arith.constant 4096 : index
    %get3A_13 = vector.load %arg1[%get3A_11, %get3A_12] : memref<32x8192xf32, #tpu.memory_space<vmem>>, vector<32x2048xf32>
    %transpose3A_14 = tpu.transpose %get3A_13, [1, 0] : vector<32x2048xf32> -> vector<2048x32xf32>
    %swap3A_15 = arith.constant 0 : index
    %swap3A_16 = arith.constant 64 : index
    %swap3A_17 = vector.load %arg2[%swap3A_15, %swap3A_16] : memref<2048x128xf32, #tpu.memory_space<vmem>>, vector<2048x32xf32>
    tpu.vector_store %arg2[%swap3A_15, %swap3A_16], %transpose3A_14 {strides = array<i32>} : memref<2048x128xf32, #tpu.memory_space<vmem>>, vector<2048x32xf32>,
    %get3A_18 = arith.constant 0 : index
    %get3A_19 = arith.constant 6144 : index
    %get3A_20 = vector.load %arg1[%get3A_18, %get3A_19] : memref<32x8192xf32, #tpu.memory_space<vmem>>, vector<32x2048xf32>
    %transpose3A_21 = tpu.transpose %get3A_20, [1, 0] : vector<32x2048xf32> -> vector<2048x32xf32>
    %swap3A_22 = arith.constant 0 : index
    %swap3A_23 = arith.constant 96 : index
    %swap3A_24 = vector.load %arg2[%swap3A_22, %swap3A_23] : memref<2048x128xf32, #tpu.memory_space<vmem>>, vector<2048x32xf32>
    tpu.vector_store %arg2[%swap3A_22, %swap3A_23], %transpose3A_21 {strides = array<i32>} : memref<2048x128xf32, #tpu.memory_space<vmem>>, vector<2048x32xf32>,
    return
  }
  func.func @transform_0(%arg0: i32) -> (i32, i32) {
    %c0_i32 = arith.constant 0 : i32
    %c0_i32_0 = arith.constant 0 : i32
    return %c0_i32, %arg0 : i32, i32
  }
  func.func @transform_1(%arg0: i32) -> (i32, i32) {
    %c0_i32 = arith.constant 0 : i32
    %c0_i32_0 = arith.constant 0 : i32
    return %arg0, %c0_i32 : i32, i32
  }
}

module attributes {stable_mosaic.version = 14 : i64} {
  func.func @kern(%arg0: i32, %arg1: memref<32x8192xf32, #tpu.memory_space<vmem>>, %arg2: memref<2048x128xf32, #tpu.memory_space<vmem>>) attributes {dimension_semantics = [#tpu.dimension_semantics<arbitrary>], iteration_bounds = array<i64: 13>, scalar_prefetch = 0 : i64, scratch_operands = 0 : i64, tpu.core_type = #tpu.core_type<tc>, window_params = [{transform_indices = @transform_0, window_bounds = array<i64: 32, 8192>}, {transform_indices = @transform_1, window_bounds = array<i64: 2048, 128>}]} {
    %get3A = arith.constant 0 : index
    %get3A_0 = arith.constant 0 : index
    %get3A_1 = vector.load %arg1[%get3A, %get3A_0] : memref<32x8192xf32, #tpu.memory_space<vmem>>, vector<32x2048xf32>
    %transpose3A = tpu.transpose %get3A_1, [1, 0] : vector<32x2048xf32> -> vector<2048x32xf32>
    %swap3A = arith.constant 0 : index
    %swap3A_2 = arith.constant 0 : index
    %swap3A_3 = vector.load %arg2[%swap3A, %swap3A_2] : memref<2048x128xf32, #tpu.memory_space<vmem>>, vector<2048x32xf32>
    tpu.vector_store %arg2[%swap3A, %swap3A_2], %transpose3A {strides = array<i32>} : memref<2048x128xf32, #tpu.memory_space<vmem>>, vector<2048x32xf32>,
    %get3A_4 = arith.constant 0 : index
    %get3A_5 = arith.constant 2048 : index
    %get3A_6 = vector.load %arg1[%get3A_4, %get3A_5] : memref<32x8192xf32, #tpu.memory_space<vmem>>, vector<32x2048xf32>
    %transpose3A_7 = tpu.transpose %get3A_6, [1, 0] : vector<32x2048xf32> -> vector<2048x32xf32>
    %swap3A_8 = arith.constant 0 : index
    %swap3A_9 = arith.constant 32 : index
    %swap3A_10 = vector.load %arg2[%swap3A_8, %swap3A_9] : memref<2048x128xf32, #tpu.memory_space<vmem>>, vector<2048x32xf32>
    tpu.vector_store %arg2[%swap3A_8, %swap3A_9], %transpose3A_7 {strides = array<i32>} : memref<2048x128xf32, #tpu.memory_space<vmem>>, vector<2048x32xf32>,
    %get3A_11 = arith.constant 0 : index
    %get3A_12 = arith.constant 4096 : index
    %get3A_13 = vector.load %arg1[%get3A_11, %get3A_12] : memref<32x8192xf32, #tpu.memory_space<vmem>>, vector<32x2048xf32>
    %transpose3A_14 = tpu.transpose %get3A_13, [1, 0] : vector<32x2048xf32> -> vector<2048x32xf32>
    %swap3A_15 = arith.constant 0 : index
    %swap3A_16 = arith.constant 64 : index
    %swap3A_17 = vector.load %arg2[%swap3A_15, %swap3A_16] : memref<2048x128xf32, #tpu.memory_space<vmem>>, vector<2048x32xf32>
    tpu.vector_store %arg2[%swap3A_15, %swap3A_16], %transpose3A_14 {strides = array<i32>} : memref<2048x128xf32, #tpu.memory_space<vmem>>, vector<2048x32xf32>,
    %get3A_18 = arith.constant 0 : index
    %get3A_19 = arith.constant 6144 : index
    %get3A_20 = vector.load %arg1[%get3A_18, %get3A_19] : memref<32x8192xf32, #tpu.memory_space<vmem>>, vector<32x2048xf32>
    %transpose3A_21 = tpu.transpose %get3A_20, [1, 0] : vector<32x2048xf32> -> vector<2048x32xf32>
    %swap3A_22 = arith.constant 0 : index
    %swap3A_23 = arith.constant 96 : index
    %swap3A_24 = vector.load %arg2[%swap3A_22, %swap3A_23] : memref<2048x128xf32, #tpu.memory_space<vmem>>, vector<2048x32xf32>
    tpu.vector_store %arg2[%swap3A_22, %swap3A_23], %transpose3A_21 {strides = array<i32>} : memref<2048x128xf32, #tpu.memory_space<vmem>>, vector<2048x32xf32>,
    return
  }
  func.func @transform_0(%arg0: i32) -> (i32, i32) {
    %c0_i32 = arith.constant 0 : i32
    %c0_i32_0 = arith.constant 0 : i32
    return %c0_i32, %arg0 : i32, i32
  }
  func.func @transform_1(%arg0: i32) -> (i32, i32) {
    %c0_i32 = arith.constant 0 : i32
    %c0_i32_0 = arith.constant 0 : i32
    return %arg0, %c0_i32 : i32, i32
  }
}

module attributes {stable_mosaic.version = 14 : i64} {
  func.func @kern(%arg0: i32, %arg1: memref<50x256x128xf32, #tpu.memory_space<vmem>>, %arg2: memref<50x20x256xf32, #tpu.memory_space<vmem>>, %arg3: memref<20x128xf32, #tpu.memory_space<vmem>>, %arg4: memref<128x128xf32, #tpu.memory_space<vmem>>, %arg5: memref<128x128xf32, #tpu.memory_space<vmem>>, %arg6: memref<128x128xf32, #tpu.memory_space<vmem>>, %arg7: memref<128x128xf32, #tpu.memory_space<vmem>>, %arg8: memref<1x128xf32, #tpu.memory_space<vmem>>, %arg9: memref<256x128xf32, #tpu.memory_space<vmem>>) attributes {dimension_semantics = [#tpu.dimension_semantics<arbitrary>], iteration_bounds = array<i64: 4>, scalar_prefetch = 0 : i64, scratch_operands = 0 : i64, tpu.core_type = #tpu.core_type<tc>, window_params = [{transform_indices = @transform_0, window_bounds = array<i64: 50, 256, 128>}, {transform_indices = @transform_1, window_bounds = array<i64: 50, 20, 256>}, {pipeline_mode = #tpu.pipeline_mode<synchronous>, transform_indices = @transform_2, window_bounds = array<i64: 20, 128>}, {pipeline_mode = #tpu.pipeline_mode<synchronous>, transform_indices = @transform_3, window_bounds = array<i64: 128, 128>}, {pipeline_mode = #tpu.pipeline_mode<synchronous>, transform_indices = @transform_4, window_bounds = array<i64: 128, 128>}, {pipeline_mode = #tpu.pipeline_mode<synchronous>, transform_indices = @transform_5, window_bounds = array<i64: 128, 128>}, {pipeline_mode = #tpu.pipeline_mode<synchronous>, transform_indices = @transform_6, window_bounds = array<i64: 128, 128>}, {pipeline_mode = #tpu.pipeline_mode<synchronous>, transform_indices = @transform_7, window_bounds = array<i64: 1, 128>}, {transform_indices = @transform_8, window_bounds = array<i64: 256, 128>}]} {
    %get3A = arith.constant 0 : index
    %get3A_0 = arith.constant 0 : index
    %get3A_1 = vector.load %arg3[%get3A, %get3A_0] : memref<20x128xf32, #tpu.memory_space<vmem>>, vector<20x128xf32>
    %get3A_2 = arith.constant 0 : index
    %get3A_3 = arith.constant 0 : index
    %get3A_4 = vector.load %arg4[%get3A_2, %get3A_3] : memref<128x128xf32, #tpu.memory_space<vmem>>, vector<128x128xf32>
    %get3A_5 = arith.constant 0 : index
    %get3A_6 = arith.constant 0 : index
    %get3A_7 = vector.load %arg5[%get3A_5, %get3A_6] : memref<128x128xf32, #tpu.memory_space<vmem>>, vector<128x128xf32>
    %get3A_8 = arith.constant 0 : index
    %get3A_9 = arith.constant 0 : index
    %get3A_10 = vector.load %arg6[%get3A_8, %get3A_9] : memref<128x128xf32, #tpu.memory_space<vmem>>, vector<128x128xf32>
    %get3A_11 = arith.constant 0 : index
    %get3A_12 = arith.constant 0 : index
    %get3A_13 = vector.load %arg7[%get3A_11, %get3A_12] : memref<128x128xf32, #tpu.memory_space<vmem>>, vector<128x128xf32>
    %get3A_14 = arith.constant 0 : index
    %get3A_15 = arith.constant 0 : index
    %get3A_16 = vector.load %arg8[%get3A_14, %get3A_15] : memref<1x128xf32, #tpu.memory_space<vmem>>, vector<1x128xf32>
    %broadcast_in_dim3A = arith.constant 0.000000e+00 : f32
    %broadcast_in_dim3A_17 = vector.broadcast %broadcast_in_dim3A : f32 to vector<256x128xf32>
    %get3A_18 = arith.constant 0 : index
    %get3A_19 = arith.constant 0 : index
    %get3A_20 = arith.constant 0 : index
    %get3A_21 = vector.load %arg1[%get3A_18, %get3A_19, %get3A_20] : memref<50x256x128xf32, #tpu.memory_space<vmem>>, vector<1x256x128xf32>
    %get3A_22 = vector.shape_cast %get3A_21 : vector<1x256x128xf32> to vector<256x128xf32>
    %get3A_23 = arith.constant 0 : index
    %get3A_24 = arith.constant 0 : index
    %get3A_25 = arith.constant 0 : index
    %get3A_26 = vector.load %arg2[%get3A_23, %get3A_24, %get3A_25] : memref<50x20x256xf32, #tpu.memory_space<vmem>>, vector<1x20x256xf32>
    %get3A_27 = vector.shape_cast %get3A_26 : vector<1x20x256xf32> to vector<20x256xf32>
    %dot_general3A = arith.constant dense<0.000000e+00> : vector<256x128xf32>
    %dot_general3A_28 = tpu.matmul %get3A_27, %get3A_1, %dot_general3A {dimension_numbers = #tpu.dot_dimension_numbers<[0], [0], [1], [1], [0, 1, 1, 1], [], []>, transpose_lhs_hint = false} : vector<20x256xf32>, vector<20x128xf32>, vector<256x128xf32> -> vector<256x128xf32>
    %mul3A = arith.mulf %get3A_22, %dot_general3A_28 : vector<256x128xf32>
    %dot_general3A_29 = arith.constant dense<0.000000e+00> : vector<256x128xf32>
    %dot_general3A_30 = tpu.matmul %get3A_22, %get3A_4, %dot_general3A_29 {dimension_numbers = #tpu.dot_dimension_numbers<[1], [0], [0], [1], [0, 0, 1, 1], [], []>, transpose_lhs_hint = false} : vector<256x128xf32>, vector<128x128xf32>, vector<256x128xf32> -> vector<256x128xf32>
    %dot_general3A_31 = arith.constant dense<0.000000e+00> : vector<256x128xf32>
    %dot_general3A_32 = tpu.matmul %dot_general3A_28, %get3A_7, %dot_general3A_31 {dimension_numbers = #tpu.dot_dimension_numbers<[1], [0], [0], [1], [0, 0, 1, 1], [], []>, transpose_lhs_hint = false} : vector<256x128xf32>, vector<128x128xf32>, vector<256x128xf32> -> vector<256x128xf32>
    %add3A = arith.addf %dot_general3A_30, %dot_general3A_32 : vector<256x128xf32>
    %dot_general3A_33 = arith.constant dense<0.000000e+00> : vector<256x128xf32>
    %dot_general3A_34 = tpu.matmul %mul3A, %get3A_10, %dot_general3A_33 {dimension_numbers = #tpu.dot_dimension_numbers<[1], [0], [0], [1], [0, 0, 1, 1], [], []>, transpose_lhs_hint = false} : vector<256x128xf32>, vector<128x128xf32>, vector<256x128xf32> -> vector<256x128xf32>
    %add3A_35 = arith.addf %add3A, %dot_general3A_34 : vector<256x128xf32>
    %add3A_36 = vector.broadcast %get3A_16 : vector<1x128xf32> to vector<256x128xf32>
    %add3A_37 = arith.addf %add3A_35, %add3A_36 : vector<256x128xf32>
    %logistic3A = arith.negf %add3A_37 : vector<256x128xf32>
    %logistic3A_38 = math.exp %logistic3A : vector<256x128xf32>
    %logistic3A_39 = arith.constant 1.000000e+00 : f32
    %logistic3A_40 = vector.broadcast %logistic3A_39 : f32 to vector<256x128xf32>
    %logistic3A_41 = arith.addf %logistic3A_40, %logistic3A_38 : vector<256x128xf32>
    %logistic3A_42 = arith.divf %logistic3A_40, %logistic3A_41 : vector<256x128xf32>
    %mul3A_43 = arith.mulf %logistic3A_42, %get3A_22 : vector<256x128xf32>
    %sub3A = arith.constant 1.000000e+00 : f32
    %sub3A_44 = vector.broadcast %sub3A : f32 to vector<256x128xf32>
    %sub3A_45 = arith.subf %sub3A_44, %logistic3A_42 : vector<256x128xf32>
    %mul3A_46 = arith.mulf %sub3A_45, %dot_general3A_28 : vector<256x128xf32>
    %add3A_47 = arith.addf %mul3A_43, %mul3A_46 : vector<256x128xf32>
    %mul3A_48 = arith.mulf %add3A_47, %add3A_47 : vector<256x128xf32>
    %dot_general3A_49 = arith.constant dense<0.000000e+00> : vector<256x128xf32>
    %dot_general3A_50 = tpu.matmul %mul3A_48, %get3A_13, %dot_general3A_49 {dimension_numbers = #tpu.dot_dimension_numbers<[1], [0], [0], [1], [0, 0, 1, 1], [], []>, transpose_lhs_hint = false} : vector<256x128xf32>, vector<128x128xf32>, vector<256x128xf32> -> vector<256x128xf32>
    %sqrt3A = math.sqrt %dot_general3A_50 : vector<256x128xf32>
    %max3A = arith.constant 9.99999996E-13 : f32
    %max3A_51 = vector.broadcast %max3A : f32 to vector<256x128xf32>
    %max3A_52 = arith.maximumf %sqrt3A, %max3A_51 : vector<256x128xf32>
    %div3A = arith.divf %add3A_47, %max3A_52 : vector<256x128xf32>
    %add3A_53 = arith.addf %broadcast_in_dim3A_17, %div3A : vector<256x128xf32>
    %get3A_54 = arith.constant 1 : index
    %get3A_55 = arith.constant 0 : index
    %get3A_56 = arith.constant 0 : index
    %get3A_57 = vector.load %arg1[%get3A_54, %get3A_55, %get3A_56] : memref<50x256x128xf32, #tpu.memory_space<vmem>>, vector<1x256x128xf32>
    %get3A_58 = vector.shape_cast %get3A_57 : vector<1x256x128xf32> to vector<256x128xf32>
    %get3A_59 = arith.constant 1 : index
    %get3A_60 = arith.constant 0 : index
    %get3A_61 = arith.constant 0 : index
    %get3A_62 = vector.load %arg2[%get3A_59, %get3A_60, %get3A_61] : memref<50x20x256xf32, #tpu.memory_space<vmem>>, vector<1x20x256xf32>
    %get3A_63 = vector.shape_cast %get3A_62 : vector<1x20x256xf32> to vector<20x256xf32>
    %dot_general3A_64 = arith.constant dense<0.000000e+00> : vector<256x128xf32>
    %dot_general3A_65 = tpu.matmul %get3A_63, %get3A_1, %dot_general3A_64 {dimension_numbers = #tpu.dot_dimension_numbers<[0], [0], [1], [1], [0, 1, 1, 1], [], []>, transpose_lhs_hint = false} : vector<20x256xf32>, vector<20x128xf32>, vector<256x128xf32> -> vector<256x128xf32>
    %mul3A_66 = arith.mulf %get3A_58, %dot_general3A_65 : vector<256x128xf32>
    %dot_general3A_67 = arith.constant dense<0.000000e+00> : vector<256x128xf32>
    %dot_general3A_68 = tpu.matmul %get3A_58, %get3A_4, %dot_general3A_67 {dimension_numbers = #tpu.dot_dimension_numbers<[1], [0], [0], [1], [0, 0, 1, 1], [], []>, transpose_lhs_hint = false} : vector<256x128xf32>, vector<128x128xf32>, vector<256x128xf32> -> vector<256x128xf32>
    %dot_general3A_69 = arith.constant dense<0.000000e+00> : vector<256x128xf32>
    %dot_general3A_70 = tpu.matmul %dot_general3A_65, %get3A_7, %dot_general3A_69 {dimension_numbers = #tpu.dot_dimension_numbers<[1], [0], [0], [1], [0, 0, 1, 1], [], []>, transpose_lhs_hint = false} : vector<256x128xf32>, vector<128x128xf32>, vector<256x128xf32> -> vector<256x128xf32>
    %add3A_71 = arith.addf %dot_general3A_68, %dot_general3A_70 : vector<256x128xf32>
    %dot_general3A_72 = arith.constant dense<0.000000e+00> : vector<256x128xf32>
    %dot_general3A_73 = tpu.matmul %mul3A_66, %get3A_10, %dot_general3A_72 {dimension_numbers = #tpu.dot_dimension_numbers<[1], [0], [0], [1], [0, 0, 1, 1], [], []>, transpose_lhs_hint = false} : vector<256x128xf32>, vector<128x128xf32>, vector<256x128xf32> -> vector<256x128xf32>
    %add3A_74 = arith.addf %add3A_71, %dot_general3A_73 : vector<256x128xf32>
    %add3A_75 = vector.broadcast %get3A_16 : vector<1x128xf32> to vector<256x128xf32>
    %add3A_76 = arith.addf %add3A_74, %add3A_75 : vector<256x128xf32>
    %logistic3A_77 = arith.negf %add3A_76 : vector<256x128xf32>
    %logistic3A_78 = math.exp %logistic3A_77 : vector<256x128xf32>
    %logistic3A_79 = arith.constant 1.000000e+00 : f32
    %logistic3A_80 = vector.broadcast %logistic3A_79 : f32 to vector<256x128xf32>
    %logistic3A_81 = arith.addf %logistic3A_80, %logistic3A_78 : vector<256x128xf32>
    %logistic3A_82 = arith.divf %logistic3A_80, %logistic3A_81 : vector<256x128xf32>
    %mul3A_83 = arith.mulf %logistic3A_82, %get3A_58 : vector<256x128xf32>
    %sub3A_84 = arith.constant 1.000000e+00 : f32
    %sub3A_85 = vector.broadcast %sub3A_84 : f32 to vector<256x128xf32>
    %sub3A_86 = arith.subf %sub3A_85, %logistic3A_82 : vector<256x128xf32>
    %mul3A_87 = arith.mulf %sub3A_86, %dot_general3A_65 : vector<256x128xf32>
    %add3A_88 = arith.addf %mul3A_83, %mul3A_87 : vector<256x128xf32>
    %mul3A_89 = arith.mulf %add3A_88, %add3A_88 : vector<256x128xf32>
    %dot_general3A_90 = arith.constant dense<0.000000e+00> : vector<256x128xf32>
    %dot_general3A_91 = tpu.matmul %mul3A_89, %get3A_13, %dot_general3A_90 {dimension_numbers = #tpu.dot_dimension_numbers<[1], [0], [0], [1], [0, 0, 1, 1], [], []>, transpose_lhs_hint = false} : vector<256x128xf32>, vector<128x128xf32>, vector<256x128xf32> -> vector<256x128xf32>
    %sqrt3A_92 = math.sqrt %dot_general3A_91 : vector<256x128xf32>
    %max3A_93 = arith.constant 9.99999996E-13 : f32
    %max3A_94 = vector.broadcast %max3A_93 : f32 to vector<256x128xf32>
    %max3A_95 = arith.maximumf %sqrt3A_92, %max3A_94 : vector<256x128xf32>
    %div3A_96 = arith.divf %add3A_88, %max3A_95 : vector<256x128xf32>
    %add3A_97 = arith.addf %add3A_53, %div3A_96 : vector<256x128xf32>
    %get3A_98 = arith.constant 2 : index
    %get3A_99 = arith.constant 0 : index
    %get3A_100 = arith.constant 0 : index
    %get3A_101 = vector.load %arg1[%get3A_98, %get3A_99, %get3A_100] : memref<50x256x128xf32, #tpu.memory_space<vmem>>, vector<1x256x128xf32>
    %get3A_102 = vector.shape_cast %get3A_101 : vector<1x256x128xf32> to vector<256x128xf32>
    %get3A_103 = arith.constant 2 : index
    %get3A_104 = arith.constant 0 : index
    %get3A_105 = arith.constant 0 : index
    %get3A_106 = vector.load %arg2[%get3A_103, %get3A_104, %get3A_105] : memref<50x20x256xf32, #tpu.memory_space<vmem>>, vector<1x20x256xf32>
    %get3A_107 = vector.shape_cast %get3A_106 : vector<1x20x256xf32> to vector<20x256xf32>
    %dot_general3A_108 = arith.constant dense<0.000000e+00> : vector<256x128xf32>
    %dot_general3A_109 = tpu.matmul %get3A_107, %get3A_1, %dot_general3A_108 {dimension_numbers = #tpu.dot_dimension_numbers<[0], [0], [1], [1], [0, 1, 1, 1], [], []>, transpose_lhs_hint = false} : vector<20x256xf32>, vector<20x128xf32>, vector<256x128xf32> -> vector<256x128xf32>
    %mul3A_110 = arith.mulf %get3A_102, %dot_general3A_109 : vector<256x128xf32>
    %dot_general3A_111 = arith.constant dense<0.000000e+00> : vector<256x128xf32>
    %dot_general3A_112 = tpu.matmul %get3A_102, %get3A_4, %dot_general3A_111 {dimension_numbers = #tpu.dot_dimension_numbers<[1], [0], [0], [1], [0, 0, 1, 1], [], []>, transpose_lhs_hint = false} : vector<256x128xf32>, vector<128x128xf32>, vector<256x128xf32> -> vector<256x128xf32>
    %dot_general3A_113 = arith.constant dense<0.000000e+00> : vector<256x128xf32>
    %dot_general3A_114 = tpu.matmul %dot_general3A_109, %get3A_7, %dot_general3A_113 {dimension_numbers = #tpu.dot_dimension_numbers<[1], [0], [0], [1], [0, 0, 1, 1], [], []>, transpose_lhs_hint = false} : vector<256x128xf32>, vector<128x128xf32>, vector<256x128xf32> -> vector<256x128xf32>
    %add3A_115 = arith.addf %dot_general3A_112, %dot_general3A_114 : vector<256x128xf32>
    %dot_general3A_116 = arith.constant dense<0.000000e+00> : vector<256x128xf32>
    %dot_general3A_117 = tpu.matmul %mul3A_110, %get3A_10, %dot_general3A_116 {dimension_numbers = #tpu.dot_dimension_numbers<[1], [0], [0], [1], [0, 0, 1, 1], [], []>, transpose_lhs_hint = false} : vector<256x128xf32>, vector<128x128xf32>, vector<256x128xf32> -> vector<256x128xf32>
    %add3A_118 = arith.addf %add3A_115, %dot_general3A_117 : vector<256x128xf32>
    %add3A_119 = vector.broadcast %get3A_16 : vector<1x128xf32> to vector<256x128xf32>
    %add3A_120 = arith.addf %add3A_118, %add3A_119 : vector<256x128xf32>
    %logistic3A_121 = arith.negf %add3A_120 : vector<256x128xf32>
    %logistic3A_122 = math.exp %logistic3A_121 : vector<256x128xf32>
    %logistic3A_123 = arith.constant 1.000000e+00 : f32
    %logistic3A_124 = vector.broadcast %logistic3A_123 : f32 to vector<256x128xf32>
    %logistic3A_125 = arith.addf %logistic3A_124, %logistic3A_122 : vector<256x128xf32>
    %logistic3A_126 = arith.divf %logistic3A_124, %logistic3A_125 : vector<256x128xf32>
    %mul3A_127 = arith.mulf %logistic3A_126, %get3A_102 : vector<256x128xf32>
    %sub3A_128 = arith.constant 1.000000e+00 : f32
    %sub3A_129 = vector.broadcast %sub3A_128 : f32 to vector<256x128xf32>
    %sub3A_130 = arith.subf %sub3A_129, %logistic3A_126 : vector<256x128xf32>
    %mul3A_131 = arith.mulf %sub3A_130, %dot_general3A_109 : vector<256x128xf32>
    %add3A_132 = arith.addf %mul3A_127, %mul3A_131 : vector<256x128xf32>
    %mul3A_133 = arith.mulf %add3A_132, %add3A_132 : vector<256x128xf32>
    %dot_general3A_134 = arith.constant dense<0.000000e+00> : vector<256x128xf32>
    %dot_general3A_135 = tpu.matmul %mul3A_133, %get3A_13, %dot_general3A_134 {dimension_numbers = #tpu.dot_dimension_numbers<[1], [0], [0], [1], [0, 0, 1, 1], [], []>, transpose_lhs_hint = false} : vector<256x128xf32>, vector<128x128xf32>, vector<256x128xf32> -> vector<256x128xf32>
    %sqrt3A_136 = math.sqrt %dot_general3A_135 : vector<256x128xf32>
    %max3A_137 = arith.constant 9.99999996E-13 : f32
    %max3A_138 = vector.broadcast %max3A_137 : f32 to vector<256x128xf32>
    %max3A_139 = arith.maximumf %sqrt3A_136, %max3A_138 : vector<256x128xf32>
    %div3A_140 = arith.divf %add3A_132, %max3A_139 : vector<256x128xf32>
    %add3A_141 = arith.addf %add3A_97, %div3A_140 : vector<256x128xf32>
    %get3A_142 = arith.constant 3 : index
    %get3A_143 = arith.constant 0 : index
    %get3A_144 = arith.constant 0 : index
    %get3A_145 = vector.load %arg1[%get3A_142, %get3A_143, %get3A_144] : memref<50x256x128xf32, #tpu.memory_space<vmem>>, vector<1x256x128xf32>
    %get3A_146 = vector.shape_cast %get3A_145 : vector<1x256x128xf32> to vector<256x128xf32>
    %get3A_147 = arith.constant 3 : index
    %get3A_148 = arith.constant 0 : index
    %get3A_149 = arith.constant 0 : index
    %get3A_150 = vector.load %arg2[%get3A_147, %get3A_148, %get3A_149] : memref<50x20x256xf32, #tpu.memory_space<vmem>>, vector<1x20x256xf32>
    %get3A_151 = vector.shape_cast %get3A_150 : vector<1x20x256xf32> to vector<20x256xf32>
    %dot_general3A_152 = arith.constant dense<0.000000e+00> : vector<256x128xf32>
    %dot_general3A_153 = tpu.matmul %get3A_151, %get3A_1, %dot_general3A_152 {dimension_numbers = #tpu.dot_dimension_numbers<[0], [0], [1], [1], [0, 1, 1, 1], [], []>, transpose_lhs_hint = false} : vector<20x256xf32>, vector<20x128xf32>, vector<256x128xf32> -> vector<256x128xf32>
    %mul3A_154 = arith.mulf %get3A_146, %dot_general3A_153 : vector<256x128xf32>
    %dot_general3A_155 = arith.constant dense<0.000000e+00> : vector<256x128xf32>
    %dot_general3A_156 = tpu.matmul %get3A_146, %get3A_4, %dot_general3A_155 {dimension_numbers = #tpu.dot_dimension_numbers<[1], [0], [0], [1], [0, 0, 1, 1], [], []>, transpose_lhs_hint = false} : vector<256x128xf32>, vector<128x128xf32>, vector<256x128xf32> -> vector<256x128xf32>
    %dot_general3A_157 = arith.constant dense<0.000000e+00> : vector<256x128xf32>
    %dot_general3A_158 = tpu.matmul %dot_general3A_153, %get3A_7, %dot_general3A_157 {dimension_numbers = #tpu.dot_dimension_numbers<[1], [0], [0], [1], [0, 0, 1, 1], [], []>, transpose_lhs_hint = false} : vector<256x128xf32>, vector<128x128xf32>, vector<256x128xf32> -> vector<256x128xf32>
    %add3A_159 = arith.addf %dot_general3A_156, %dot_general3A_158 : vector<256x128xf32>
    %dot_general3A_160 = arith.constant dense<0.000000e+00> : vector<256x128xf32>
    %dot_general3A_161 = tpu.matmul %mul3A_154, %get3A_10, %dot_general3A_160 {dimension_numbers = #tpu.dot_dimension_numbers<[1], [0], [0], [1], [0, 0, 1, 1], [], []>, transpose_lhs_hint = false} : vector<256x128xf32>, vector<128x128xf32>, vector<256x128xf32> -> vector<256x128xf32>
    %add3A_162 = arith.addf %add3A_159, %dot_general3A_161 : vector<256x128xf32>
    %add3A_163 = vector.broadcast %get3A_16 : vector<1x128xf32> to vector<256x128xf32>
    %add3A_164 = arith.addf %add3A_162, %add3A_163 : vector<256x128xf32>
    %logistic3A_165 = arith.negf %add3A_164 : vector<256x128xf32>
    %logistic3A_166 = math.exp %logistic3A_165 : vector<256x128xf32>
    %logistic3A_167 = arith.constant 1.000000e+00 : f32
    %logistic3A_168 = vector.broadcast %logistic3A_167 : f32 to vector<256x128xf32>
    %logistic3A_169 = arith.addf %logistic3A_168, %logistic3A_166 : vector<256x128xf32>
    %logistic3A_170 = arith.divf %logistic3A_168, %logistic3A_169 : vector<256x128xf32>
    %mul3A_171 = arith.mulf %logistic3A_170, %get3A_146 : vector<256x128xf32>
    %sub3A_172 = arith.constant 1.000000e+00 : f32
    %sub3A_173 = vector.broadcast %sub3A_172 : f32 to vector<256x128xf32>
    %sub3A_174 = arith.subf %sub3A_173, %logistic3A_170 : vector<256x128xf32>
    %mul3A_175 = arith.mulf %sub3A_174, %dot_general3A_153 : vector<256x128xf32>
    %add3A_176 = arith.addf %mul3A_171, %mul3A_175 : vector<256x128xf32>
    %mul3A_177 = arith.mulf %add3A_176, %add3A_176 : vector<256x128xf32>
    %dot_general3A_178 = arith.constant dense<0.000000e+00> : vector<256x128xf32>
    %dot_general3A_179 = tpu.matmul %mul3A_177, %get3A_13, %dot_general3A_178 {dimension_numbers = #tpu.dot_dimension_numbers<[1], [0], [0], [1], [0, 0, 1, 1], [], []>, transpose_lhs_hint = false} : vector<256x128xf32>, vector<128x128xf32>, vector<256x128xf32> -> vector<256x128xf32>
    %sqrt3A_180 = math.sqrt %dot_general3A_179 : vector<256x128xf32>
    %max3A_181 = arith.constant 9.99999996E-13 : f32
    %max3A_182 = vector.broadcast %max3A_181 : f32 to vector<256x128xf32>
    %max3A_183 = arith.maximumf %sqrt3A_180, %max3A_182 : vector<256x128xf32>
    %div3A_184 = arith.divf %add3A_176, %max3A_183 : vector<256x128xf32>
    %add3A_185 = arith.addf %add3A_141, %div3A_184 : vector<256x128xf32>
    %get3A_186 = arith.constant 4 : index
    %get3A_187 = arith.constant 0 : index
    %get3A_188 = arith.constant 0 : index
    %get3A_189 = vector.load %arg1[%get3A_186, %get3A_187, %get3A_188] : memref<50x256x128xf32, #tpu.memory_space<vmem>>, vector<1x256x128xf32>
    %get3A_190 = vector.shape_cast %get3A_189 : vector<1x256x128xf32> to vector<256x128xf32>
    %get3A_191 = arith.constant 4 : index
    %get3A_192 = arith.constant 0 : index
    %get3A_193 = arith.constant 0 : index
    %get3A_194 = vector.load %arg2[%get3A_191, %get3A_192, %get3A_193] : memref<50x20x256xf32, #tpu.memory_space<vmem>>, vector<1x20x256xf32>
    %get3A_195 = vector.shape_cast %get3A_194 : vector<1x20x256xf32> to vector<20x256xf32>
    %dot_general3A_196 = arith.constant dense<0.000000e+00> : vector<256x128xf32>
    %dot_general3A_197 = tpu.matmul %get3A_195, %get3A_1, %dot_general3A_196 {dimension_numbers = #tpu.dot_dimension_numbers<[0], [0], [1], [1], [0, 1, 1, 1], [], []>, transpose_lhs_hint = false} : vector<20x256xf32>, vector<20x128xf32>, vector<256x128xf32> -> vector<256x128xf32>
    %mul3A_198 = arith.mulf %get3A_190, %dot_general3A_197 : vector<256x128xf32>
    %dot_general3A_199 = arith.constant dense<0.000000e+00> : vector<256x128xf32>
    %dot_general3A_200 = tpu.matmul %get3A_190, %get3A_4, %dot_general3A_199 {dimension_numbers = #tpu.dot_dimension_numbers<[1], [0], [0], [1], [0, 0, 1, 1], [], []>, transpose_lhs_hint = false} : vector<256x128xf32>, vector<128x128xf32>, vector<256x128xf32> -> vector<256x128xf32>
    %dot_general3A_201 = arith.constant dense<0.000000e+00> : vector<256x128xf32>
    %dot_general3A_202 = tpu.matmul %dot_general3A_197, %get3A_7, %dot_general3A_201 {dimension_numbers = #tpu.dot_dimension_numbers<[1], [0], [0], [1], [0, 0, 1, 1], [], []>, transpose_lhs_hint = false} : vector<256x128xf32>, vector<128x128xf32>, vector<256x128xf32> -> vector<256x128xf32>
    %add3A_203 = arith.addf %dot_general3A_200, %dot_general3A_202 : vector<256x128xf32>
    %dot_general3A_204 = arith.constant dense<0.000000e+00> : vector<256x128xf32>
    %dot_general3A_205 = tpu.matmul %mul3A_198, %get3A_10, %dot_general3A_204 {dimension_numbers = #tpu.dot_dimension_numbers<[1], [0], [0], [1], [0, 0, 1, 1], [], []>, transpose_lhs_hint = false} : vector<256x128xf32>, vector<128x128xf32>, vector<256x128xf32> -> vector<256x128xf32>
    %add3A_206 = arith.addf %add3A_203, %dot_general3A_205 : vector<256x128xf32>
    %add3A_207 = vector.broadcast %get3A_16 : vector<1x128xf32> to vector<256x128xf32>
    %add3A_208 = arith.addf %add3A_206, %add3A_207 : vector<256x128xf32>
    %logistic3A_209 = arith.negf %add3A_208 : vector<256x128xf32>
    %logistic3A_210 = math.exp %logistic3A_209 : vector<256x128xf32>
    %logistic3A_211 = arith.constant 1.000000e+00 : f32
    %logistic3A_212 = vector.broadcast %logistic3A_211 : f32 to vector<256x128xf32>
    %logistic3A_213 = arith.addf %logistic3A_212, %logistic3A_210 : vector<256x128xf32>
    %logistic3A_214 = arith.divf %logistic3A_212, %logistic3A_213 : vector<256x128xf32>
    %mul3A_215 = arith.mulf %logistic3A_214, %get3A_190 : vector<256x128xf32>
    %sub3A_216 = arith.constant 1.000000e+00 : f32
    %sub3A_217 = vector.broadcast %sub3A_216 : f32 to vector<256x128xf32>
    %sub3A_218 = arith.subf %sub3A_217, %logistic3A_214 : vector<256x128xf32>
    %mul3A_219 = arith.mulf %sub3A_218, %dot_general3A_197 : vector<256x128xf32>
    %add3A_220 = arith.addf %mul3A_215, %mul3A_219 : vector<256x128xf32>
    %mul3A_221 = arith.mulf %add3A_220, %add3A_220 : vector<256x128xf32>
    %dot_general3A_222 = arith.constant dense<0.000000e+00> : vector<256x128xf32>
    %dot_general3A_223 = tpu.matmul %mul3A_221, %get3A_13, %dot_general3A_222 {dimension_numbers = #tpu.dot_dimension_numbers<[1], [0], [0], [1], [0, 0, 1, 1], [], []>, transpose_lhs_hint = false} : vector<256x128xf32>, vector<128x128xf32>, vector<256x128xf32> -> vector<256x128xf32>
    %sqrt3A_224 = math.sqrt %dot_general3A_223 : vector<256x128xf32>
    %max3A_225 = arith.constant 9.99999996E-13 : f32
    %max3A_226 = vector.broadcast %max3A_225 : f32 to vector<256x128xf32>
    %max3A_227 = arith.maximumf %sqrt3A_224, %max3A_226 : vector<256x128xf32>
    %div3A_228 = arith.divf %add3A_220, %max3A_227 : vector<256x128xf32>
    %add3A_229 = arith.addf %add3A_185, %div3A_228 : vector<256x128xf32>
    %get3A_230 = arith.constant 5 : index
    %get3A_231 = arith.constant 0 : index
    %get3A_232 = arith.constant 0 : index
    %get3A_233 = vector.load %arg1[%get3A_230, %get3A_231, %get3A_232] : memref<50x256x128xf32, #tpu.memory_space<vmem>>, vector<1x256x128xf32>
    %get3A_234 = vector.shape_cast %get3A_233 : vector<1x256x128xf32> to vector<256x128xf32>
    %get3A_235 = arith.constant 5 : index
    %get3A_236 = arith.constant 0 : index
    %get3A_237 = arith.constant 0 : index
    %get3A_238 = vector.load %arg2[%get3A_235, %get3A_236, %get3A_237] : memref<50x20x256xf32, #tpu.memory_space<vmem>>, vector<1x20x256xf32>
    %get3A_239 = vector.shape_cast %get3A_238 : vector<1x20x256xf32> to vector<20x256xf32>
    %dot_general3A_240 = arith.constant dense<0.000000e+00> : vector<256x128xf32>
    %dot_general3A_241 = tpu.matmul %get3A_239, %get3A_1, %dot_general3A_240 {dimension_numbers = #tpu.dot_dimension_numbers<[0], [0], [1], [1], [0, 1, 1, 1], [], []>, transpose_lhs_hint = false} : vector<20x256xf32>, vector<20x128xf32>, vector<256x128xf32> -> vector<256x128xf32>
    %mul3A_242 = arith.mulf %get3A_234, %dot_general3A_241 : vector<256x128xf32>
    %dot_general3A_243 = arith.constant dense<0.000000e+00> : vector<256x128xf32>
    %dot_general3A_244 = tpu.matmul %get3A_234, %get3A_4, %dot_general3A_243 {dimension_numbers = #tpu.dot_dimension_numbers<[1], [0], [0], [1], [0, 0, 1, 1], [], []>, transpose_lhs_hint = false} : vector<256x128xf32>, vector<128x128xf32>, vector<256x128xf32> -> vector<256x128xf32>
    %dot_general3A_245 = arith.constant dense<0.000000e+00> : vector<256x128xf32>
    %dot_general3A_246 = tpu.matmul %dot_general3A_241, %get3A_7, %dot_general3A_245 {dimension_numbers = #tpu.dot_dimension_numbers<[1], [0], [0], [1], [0, 0, 1, 1], [], []>, transpose_lhs_hint = false} : vector<256x128xf32>, vector<128x128xf32>, vector<256x128xf32> -> vector<256x128xf32>
    %add3A_247 = arith.addf %dot_general3A_244, %dot_general3A_246 : vector<256x128xf32>
    %dot_general3A_248 = arith.constant dense<0.000000e+00> : vector<256x128xf32>
    %dot_general3A_249 = tpu.matmul %mul3A_242, %get3A_10, %dot_general3A_248 {dimension_numbers = #tpu.dot_dimension_numbers<[1], [0], [0], [1], [0, 0, 1, 1], [], []>, transpose_lhs_hint = false} : vector<256x128xf32>, vector<128x128xf32>, vector<256x128xf32> -> vector<256x128xf32>
    %add3A_250 = arith.addf %add3A_247, %dot_general3A_249 : vector<256x128xf32>
    %add3A_251 = vector.broadcast %get3A_16 : vector<1x128xf32> to vector<256x128xf32>
    %add3A_252 = arith.addf %add3A_250, %add3A_251 : vector<256x128xf32>
    %logistic3A_253 = arith.negf %add3A_252 : vector<256x128xf32>
    %logistic3A_254 = math.exp %logistic3A_253 : vector<256x128xf32>
    %logistic3A_255 = arith.constant 1.000000e+00 : f32
    %logistic3A_256 = vector.broadcast %logistic3A_255 : f32 to vector<256x128xf32>
    %logistic3A_257 = arith.addf %logistic3A_256, %logistic3A_254 : vector<256x128xf32>
    %logistic3A_258 = arith.divf %logistic3A_256, %logistic3A_257 : vector<256x128xf32>
    %mul3A_259 = arith.mulf %logistic3A_258, %get3A_234 : vector<256x128xf32>
    %sub3A_260 = arith.constant 1.000000e+00 : f32
    %sub3A_261 = vector.broadcast %sub3A_260 : f32 to vector<256x128xf32>
    %sub3A_262 = arith.subf %sub3A_261, %logistic3A_258 : vector<256x128xf32>
    %mul3A_263 = arith.mulf %sub3A_262, %dot_general3A_241 : vector<256x128xf32>
    %add3A_264 = arith.addf %mul3A_259, %mul3A_263 : vector<256x128xf32>
    %mul3A_265 = arith.mulf %add3A_264, %add3A_264 : vector<256x128xf32>
    %dot_general3A_266 = arith.constant dense<0.000000e+00> : vector<256x128xf32>
    %dot_general3A_267 = tpu.matmul %mul3A_265, %get3A_13, %dot_general3A_266 {dimension_numbers = #tpu.dot_dimension_numbers<[1], [0], [0], [1], [0, 0, 1, 1], [], []>, transpose_lhs_hint = false} : vector<256x128xf32>, vector<128x128xf32>, vector<256x128xf32> -> vector<256x128xf32>
    %sqrt3A_268 = math.sqrt %dot_general3A_267 : vector<256x128xf32>
    %max3A_269 = arith.constant 9.99999996E-13 : f32
    %max3A_270 = vector.broadcast %max3A_269 : f32 to vector<256x128xf32>
    %max3A_271 = arith.maximumf %sqrt3A_268, %max3A_270 : vector<256x128xf32>
    %div3A_272 = arith.divf %add3A_264, %max3A_271 : vector<256x128xf32>
    %add3A_273 = arith.addf %add3A_229, %div3A_272 : vector<256x128xf32>
    %get3A_274 = arith.constant 6 : index
    %get3A_275 = arith.constant 0 : index
    %get3A_276 = arith.constant 0 : index
    %get3A_277 = vector.load %arg1[%get3A_274, %get3A_275, %get3A_276] : memref<50x256x128xf32, #tpu.memory_space<vmem>>, vector<1x256x128xf32>
    %get3A_278 = vector.shape_cast %get3A_277 : vector<1x256x128xf32> to vector<256x128xf32>
    %get3A_279 = arith.constant 6 : index
    %get3A_280 = arith.constant 0 : index
    %get3A_281 = arith.constant 0 : index
    %get3A_282 = vector.load %arg2[%get3A_279, %get3A_280, %get3A_281] : memref<50x20x256xf32, #tpu.memory_space<vmem>>, vector<1x20x256xf32>
    %get3A_283 = vector.shape_cast %get3A_282 : vector<1x20x256xf32> to vector<20x256xf32>
    %dot_general3A_284 = arith.constant dense<0.000000e+00> : vector<256x128xf32>
    %dot_general3A_285 = tpu.matmul %get3A_283, %get3A_1, %dot_general3A_284 {dimension_numbers = #tpu.dot_dimension_numbers<[0], [0], [1], [1], [0, 1, 1, 1], [], []>, transpose_lhs_hint = false} : vector<20x256xf32>, vector<20x128xf32>, vector<256x128xf32> -> vector<256x128xf32>
    %mul3A_286 = arith.mulf %get3A_278, %dot_general3A_285 : vector<256x128xf32>
    %dot_general3A_287 = arith.constant dense<0.000000e+00> : vector<256x128xf32>
    %dot_general3A_288 = tpu.matmul %get3A_278, %get3A_4, %dot_general3A_287 {dimension_numbers = #tpu.dot_dimension_numbers<[1], [0], [0], [1], [0, 0, 1, 1], [], []>, transpose_lhs_hint = false} : vector<256x128xf32>, vector<128x128xf32>, vector<256x128xf32> -> vector<256x128xf32>
    %dot_general3A_289 = arith.constant dense<0.000000e+00> : vector<256x128xf32>
    %dot_general3A_290 = tpu.matmul %dot_general3A_285, %get3A_7, %dot_general3A_289 {dimension_numbers = #tpu.dot_dimension_numbers<[1], [0], [0], [1], [0, 0, 1, 1], [], []>, transpose_lhs_hint = false} : vector<256x128xf32>, vector<128x128xf32>, vector<256x128xf32> -> vector<256x128xf32>
    %add3A_291 = arith.addf %dot_general3A_288, %dot_general3A_290 : vector<256x128xf32>
    %dot_general3A_292 = arith.constant dense<0.000000e+00> : vector<256x128xf32>
    %dot_general3A_293 = tpu.matmul %mul3A_286, %get3A_10, %dot_general3A_292 {dimension_numbers = #tpu.dot_dimension_numbers<[1], [0], [0], [1], [0, 0, 1, 1], [], []>, transpose_lhs_hint = false} : vector<256x128xf32>, vector<128x128xf32>, vector<256x128xf32> -> vector<256x128xf32>
    %add3A_294 = arith.addf %add3A_291, %dot_general3A_293 : vector<256x128xf32>
    %add3A_295 = vector.broadcast %get3A_16 : vector<1x128xf32> to vector<256x128xf32>
    %add3A_296 = arith.addf %add3A_294, %add3A_295 : vector<256x128xf32>
    %logistic3A_297 = arith.negf %add3A_296 : vector<256x128xf32>
    %logistic3A_298 = math.exp %logistic3A_297 : vector<256x128xf32>
    %logistic3A_299 = arith.constant 1.000000e+00 : f32
    %logistic3A_300 = vector.broadcast %logistic3A_299 : f32 to vector<256x128xf32>
    %logistic3A_301 = arith.addf %logistic3A_300, %logistic3A_298 : vector<256x128xf32>
    %logistic3A_302 = arith.divf %logistic3A_300, %logistic3A_301 : vector<256x128xf32>
    %mul3A_303 = arith.mulf %logistic3A_302, %get3A_278 : vector<256x128xf32>
    %sub3A_304 = arith.constant 1.000000e+00 : f32
    %sub3A_305 = vector.broadcast %sub3A_304 : f32 to vector<256x128xf32>
    %sub3A_306 = arith.subf %sub3A_305, %logistic3A_302 : vector<256x128xf32>
    %mul3A_307 = arith.mulf %sub3A_306, %dot_general3A_285 : vector<256x128xf32>
    %add3A_308 = arith.addf %mul3A_303, %mul3A_307 : vector<256x128xf32>
    %mul3A_309 = arith.mulf %add3A_308, %add3A_308 : vector<256x128xf32>
    %dot_general3A_310 = arith.constant dense<0.000000e+00> : vector<256x128xf32>
    %dot_general3A_311 = tpu.matmul %mul3A_309, %get3A_13, %dot_general3A_310 {dimension_numbers = #tpu.dot_dimension_numbers<[1], [0], [0], [1], [0, 0, 1, 1], [], []>, transpose_lhs_hint = false} : vector<256x128xf32>, vector<128x128xf32>, vector<256x128xf32> -> vector<256x128xf32>
    %sqrt3A_312 = math.sqrt %dot_general3A_311 : vector<256x128xf32>
    %max3A_313 = arith.constant 9.99999996E-13 : f32
    %max3A_314 = vector.broadcast %max3A_313 : f32 to vector<256x128xf32>
    %max3A_315 = arith.maximumf %sqrt3A_312, %max3A_314 : vector<256x128xf32>
    %div3A_316 = arith.divf %add3A_308, %max3A_315 : vector<256x128xf32>
    %add3A_317 = arith.addf %add3A_273, %div3A_316 : vector<256x128xf32>
    %get3A_318 = arith.constant 7 : index
    %get3A_319 = arith.constant 0 : index
    %get3A_320 = arith.constant 0 : index
    %get3A_321 = vector.load %arg1[%get3A_318, %get3A_319, %get3A_320] : memref<50x256x128xf32, #tpu.memory_space<vmem>>, vector<1x256x128xf32>
    %get3A_322 = vector.shape_cast %get3A_321 : vector<1x256x128xf32> to vector<256x128xf32>
    %get3A_323 = arith.constant 7 : index
    %get3A_324 = arith.constant 0 : index
    %get3A_325 = arith.constant 0 : index
    %get3A_326 = vector.load %arg2[%get3A_323, %get3A_324, %get3A_325] : memref<50x20x256xf32, #tpu.memory_space<vmem>>, vector<1x20x256xf32>
    %get3A_327 = vector.shape_cast %get3A_326 : vector<1x20x256xf32> to vector<20x256xf32>
    %dot_general3A_328 = arith.constant dense<0.000000e+00> : vector<256x128xf32>
    %dot_general3A_329 = tpu.matmul %get3A_327, %get3A_1, %dot_general3A_328 {dimension_numbers = #tpu.dot_dimension_numbers<[0], [0], [1], [1], [0, 1, 1, 1], [], []>, transpose_lhs_hint = false} : vector<20x256xf32>, vector<20x128xf32>, vector<256x128xf32> -> vector<256x128xf32>
    %mul3A_330 = arith.mulf %get3A_322, %dot_general3A_329 : vector<256x128xf32>
    %dot_general3A_331 = arith.constant dense<0.000000e+00> : vector<256x128xf32>
    %dot_general3A_332 = tpu.matmul %get3A_322, %get3A_4, %dot_general3A_331 {dimension_numbers = #tpu.dot_dimension_numbers<[1], [0], [0], [1], [0, 0, 1, 1], [], []>, transpose_lhs_hint = false} : vector<256x128xf32>, vector<128x128xf32>, vector<256x128xf32> -> vector<256x128xf32>
    %dot_general3A_333 = arith.constant dense<0.000000e+00> : vector<256x128xf32>
    %dot_general3A_334 = tpu.matmul %dot_general3A_329, %get3A_7, %dot_general3A_333 {dimension_numbers = #tpu.dot_dimension_numbers<[1], [0], [0], [1], [0, 0, 1, 1], [], []>, transpose_lhs_hint = false} : vector<256x128xf32>, vector<128x128xf32>, vector<256x128xf32> -> vector<256x128xf32>
    %add3A_335 = arith.addf %dot_general3A_332, %dot_general3A_334 : vector<256x128xf32>
    %dot_general3A_336 = arith.constant dense<0.000000e+00> : vector<256x128xf32>
    %dot_general3A_337 = tpu.matmul %mul3A_330, %get3A_10, %dot_general3A_336 {dimension_numbers = #tpu.dot_dimension_numbers<[1], [0], [0], [1], [0, 0, 1, 1], [], []>, transpose_lhs_hint = false} : vector<256x128xf32>, vector<128x128xf32>, vector<256x128xf32> -> vector<256x128xf32>
    %add3A_338 = arith.addf %add3A_335, %dot_general3A_337 : vector<256x128xf32>
    %add3A_339 = vector.broadcast %get3A_16 : vector<1x128xf32> to vector<256x128xf32>
    %add3A_340 = arith.addf %add3A_338, %add3A_339 : vector<256x128xf32>
    %logistic3A_341 = arith.negf %add3A_340 : vector<256x128xf32>
    %logistic3A_342 = math.exp %logistic3A_341 : vector<256x128xf32>
    %logistic3A_343 = arith.constant 1.000000e+00 : f32
    %logistic3A_344 = vector.broadcast %logistic3A_343 : f32 to vector<256x128xf32>
    %logistic3A_345 = arith.addf %logistic3A_344, %logistic3A_342 : vector<256x128xf32>
    %logistic3A_346 = arith.divf %logistic3A_344, %logistic3A_345 : vector<256x128xf32>
    %mul3A_347 = arith.mulf %logistic3A_346, %get3A_322 : vector<256x128xf32>
    %sub3A_348 = arith.constant 1.000000e+00 : f32
    %sub3A_349 = vector.broadcast %sub3A_348 : f32 to vector<256x128xf32>
    %sub3A_350 = arith.subf %sub3A_349, %logistic3A_346 : vector<256x128xf32>
    %mul3A_351 = arith.mulf %sub3A_350, %dot_general3A_329 : vector<256x128xf32>
    %add3A_352 = arith.addf %mul3A_347, %mul3A_351 : vector<256x128xf32>
    %mul3A_353 = arith.mulf %add3A_352, %add3A_352 : vector<256x128xf32>
    %dot_general3A_354 = arith.constant dense<0.000000e+00> : vector<256x128xf32>
    %dot_general3A_355 = tpu.matmul %mul3A_353, %get3A_13, %dot_general3A_354 {dimension_numbers = #tpu.dot_dimension_numbers<[1], [0], [0], [1], [0, 0, 1, 1], [], []>, transpose_lhs_hint = false} : vector<256x128xf32>, vector<128x128xf32>, vector<256x128xf32> -> vector<256x128xf32>
    %sqrt3A_356 = math.sqrt %dot_general3A_355 : vector<256x128xf32>
    %max3A_357 = arith.constant 9.99999996E-13 : f32
    %max3A_358 = vector.broadcast %max3A_357 : f32 to vector<256x128xf32>
    %max3A_359 = arith.maximumf %sqrt3A_356, %max3A_358 : vector<256x128xf32>
    %div3A_360 = arith.divf %add3A_352, %max3A_359 : vector<256x128xf32>
    %add3A_361 = arith.addf %add3A_317, %div3A_360 : vector<256x128xf32>
    %get3A_362 = arith.constant 8 : index
    %get3A_363 = arith.constant 0 : index
    %get3A_364 = arith.constant 0 : index
    %get3A_365 = vector.load %arg1[%get3A_362, %get3A_363, %get3A_364] : memref<50x256x128xf32, #tpu.memory_space<vmem>>, vector<1x256x128xf32>
    %get3A_366 = vector.shape_cast %get3A_365 : vector<1x256x128xf32> to vector<256x128xf32>
    %get3A_367 = arith.constant 8 : index
    %get3A_368 = arith.constant 0 : index
    %get3A_369 = arith.constant 0 : index
    %get3A_370 = vector.load %arg2[%get3A_367, %get3A_368, %get3A_369] : memref<50x20x256xf32, #tpu.memory_space<vmem>>, vector<1x20x256xf32>
    %get3A_371 = vector.shape_cast %get3A_370 : vector<1x20x256xf32> to vector<20x256xf32>
    %dot_general3A_372 = arith.constant dense<0.000000e+00> : vector<256x128xf32>
    %dot_general3A_373 = tpu.matmul %get3A_371, %get3A_1, %dot_general3A_372 {dimension_numbers = #tpu.dot_dimension_numbers<[0], [0], [1], [1], [0, 1, 1, 1], [], []>, transpose_lhs_hint = false} : vector<20x256xf32>, vector<20x128xf32>, vector<256x128xf32> -> vector<256x128xf32>
    %mul3A_374 = arith.mulf %get3A_366, %dot_general3A_373 : vector<256x128xf32>
    %dot_general3A_375 = arith.constant dense<0.000000e+00> : vector<256x128xf32>
    %dot_general3A_376 = tpu.matmul %get3A_366, %get3A_4, %dot_general3A_375 {dimension_numbers = #tpu.dot_dimension_numbers<[1], [0], [0], [1], [0, 0, 1, 1], [], []>, transpose_lhs_hint = false} : vector<256x128xf32>, vector<128x128xf32>, vector<256x128xf32> -> vector<256x128xf32>
    %dot_general3A_377 = arith.constant dense<0.000000e+00> : vector<256x128xf32>
    %dot_general3A_378 = tpu.matmul %dot_general3A_373, %get3A_7, %dot_general3A_377 {dimension_numbers = #tpu.dot_dimension_numbers<[1], [0], [0], [1], [0, 0, 1, 1], [], []>, transpose_lhs_hint = false} : vector<256x128xf32>, vector<128x128xf32>, vector<256x128xf32> -> vector<256x128xf32>
    %add3A_379 = arith.addf %dot_general3A_376, %dot_general3A_378 : vector<256x128xf32>
    %dot_general3A_380 = arith.constant dense<0.000000e+00> : vector<256x128xf32>
    %dot_general3A_381 = tpu.matmul %mul3A_374, %get3A_10, %dot_general3A_380 {dimension_numbers = #tpu.dot_dimension_numbers<[1], [0], [0], [1], [0, 0, 1, 1], [], []>, transpose_lhs_hint = false} : vector<256x128xf32>, vector<128x128xf32>, vector<256x128xf32> -> vector<256x128xf32>
    %add3A_382 = arith.addf %add3A_379, %dot_general3A_381 : vector<256x128xf32>
    %add3A_383 = vector.broadcast %get3A_16 : vector<1x128xf32> to vector<256x128xf32>
    %add3A_384 = arith.addf %add3A_382, %add3A_383 : vector<256x128xf32>
    %logistic3A_385 = arith.negf %add3A_384 : vector<256x128xf32>
    %logistic3A_386 = math.exp %logistic3A_385 : vector<256x128xf32>
    %logistic3A_387 = arith.constant 1.000000e+00 : f32
    %logistic3A_388 = vector.broadcast %logistic3A_387 : f32 to vector<256x128xf32>
    %logistic3A_389 = arith.addf %logistic3A_388, %logistic3A_386 : vector<256x128xf32>
    %logistic3A_390 = arith.divf %logistic3A_388, %logistic3A_389 : vector<256x128xf32>
    %mul3A_391 = arith.mulf %logistic3A_390, %get3A_366 : vector<256x128xf32>
    %sub3A_392 = arith.constant 1.000000e+00 : f32
    %sub3A_393 = vector.broadcast %sub3A_392 : f32 to vector<256x128xf32>
    %sub3A_394 = arith.subf %sub3A_393, %logistic3A_390 : vector<256x128xf32>
    %mul3A_395 = arith.mulf %sub3A_394, %dot_general3A_373 : vector<256x128xf32>
    %add3A_396 = arith.addf %mul3A_391, %mul3A_395 : vector<256x128xf32>
    %mul3A_397 = arith.mulf %add3A_396, %add3A_396 : vector<256x128xf32>
    %dot_general3A_398 = arith.constant dense<0.000000e+00> : vector<256x128xf32>
    %dot_general3A_399 = tpu.matmul %mul3A_397, %get3A_13, %dot_general3A_398 {dimension_numbers = #tpu.dot_dimension_numbers<[1], [0], [0], [1], [0, 0, 1, 1], [], []>, transpose_lhs_hint = false} : vector<256x128xf32>, vector<128x128xf32>, vector<256x128xf32> -> vector<256x128xf32>
    %sqrt3A_400 = math.sqrt %dot_general3A_399 : vector<256x128xf32>
    %max3A_401 = arith.constant 9.99999996E-13 : f32
    %max3A_402 = vector.broadcast %max3A_401 : f32 to vector<256x128xf32>
    %max3A_403 = arith.maximumf %sqrt3A_400, %max3A_402 : vector<256x128xf32>
    %div3A_404 = arith.divf %add3A_396, %max3A_403 : vector<256x128xf32>
    %add3A_405 = arith.addf %add3A_361, %div3A_404 : vector<256x128xf32>
    %get3A_406 = arith.constant 9 : index
    %get3A_407 = arith.constant 0 : index
    %get3A_408 = arith.constant 0 : index
    %get3A_409 = vector.load %arg1[%get3A_406, %get3A_407, %get3A_408] : memref<50x256x128xf32, #tpu.memory_space<vmem>>, vector<1x256x128xf32>
    %get3A_410 = vector.shape_cast %get3A_409 : vector<1x256x128xf32> to vector<256x128xf32>
    %get3A_411 = arith.constant 9 : index
    %get3A_412 = arith.constant 0 : index
    %get3A_413 = arith.constant 0 : index
    %get3A_414 = vector.load %arg2[%get3A_411, %get3A_412, %get3A_413] : memref<50x20x256xf32, #tpu.memory_space<vmem>>, vector<1x20x256xf32>
    %get3A_415 = vector.shape_cast %get3A_414 : vector<1x20x256xf32> to vector<20x256xf32>
    %dot_general3A_416 = arith.constant dense<0.000000e+00> : vector<256x128xf32>
    %dot_general3A_417 = tpu.matmul %get3A_415, %get3A_1, %dot_general3A_416 {dimension_numbers = #tpu.dot_dimension_numbers<[0], [0], [1], [1], [0, 1, 1, 1], [], []>, transpose_lhs_hint = false} : vector<20x256xf32>, vector<20x128xf32>, vector<256x128xf32> -> vector<256x128xf32>
    %mul3A_418 = arith.mulf %get3A_410, %dot_general3A_417 : vector<256x128xf32>
    %dot_general3A_419 = arith.constant dense<0.000000e+00> : vector<256x128xf32>
    %dot_general3A_420 = tpu.matmul %get3A_410, %get3A_4, %dot_general3A_419 {dimension_numbers = #tpu.dot_dimension_numbers<[1], [0], [0], [1], [0, 0, 1, 1], [], []>, transpose_lhs_hint = false} : vector<256x128xf32>, vector<128x128xf32>, vector<256x128xf32> -> vector<256x128xf32>
    %dot_general3A_421 = arith.constant dense<0.000000e+00> : vector<256x128xf32>
    %dot_general3A_422 = tpu.matmul %dot_general3A_417, %get3A_7, %dot_general3A_421 {dimension_numbers = #tpu.dot_dimension_numbers<[1], [0], [0], [1], [0, 0, 1, 1], [], []>, transpose_lhs_hint = false} : vector<256x128xf32>, vector<128x128xf32>, vector<256x128xf32> -> vector<256x128xf32>
    %add3A_423 = arith.addf %dot_general3A_420, %dot_general3A_422 : vector<256x128xf32>
    %dot_general3A_424 = arith.constant dense<0.000000e+00> : vector<256x128xf32>
    %dot_general3A_425 = tpu.matmul %mul3A_418, %get3A_10, %dot_general3A_424 {dimension_numbers = #tpu.dot_dimension_numbers<[1], [0], [0], [1], [0, 0, 1, 1], [], []>, transpose_lhs_hint = false} : vector<256x128xf32>, vector<128x128xf32>, vector<256x128xf32> -> vector<256x128xf32>
    %add3A_426 = arith.addf %add3A_423, %dot_general3A_425 : vector<256x128xf32>
    %add3A_427 = vector.broadcast %get3A_16 : vector<1x128xf32> to vector<256x128xf32>
    %add3A_428 = arith.addf %add3A_426, %add3A_427 : vector<256x128xf32>
    %logistic3A_429 = arith.negf %add3A_428 : vector<256x128xf32>
    %logistic3A_430 = math.exp %logistic3A_429 : vector<256x128xf32>
    %logistic3A_431 = arith.constant 1.000000e+00 : f32
    %logistic3A_432 = vector.broadcast %logistic3A_431 : f32 to vector<256x128xf32>
    %logistic3A_433 = arith.addf %logistic3A_432, %logistic3A_430 : vector<256x128xf32>
    %logistic3A_434 = arith.divf %logistic3A_432, %logistic3A_433 : vector<256x128xf32>
    %mul3A_435 = arith.mulf %logistic3A_434, %get3A_410 : vector<256x128xf32>
    %sub3A_436 = arith.constant 1.000000e+00 : f32
    %sub3A_437 = vector.broadcast %sub3A_436 : f32 to vector<256x128xf32>
    %sub3A_438 = arith.subf %sub3A_437, %logistic3A_434 : vector<256x128xf32>
    %mul3A_439 = arith.mulf %sub3A_438, %dot_general3A_417 : vector<256x128xf32>
    %add3A_440 = arith.addf %mul3A_435, %mul3A_439 : vector<256x128xf32>
    %mul3A_441 = arith.mulf %add3A_440, %add3A_440 : vector<256x128xf32>
    %dot_general3A_442 = arith.constant dense<0.000000e+00> : vector<256x128xf32>
    %dot_general3A_443 = tpu.matmul %mul3A_441, %get3A_13, %dot_general3A_442 {dimension_numbers = #tpu.dot_dimension_numbers<[1], [0], [0], [1], [0, 0, 1, 1], [], []>, transpose_lhs_hint = false} : vector<256x128xf32>, vector<128x128xf32>, vector<256x128xf32> -> vector<256x128xf32>
    %sqrt3A_444 = math.sqrt %dot_general3A_443 : vector<256x128xf32>
    %max3A_445 = arith.constant 9.99999996E-13 : f32
    %max3A_446 = vector.broadcast %max3A_445 : f32 to vector<256x128xf32>
    %max3A_447 = arith.maximumf %sqrt3A_444, %max3A_446 : vector<256x128xf32>
    %div3A_448 = arith.divf %add3A_440, %max3A_447 : vector<256x128xf32>
    %add3A_449 = arith.addf %add3A_405, %div3A_448 : vector<256x128xf32>
    %get3A_450 = arith.constant 10 : index
    %get3A_451 = arith.constant 0 : index
    %get3A_452 = arith.constant 0 : index
    %get3A_453 = vector.load %arg1[%get3A_450, %get3A_451, %get3A_452] : memref<50x256x128xf32, #tpu.memory_space<vmem>>, vector<1x256x128xf32>
    %get3A_454 = vector.shape_cast %get3A_453 : vector<1x256x128xf32> to vector<256x128xf32>
    %get3A_455 = arith.constant 10 : index
    %get3A_456 = arith.constant 0 : index
    %get3A_457 = arith.constant 0 : index
    %get3A_458 = vector.load %arg2[%get3A_455, %get3A_456, %get3A_457] : memref<50x20x256xf32, #tpu.memory_space<vmem>>, vector<1x20x256xf32>
    %get3A_459 = vector.shape_cast %get3A_458 : vector<1x20x256xf32> to vector<20x256xf32>
    %dot_general3A_460 = arith.constant dense<0.000000e+00> : vector<256x128xf32>
    %dot_general3A_461 = tpu.matmul %get3A_459, %get3A_1, %dot_general3A_460 {dimension_numbers = #tpu.dot_dimension_numbers<[0], [0], [1], [1], [0, 1, 1, 1], [], []>, transpose_lhs_hint = false} : vector<20x256xf32>, vector<20x128xf32>, vector<256x128xf32> -> vector<256x128xf32>
    %mul3A_462 = arith.mulf %get3A_454, %dot_general3A_461 : vector<256x128xf32>
    %dot_general3A_463 = arith.constant dense<0.000000e+00> : vector<256x128xf32>
    %dot_general3A_464 = tpu.matmul %get3A_454, %get3A_4, %dot_general3A_463 {dimension_numbers = #tpu.dot_dimension_numbers<[1], [0], [0], [1], [0, 0, 1, 1], [], []>, transpose_lhs_hint = false} : vector<256x128xf32>, vector<128x128xf32>, vector<256x128xf32> -> vector<256x128xf32>
    %dot_general3A_465 = arith.constant dense<0.000000e+00> : vector<256x128xf32>
    %dot_general3A_466 = tpu.matmul %dot_general3A_461, %get3A_7, %dot_general3A_465 {dimension_numbers = #tpu.dot_dimension_numbers<[1], [0], [0], [1], [0, 0, 1, 1], [], []>, transpose_lhs_hint = false} : vector<256x128xf32>, vector<128x128xf32>, vector<256x128xf32> -> vector<256x128xf32>
    %add3A_467 = arith.addf %dot_general3A_464, %dot_general3A_466 : vector<256x128xf32>
    %dot_general3A_468 = arith.constant dense<0.000000e+00> : vector<256x128xf32>
    %dot_general3A_469 = tpu.matmul %mul3A_462, %get3A_10, %dot_general3A_468 {dimension_numbers = #tpu.dot_dimension_numbers<[1], [0], [0], [1], [0, 0, 1, 1], [], []>, transpose_lhs_hint = false} : vector<256x128xf32>, vector<128x128xf32>, vector<256x128xf32> -> vector<256x128xf32>
    %add3A_470 = arith.addf %add3A_467, %dot_general3A_469 : vector<256x128xf32>
    %add3A_471 = vector.broadcast %get3A_16 : vector<1x128xf32> to vector<256x128xf32>
    %add3A_472 = arith.addf %add3A_470, %add3A_471 : vector<256x128xf32>
    %logistic3A_473 = arith.negf %add3A_472 : vector<256x128xf32>
    %logistic3A_474 = math.exp %logistic3A_473 : vector<256x128xf32>
    %logistic3A_475 = arith.constant 1.000000e+00 : f32
    %logistic3A_476 = vector.broadcast %logistic3A_475 : f32 to vector<256x128xf32>
    %logistic3A_477 = arith.addf %logistic3A_476, %logistic3A_474 : vector<256x128xf32>
    %logistic3A_478 = arith.divf %logistic3A_476, %logistic3A_477 : vector<256x128xf32>
    %mul3A_479 = arith.mulf %logistic3A_478, %get3A_454 : vector<256x128xf32>
    %sub3A_480 = arith.constant 1.000000e+00 : f32
    %sub3A_481 = vector.broadcast %sub3A_480 : f32 to vector<256x128xf32>
    %sub3A_482 = arith.subf %sub3A_481, %logistic3A_478 : vector<256x128xf32>
    %mul3A_483 = arith.mulf %sub3A_482, %dot_general3A_461 : vector<256x128xf32>
    %add3A_484 = arith.addf %mul3A_479, %mul3A_483 : vector<256x128xf32>
    %mul3A_485 = arith.mulf %add3A_484, %add3A_484 : vector<256x128xf32>
    %dot_general3A_486 = arith.constant dense<0.000000e+00> : vector<256x128xf32>
    %dot_general3A_487 = tpu.matmul %mul3A_485, %get3A_13, %dot_general3A_486 {dimension_numbers = #tpu.dot_dimension_numbers<[1], [0], [0], [1], [0, 0, 1, 1], [], []>, transpose_lhs_hint = false} : vector<256x128xf32>, vector<128x128xf32>, vector<256x128xf32> -> vector<256x128xf32>
    %sqrt3A_488 = math.sqrt %dot_general3A_487 : vector<256x128xf32>
    %max3A_489 = arith.constant 9.99999996E-13 : f32
    %max3A_490 = vector.broadcast %max3A_489 : f32 to vector<256x128xf32>
    %max3A_491 = arith.maximumf %sqrt3A_488, %max3A_490 : vector<256x128xf32>
    %div3A_492 = arith.divf %add3A_484, %max3A_491 : vector<256x128xf32>
    %add3A_493 = arith.addf %add3A_449, %div3A_492 : vector<256x128xf32>
    %get3A_494 = arith.constant 11 : index
    %get3A_495 = arith.constant 0 : index
    %get3A_496 = arith.constant 0 : index
    %get3A_497 = vector.load %arg1[%get3A_494, %get3A_495, %get3A_496] : memref<50x256x128xf32, #tpu.memory_space<vmem>>, vector<1x256x128xf32>
    %get3A_498 = vector.shape_cast %get3A_497 : vector<1x256x128xf32> to vector<256x128xf32>
    %get3A_499 = arith.constant 11 : index
    %get3A_500 = arith.constant 0 : index
    %get3A_501 = arith.constant 0 : index
    %get3A_502 = vector.load %arg2[%get3A_499, %get3A_500, %get3A_501] : memref<50x20x256xf32, #tpu.memory_space<vmem>>, vector<1x20x256xf32>
    %get3A_503 = vector.shape_cast %get3A_502 : vector<1x20x256xf32> to vector<20x256xf32>
    %dot_general3A_504 = arith.constant dense<0.000000e+00> : vector<256x128xf32>
    %dot_general3A_505 = tpu.matmul %get3A_503, %get3A_1, %dot_general3A_504 {dimension_numbers = #tpu.dot_dimension_numbers<[0], [0], [1], [1], [0, 1, 1, 1], [], []>, transpose_lhs_hint = false} : vector<20x256xf32>, vector<20x128xf32>, vector<256x128xf32> -> vector<256x128xf32>
    %mul3A_506 = arith.mulf %get3A_498, %dot_general3A_505 : vector<256x128xf32>
    %dot_general3A_507 = arith.constant dense<0.000000e+00> : vector<256x128xf32>
    %dot_general3A_508 = tpu.matmul %get3A_498, %get3A_4, %dot_general3A_507 {dimension_numbers = #tpu.dot_dimension_numbers<[1], [0], [0], [1], [0, 0, 1, 1], [], []>, transpose_lhs_hint = false} : vector<256x128xf32>, vector<128x128xf32>, vector<256x128xf32> -> vector<256x128xf32>
    %dot_general3A_509 = arith.constant dense<0.000000e+00> : vector<256x128xf32>
    %dot_general3A_510 = tpu.matmul %dot_general3A_505, %get3A_7, %dot_general3A_509 {dimension_numbers = #tpu.dot_dimension_numbers<[1], [0], [0], [1], [0, 0, 1, 1], [], []>, transpose_lhs_hint = false} : vector<256x128xf32>, vector<128x128xf32>, vector<256x128xf32> -> vector<256x128xf32>
    %add3A_511 = arith.addf %dot_general3A_508, %dot_general3A_510 : vector<256x128xf32>
    %dot_general3A_512 = arith.constant dense<0.000000e+00> : vector<256x128xf32>
    %dot_general3A_513 = tpu.matmul %mul3A_506, %get3A_10, %dot_general3A_512 {dimension_numbers = #tpu.dot_dimension_numbers<[1], [0], [0], [1], [0, 0, 1, 1], [], []>, transpose_lhs_hint = false} : vector<256x128xf32>, vector<128x128xf32>, vector<256x128xf32> -> vector<256x128xf32>
    %add3A_514 = arith.addf %add3A_511, %dot_general3A_513 : vector<256x128xf32>
    %add3A_515 = vector.broadcast %get3A_16 : vector<1x128xf32> to vector<256x128xf32>
    %add3A_516 = arith.addf %add3A_514, %add3A_515 : vector<256x128xf32>
    %logistic3A_517 = arith.negf %add3A_516 : vector<256x128xf32>
    %logistic3A_518 = math.exp %logistic3A_517 : vector<256x128xf32>
    %logistic3A_519 = arith.constant 1.000000e+00 : f32
    %logistic3A_520 = vector.broadcast %logistic3A_519 : f32 to vector<256x128xf32>
    %logistic3A_521 = arith.addf %logistic3A_520, %logistic3A_518 : vector<256x128xf32>
    %logistic3A_522 = arith.divf %logistic3A_520, %logistic3A_521 : vector<256x128xf32>
    %mul3A_523 = arith.mulf %logistic3A_522, %get3A_498 : vector<256x128xf32>
    %sub3A_524 = arith.constant 1.000000e+00 : f32
    %sub3A_525 = vector.broadcast %sub3A_524 : f32 to vector<256x128xf32>
    %sub3A_526 = arith.subf %sub3A_525, %logistic3A_522 : vector<256x128xf32>
    %mul3A_527 = arith.mulf %sub3A_526, %dot_general3A_505 : vector<256x128xf32>
    %add3A_528 = arith.addf %mul3A_523, %mul3A_527 : vector<256x128xf32>
    %mul3A_529 = arith.mulf %add3A_528, %add3A_528 : vector<256x128xf32>
    %dot_general3A_530 = arith.constant dense<0.000000e+00> : vector<256x128xf32>
    %dot_general3A_531 = tpu.matmul %mul3A_529, %get3A_13, %dot_general3A_530 {dimension_numbers = #tpu.dot_dimension_numbers<[1], [0], [0], [1], [0, 0, 1, 1], [], []>, transpose_lhs_hint = false} : vector<256x128xf32>, vector<128x128xf32>, vector<256x128xf32> -> vector<256x128xf32>
    %sqrt3A_532 = math.sqrt %dot_general3A_531 : vector<256x128xf32>
    %max3A_533 = arith.constant 9.99999996E-13 : f32
    %max3A_534 = vector.broadcast %max3A_533 : f32 to vector<256x128xf32>
    %max3A_535 = arith.maximumf %sqrt3A_532, %max3A_534 : vector<256x128xf32>
    %div3A_536 = arith.divf %add3A_528, %max3A_535 : vector<256x128xf32>
    %add3A_537 = arith.addf %add3A_493, %div3A_536 : vector<256x128xf32>
    %get3A_538 = arith.constant 12 : index
    %get3A_539 = arith.constant 0 : index
    %get3A_540 = arith.constant 0 : index
    %get3A_541 = vector.load %arg1[%get3A_538, %get3A_539, %get3A_540] : memref<50x256x128xf32, #tpu.memory_space<vmem>>, vector<1x256x128xf32>
    %get3A_542 = vector.shape_cast %get3A_541 : vector<1x256x128xf32> to vector<256x128xf32>
    %get3A_543 = arith.constant 12 : index
    %get3A_544 = arith.constant 0 : index
    %get3A_545 = arith.constant 0 : index
    %get3A_546 = vector.load %arg2[%get3A_543, %get3A_544, %get3A_545] : memref<50x20x256xf32, #tpu.memory_space<vmem>>, vector<1x20x256xf32>
    %get3A_547 = vector.shape_cast %get3A_546 : vector<1x20x256xf32> to vector<20x256xf32>
    %dot_general3A_548 = arith.constant dense<0.000000e+00> : vector<256x128xf32>
    %dot_general3A_549 = tpu.matmul %get3A_547, %get3A_1, %dot_general3A_548 {dimension_numbers = #tpu.dot_dimension_numbers<[0], [0], [1], [1], [0, 1, 1, 1], [], []>, transpose_lhs_hint = false} : vector<20x256xf32>, vector<20x128xf32>, vector<256x128xf32> -> vector<256x128xf32>
    %mul3A_550 = arith.mulf %get3A_542, %dot_general3A_549 : vector<256x128xf32>
    %dot_general3A_551 = arith.constant dense<0.000000e+00> : vector<256x128xf32>
    %dot_general3A_552 = tpu.matmul %get3A_542, %get3A_4, %dot_general3A_551 {dimension_numbers = #tpu.dot_dimension_numbers<[1], [0], [0], [1], [0, 0, 1, 1], [], []>, transpose_lhs_hint = false} : vector<256x128xf32>, vector<128x128xf32>, vector<256x128xf32> -> vector<256x128xf32>
    %dot_general3A_553 = arith.constant dense<0.000000e+00> : vector<256x128xf32>
    %dot_general3A_554 = tpu.matmul %dot_general3A_549, %get3A_7, %dot_general3A_553 {dimension_numbers = #tpu.dot_dimension_numbers<[1], [0], [0], [1], [0, 0, 1, 1], [], []>, transpose_lhs_hint = false} : vector<256x128xf32>, vector<128x128xf32>, vector<256x128xf32> -> vector<256x128xf32>
    %add3A_555 = arith.addf %dot_general3A_552, %dot_general3A_554 : vector<256x128xf32>
    %dot_general3A_556 = arith.constant dense<0.000000e+00> : vector<256x128xf32>
    %dot_general3A_557 = tpu.matmul %mul3A_550, %get3A_10, %dot_general3A_556 {dimension_numbers = #tpu.dot_dimension_numbers<[1], [0], [0], [1], [0, 0, 1, 1], [], []>, transpose_lhs_hint = false} : vector<256x128xf32>, vector<128x128xf32>, vector<256x128xf32> -> vector<256x128xf32>
    %add3A_558 = arith.addf %add3A_555, %dot_general3A_557 : vector<256x128xf32>
    %add3A_559 = vector.broadcast %get3A_16 : vector<1x128xf32> to vector<256x128xf32>
    %add3A_560 = arith.addf %add3A_558, %add3A_559 : vector<256x128xf32>
    %logistic3A_561 = arith.negf %add3A_560 : vector<256x128xf32>
    %logistic3A_562 = math.exp %logistic3A_561 : vector<256x128xf32>
    %logistic3A_563 = arith.constant 1.000000e+00 : f32
    %logistic3A_564 = vector.broadcast %logistic3A_563 : f32 to vector<256x128xf32>
    %logistic3A_565 = arith.addf %logistic3A_564, %logistic3A_562 : vector<256x128xf32>
    %logistic3A_566 = arith.divf %logistic3A_564, %logistic3A_565 : vector<256x128xf32>
    %mul3A_567 = arith.mulf %logistic3A_566, %get3A_542 : vector<256x128xf32>
    %sub3A_568 = arith.constant 1.000000e+00 : f32
    %sub3A_569 = vector.broadcast %sub3A_568 : f32 to vector<256x128xf32>
    %sub3A_570 = arith.subf %sub3A_569, %logistic3A_566 : vector<256x128xf32>
    %mul3A_571 = arith.mulf %sub3A_570, %dot_general3A_549 : vector<256x128xf32>
    %add3A_572 = arith.addf %mul3A_567, %mul3A_571 : vector<256x128xf32>
    %mul3A_573 = arith.mulf %add3A_572, %add3A_572 : vector<256x128xf32>
    %dot_general3A_574 = arith.constant dense<0.000000e+00> : vector<256x128xf32>
    %dot_general3A_575 = tpu.matmul %mul3A_573, %get3A_13, %dot_general3A_574 {dimension_numbers = #tpu.dot_dimension_numbers<[1], [0], [0], [1], [0, 0, 1, 1], [], []>, transpose_lhs_hint = false} : vector<256x128xf32>, vector<128x128xf32>, vector<256x128xf32> -> vector<256x128xf32>
    %sqrt3A_576 = math.sqrt %dot_general3A_575 : vector<256x128xf32>
    %max3A_577 = arith.constant 9.99999996E-13 : f32
    %max3A_578 = vector.broadcast %max3A_577 : f32 to vector<256x128xf32>
    %max3A_579 = arith.maximumf %sqrt3A_576, %max3A_578 : vector<256x128xf32>
    %div3A_580 = arith.divf %add3A_572, %max3A_579 : vector<256x128xf32>
    %add3A_581 = arith.addf %add3A_537, %div3A_580 : vector<256x128xf32>
    %get3A_582 = arith.constant 13 : index
    %get3A_583 = arith.constant 0 : index
    %get3A_584 = arith.constant 0 : index
    %get3A_585 = vector.load %arg1[%get3A_582, %get3A_583, %get3A_584] : memref<50x256x128xf32, #tpu.memory_space<vmem>>, vector<1x256x128xf32>
    %get3A_586 = vector.shape_cast %get3A_585 : vector<1x256x128xf32> to vector<256x128xf32>
    %get3A_587 = arith.constant 13 : index
    %get3A_588 = arith.constant 0 : index
    %get3A_589 = arith.constant 0 : index
    %get3A_590 = vector.load %arg2[%get3A_587, %get3A_588, %get3A_589] : memref<50x20x256xf32, #tpu.memory_space<vmem>>, vector<1x20x256xf32>
    %get3A_591 = vector.shape_cast %get3A_590 : vector<1x20x256xf32> to vector<20x256xf32>
    %dot_general3A_592 = arith.constant dense<0.000000e+00> : vector<256x128xf32>
    %dot_general3A_593 = tpu.matmul %get3A_591, %get3A_1, %dot_general3A_592 {dimension_numbers = #tpu.dot_dimension_numbers<[0], [0], [1], [1], [0, 1, 1, 1], [], []>, transpose_lhs_hint = false} : vector<20x256xf32>, vector<20x128xf32>, vector<256x128xf32> -> vector<256x128xf32>
    %mul3A_594 = arith.mulf %get3A_586, %dot_general3A_593 : vector<256x128xf32>
    %dot_general3A_595 = arith.constant dense<0.000000e+00> : vector<256x128xf32>
    %dot_general3A_596 = tpu.matmul %get3A_586, %get3A_4, %dot_general3A_595 {dimension_numbers = #tpu.dot_dimension_numbers<[1], [0], [0], [1], [0, 0, 1, 1], [], []>, transpose_lhs_hint = false} : vector<256x128xf32>, vector<128x128xf32>, vector<256x128xf32> -> vector<256x128xf32>
    %dot_general3A_597 = arith.constant dense<0.000000e+00> : vector<256x128xf32>
    %dot_general3A_598 = tpu.matmul %dot_general3A_593, %get3A_7, %dot_general3A_597 {dimension_numbers = #tpu.dot_dimension_numbers<[1], [0], [0], [1], [0, 0, 1, 1], [], []>, transpose_lhs_hint = false} : vector<256x128xf32>, vector<128x128xf32>, vector<256x128xf32> -> vector<256x128xf32>
    %add3A_599 = arith.addf %dot_general3A_596, %dot_general3A_598 : vector<256x128xf32>
    %dot_general3A_600 = arith.constant dense<0.000000e+00> : vector<256x128xf32>
    %dot_general3A_601 = tpu.matmul %mul3A_594, %get3A_10, %dot_general3A_600 {dimension_numbers = #tpu.dot_dimension_numbers<[1], [0], [0], [1], [0, 0, 1, 1], [], []>, transpose_lhs_hint = false} : vector<256x128xf32>, vector<128x128xf32>, vector<256x128xf32> -> vector<256x128xf32>
    %add3A_602 = arith.addf %add3A_599, %dot_general3A_601 : vector<256x128xf32>
    %add3A_603 = vector.broadcast %get3A_16 : vector<1x128xf32> to vector<256x128xf32>
    %add3A_604 = arith.addf %add3A_602, %add3A_603 : vector<256x128xf32>
    %logistic3A_605 = arith.negf %add3A_604 : vector<256x128xf32>
    %logistic3A_606 = math.exp %logistic3A_605 : vector<256x128xf32>
    %logistic3A_607 = arith.constant 1.000000e+00 : f32
    %logistic3A_608 = vector.broadcast %logistic3A_607 : f32 to vector<256x128xf32>
    %logistic3A_609 = arith.addf %logistic3A_608, %logistic3A_606 : vector<256x128xf32>
    %logistic3A_610 = arith.divf %logistic3A_608, %logistic3A_609 : vector<256x128xf32>
    %mul3A_611 = arith.mulf %logistic3A_610, %get3A_586 : vector<256x128xf32>
    %sub3A_612 = arith.constant 1.000000e+00 : f32
    %sub3A_613 = vector.broadcast %sub3A_612 : f32 to vector<256x128xf32>
    %sub3A_614 = arith.subf %sub3A_613, %logistic3A_610 : vector<256x128xf32>
    %mul3A_615 = arith.mulf %sub3A_614, %dot_general3A_593 : vector<256x128xf32>
    %add3A_616 = arith.addf %mul3A_611, %mul3A_615 : vector<256x128xf32>
    %mul3A_617 = arith.mulf %add3A_616, %add3A_616 : vector<256x128xf32>
    %dot_general3A_618 = arith.constant dense<0.000000e+00> : vector<256x128xf32>
    %dot_general3A_619 = tpu.matmul %mul3A_617, %get3A_13, %dot_general3A_618 {dimension_numbers = #tpu.dot_dimension_numbers<[1], [0], [0], [1], [0, 0, 1, 1], [], []>, transpose_lhs_hint = false} : vector<256x128xf32>, vector<128x128xf32>, vector<256x128xf32> -> vector<256x128xf32>
    %sqrt3A_620 = math.sqrt %dot_general3A_619 : vector<256x128xf32>
    %max3A_621 = arith.constant 9.99999996E-13 : f32
    %max3A_622 = vector.broadcast %max3A_621 : f32 to vector<256x128xf32>
    %max3A_623 = arith.maximumf %sqrt3A_620, %max3A_622 : vector<256x128xf32>
    %div3A_624 = arith.divf %add3A_616, %max3A_623 : vector<256x128xf32>
    %add3A_625 = arith.addf %add3A_581, %div3A_624 : vector<256x128xf32>
    %get3A_626 = arith.constant 14 : index
    %get3A_627 = arith.constant 0 : index
    %get3A_628 = arith.constant 0 : index
    %get3A_629 = vector.load %arg1[%get3A_626, %get3A_627, %get3A_628] : memref<50x256x128xf32, #tpu.memory_space<vmem>>, vector<1x256x128xf32>
    %get3A_630 = vector.shape_cast %get3A_629 : vector<1x256x128xf32> to vector<256x128xf32>
    %get3A_631 = arith.constant 14 : index
    %get3A_632 = arith.constant 0 : index
    %get3A_633 = arith.constant 0 : index
    %get3A_634 = vector.load %arg2[%get3A_631, %get3A_632, %get3A_633] : memref<50x20x256xf32, #tpu.memory_space<vmem>>, vector<1x20x256xf32>
    %get3A_635 = vector.shape_cast %get3A_634 : vector<1x20x256xf32> to vector<20x256xf32>
    %dot_general3A_636 = arith.constant dense<0.000000e+00> : vector<256x128xf32>
    %dot_general3A_637 = tpu.matmul %get3A_635, %get3A_1, %dot_general3A_636 {dimension_numbers = #tpu.dot_dimension_numbers<[0], [0], [1], [1], [0, 1, 1, 1], [], []>, transpose_lhs_hint = false} : vector<20x256xf32>, vector<20x128xf32>, vector<256x128xf32> -> vector<256x128xf32>
    %mul3A_638 = arith.mulf %get3A_630, %dot_general3A_637 : vector<256x128xf32>
    %dot_general3A_639 = arith.constant dense<0.000000e+00> : vector<256x128xf32>
    %dot_general3A_640 = tpu.matmul %get3A_630, %get3A_4, %dot_general3A_639 {dimension_numbers = #tpu.dot_dimension_numbers<[1], [0], [0], [1], [0, 0, 1, 1], [], []>, transpose_lhs_hint = false} : vector<256x128xf32>, vector<128x128xf32>, vector<256x128xf32> -> vector<256x128xf32>
    %dot_general3A_641 = arith.constant dense<0.000000e+00> : vector<256x128xf32>
    %dot_general3A_642 = tpu.matmul %dot_general3A_637, %get3A_7, %dot_general3A_641 {dimension_numbers = #tpu.dot_dimension_numbers<[1], [0], [0], [1], [0, 0, 1, 1], [], []>, transpose_lhs_hint = false} : vector<256x128xf32>, vector<128x128xf32>, vector<256x128xf32> -> vector<256x128xf32>
    %add3A_643 = arith.addf %dot_general3A_640, %dot_general3A_642 : vector<256x128xf32>
    %dot_general3A_644 = arith.constant dense<0.000000e+00> : vector<256x128xf32>
    %dot_general3A_645 = tpu.matmul %mul3A_638, %get3A_10, %dot_general3A_644 {dimension_numbers = #tpu.dot_dimension_numbers<[1], [0], [0], [1], [0, 0, 1, 1], [], []>, transpose_lhs_hint = false} : vector<256x128xf32>, vector<128x128xf32>, vector<256x128xf32> -> vector<256x128xf32>
    %add3A_646 = arith.addf %add3A_643, %dot_general3A_645 : vector<256x128xf32>
    %add3A_647 = vector.broadcast %get3A_16 : vector<1x128xf32> to vector<256x128xf32>
    %add3A_648 = arith.addf %add3A_646, %add3A_647 : vector<256x128xf32>
    %logistic3A_649 = arith.negf %add3A_648 : vector<256x128xf32>
    %logistic3A_650 = math.exp %logistic3A_649 : vector<256x128xf32>
    %logistic3A_651 = arith.constant 1.000000e+00 : f32
    %logistic3A_652 = vector.broadcast %logistic3A_651 : f32 to vector<256x128xf32>
    %logistic3A_653 = arith.addf %logistic3A_652, %logistic3A_650 : vector<256x128xf32>
    %logistic3A_654 = arith.divf %logistic3A_652, %logistic3A_653 : vector<256x128xf32>
    %mul3A_655 = arith.mulf %logistic3A_654, %get3A_630 : vector<256x128xf32>
    %sub3A_656 = arith.constant 1.000000e+00 : f32
    %sub3A_657 = vector.broadcast %sub3A_656 : f32 to vector<256x128xf32>
    %sub3A_658 = arith.subf %sub3A_657, %logistic3A_654 : vector<256x128xf32>
    %mul3A_659 = arith.mulf %sub3A_658, %dot_general3A_637 : vector<256x128xf32>
    %add3A_660 = arith.addf %mul3A_655, %mul3A_659 : vector<256x128xf32>
    %mul3A_661 = arith.mulf %add3A_660, %add3A_660 : vector<256x128xf32>
    %dot_general3A_662 = arith.constant dense<0.000000e+00> : vector<256x128xf32>
    %dot_general3A_663 = tpu.matmul %mul3A_661, %get3A_13, %dot_general3A_662 {dimension_numbers = #tpu.dot_dimension_numbers<[1], [0], [0], [1], [0, 0, 1, 1], [], []>, transpose_lhs_hint = false} : vector<256x128xf32>, vector<128x128xf32>, vector<256x128xf32> -> vector<256x128xf32>
    %sqrt3A_664 = math.sqrt %dot_general3A_663 : vector<256x128xf32>
    %max3A_665 = arith.constant 9.99999996E-13 : f32
    %max3A_666 = vector.broadcast %max3A_665 : f32 to vector<256x128xf32>
    %max3A_667 = arith.maximumf %sqrt3A_664, %max3A_666 : vector<256x128xf32>
    %div3A_668 = arith.divf %add3A_660, %max3A_667 : vector<256x128xf32>
    %add3A_669 = arith.addf %add3A_625, %div3A_668 : vector<256x128xf32>
    %get3A_670 = arith.constant 15 : index
    %get3A_671 = arith.constant 0 : index
    %get3A_672 = arith.constant 0 : index
    %get3A_673 = vector.load %arg1[%get3A_670, %get3A_671, %get3A_672] : memref<50x256x128xf32, #tpu.memory_space<vmem>>, vector<1x256x128xf32>
    %get3A_674 = vector.shape_cast %get3A_673 : vector<1x256x128xf32> to vector<256x128xf32>
    %get3A_675 = arith.constant 15 : index
    %get3A_676 = arith.constant 0 : index
    %get3A_677 = arith.constant 0 : index
    %get3A_678 = vector.load %arg2[%get3A_675, %get3A_676, %get3A_677] : memref<50x20x256xf32, #tpu.memory_space<vmem>>, vector<1x20x256xf32>
    %get3A_679 = vector.shape_cast %get3A_678 : vector<1x20x256xf32> to vector<20x256xf32>
    %dot_general3A_680 = arith.constant dense<0.000000e+00> : vector<256x128xf32>
    %dot_general3A_681 = tpu.matmul %get3A_679, %get3A_1, %dot_general3A_680 {dimension_numbers = #tpu.dot_dimension_numbers<[0], [0], [1], [1], [0, 1, 1, 1], [], []>, transpose_lhs_hint = false} : vector<20x256xf32>, vector<20x128xf32>, vector<256x128xf32> -> vector<256x128xf32>
    %mul3A_682 = arith.mulf %get3A_674, %dot_general3A_681 : vector<256x128xf32>
    %dot_general3A_683 = arith.constant dense<0.000000e+00> : vector<256x128xf32>
    %dot_general3A_684 = tpu.matmul %get3A_674, %get3A_4, %dot_general3A_683 {dimension_numbers = #tpu.dot_dimension_numbers<[1], [0], [0], [1], [0, 0, 1, 1], [], []>, transpose_lhs_hint = false} : vector<256x128xf32>, vector<128x128xf32>, vector<256x128xf32> -> vector<256x128xf32>
    %dot_general3A_685 = arith.constant dense<0.000000e+00> : vector<256x128xf32>
    %dot_general3A_686 = tpu.matmul %dot_general3A_681, %get3A_7, %dot_general3A_685 {dimension_numbers = #tpu.dot_dimension_numbers<[1], [0], [0], [1], [0, 0, 1, 1], [], []>, transpose_lhs_hint = false} : vector<256x128xf32>, vector<128x128xf32>, vector<256x128xf32> -> vector<256x128xf32>
    %add3A_687 = arith.addf %dot_general3A_684, %dot_general3A_686 : vector<256x128xf32>
    %dot_general3A_688 = arith.constant dense<0.000000e+00> : vector<256x128xf32>
    %dot_general3A_689 = tpu.matmul %mul3A_682, %get3A_10, %dot_general3A_688 {dimension_numbers = #tpu.dot_dimension_numbers<[1], [0], [0], [1], [0, 0, 1, 1], [], []>, transpose_lhs_hint = false} : vector<256x128xf32>, vector<128x128xf32>, vector<256x128xf32> -> vector<256x128xf32>
    %add3A_690 = arith.addf %add3A_687, %dot_general3A_689 : vector<256x128xf32>
    %add3A_691 = vector.broadcast %get3A_16 : vector<1x128xf32> to vector<256x128xf32>
    %add3A_692 = arith.addf %add3A_690, %add3A_691 : vector<256x128xf32>
    %logistic3A_693 = arith.negf %add3A_692 : vector<256x128xf32>
    %logistic3A_694 = math.exp %logistic3A_693 : vector<256x128xf32>
    %logistic3A_695 = arith.constant 1.000000e+00 : f32
    %logistic3A_696 = vector.broadcast %logistic3A_695 : f32 to vector<256x128xf32>
    %logistic3A_697 = arith.addf %logistic3A_696, %logistic3A_694 : vector<256x128xf32>
    %logistic3A_698 = arith.divf %logistic3A_696, %logistic3A_697 : vector<256x128xf32>
    %mul3A_699 = arith.mulf %logistic3A_698, %get3A_674 : vector<256x128xf32>
    %sub3A_700 = arith.constant 1.000000e+00 : f32
    %sub3A_701 = vector.broadcast %sub3A_700 : f32 to vector<256x128xf32>
    %sub3A_702 = arith.subf %sub3A_701, %logistic3A_698 : vector<256x128xf32>
    %mul3A_703 = arith.mulf %sub3A_702, %dot_general3A_681 : vector<256x128xf32>
    %add3A_704 = arith.addf %mul3A_699, %mul3A_703 : vector<256x128xf32>
    %mul3A_705 = arith.mulf %add3A_704, %add3A_704 : vector<256x128xf32>
    %dot_general3A_706 = arith.constant dense<0.000000e+00> : vector<256x128xf32>
    %dot_general3A_707 = tpu.matmul %mul3A_705, %get3A_13, %dot_general3A_706 {dimension_numbers = #tpu.dot_dimension_numbers<[1], [0], [0], [1], [0, 0, 1, 1], [], []>, transpose_lhs_hint = false} : vector<256x128xf32>, vector<128x128xf32>, vector<256x128xf32> -> vector<256x128xf32>
    %sqrt3A_708 = math.sqrt %dot_general3A_707 : vector<256x128xf32>
    %max3A_709 = arith.constant 9.99999996E-13 : f32
    %max3A_710 = vector.broadcast %max3A_709 : f32 to vector<256x128xf32>
    %max3A_711 = arith.maximumf %sqrt3A_708, %max3A_710 : vector<256x128xf32>
    %div3A_712 = arith.divf %add3A_704, %max3A_711 : vector<256x128xf32>
    %add3A_713 = arith.addf %add3A_669, %div3A_712 : vector<256x128xf32>
    %get3A_714 = arith.constant 16 : index
    %get3A_715 = arith.constant 0 : index
    %get3A_716 = arith.constant 0 : index
    %get3A_717 = vector.load %arg1[%get3A_714, %get3A_715, %get3A_716] : memref<50x256x128xf32, #tpu.memory_space<vmem>>, vector<1x256x128xf32>
    %get3A_718 = vector.shape_cast %get3A_717 : vector<1x256x128xf32> to vector<256x128xf32>
    %get3A_719 = arith.constant 16 : index
    %get3A_720 = arith.constant 0 : index
    %get3A_721 = arith.constant 0 : index
    %get3A_722 = vector.load %arg2[%get3A_719, %get3A_720, %get3A_721] : memref<50x20x256xf32, #tpu.memory_space<vmem>>, vector<1x20x256xf32>
    %get3A_723 = vector.shape_cast %get3A_722 : vector<1x20x256xf32> to vector<20x256xf32>
    %dot_general3A_724 = arith.constant dense<0.000000e+00> : vector<256x128xf32>
    %dot_general3A_725 = tpu.matmul %get3A_723, %get3A_1, %dot_general3A_724 {dimension_numbers = #tpu.dot_dimension_numbers<[0], [0], [1], [1], [0, 1, 1, 1], [], []>, transpose_lhs_hint = false} : vector<20x256xf32>, vector<20x128xf32>, vector<256x128xf32> -> vector<256x128xf32>
    %mul3A_726 = arith.mulf %get3A_718, %dot_general3A_725 : vector<256x128xf32>
    %dot_general3A_727 = arith.constant dense<0.000000e+00> : vector<256x128xf32>
    %dot_general3A_728 = tpu.matmul %get3A_718, %get3A_4, %dot_general3A_727 {dimension_numbers = #tpu.dot_dimension_numbers<[1], [0], [0], [1], [0, 0, 1, 1], [], []>, transpose_lhs_hint = false} : vector<256x128xf32>, vector<128x128xf32>, vector<256x128xf32> -> vector<256x128xf32>
    %dot_general3A_729 = arith.constant dense<0.000000e+00> : vector<256x128xf32>
    %dot_general3A_730 = tpu.matmul %dot_general3A_725, %get3A_7, %dot_general3A_729 {dimension_numbers = #tpu.dot_dimension_numbers<[1], [0], [0], [1], [0, 0, 1, 1], [], []>, transpose_lhs_hint = false} : vector<256x128xf32>, vector<128x128xf32>, vector<256x128xf32> -> vector<256x128xf32>
    %add3A_731 = arith.addf %dot_general3A_728, %dot_general3A_730 : vector<256x128xf32>
    %dot_general3A_732 = arith.constant dense<0.000000e+00> : vector<256x128xf32>
    %dot_general3A_733 = tpu.matmul %mul3A_726, %get3A_10, %dot_general3A_732 {dimension_numbers = #tpu.dot_dimension_numbers<[1], [0], [0], [1], [0, 0, 1, 1], [], []>, transpose_lhs_hint = false} : vector<256x128xf32>, vector<128x128xf32>, vector<256x128xf32> -> vector<256x128xf32>
    %add3A_734 = arith.addf %add3A_731, %dot_general3A_733 : vector<256x128xf32>
    %add3A_735 = vector.broadcast %get3A_16 : vector<1x128xf32> to vector<256x128xf32>
    %add3A_736 = arith.addf %add3A_734, %add3A_735 : vector<256x128xf32>
    %logistic3A_737 = arith.negf %add3A_736 : vector<256x128xf32>
    %logistic3A_738 = math.exp %logistic3A_737 : vector<256x128xf32>
    %logistic3A_739 = arith.constant 1.000000e+00 : f32
    %logistic3A_740 = vector.broadcast %logistic3A_739 : f32 to vector<256x128xf32>
    %logistic3A_741 = arith.addf %logistic3A_740, %logistic3A_738 : vector<256x128xf32>
    %logistic3A_742 = arith.divf %logistic3A_740, %logistic3A_741 : vector<256x128xf32>
    %mul3A_743 = arith.mulf %logistic3A_742, %get3A_718 : vector<256x128xf32>
    %sub3A_744 = arith.constant 1.000000e+00 : f32
    %sub3A_745 = vector.broadcast %sub3A_744 : f32 to vector<256x128xf32>
    %sub3A_746 = arith.subf %sub3A_745, %logistic3A_742 : vector<256x128xf32>
    %mul3A_747 = arith.mulf %sub3A_746, %dot_general3A_725 : vector<256x128xf32>
    %add3A_748 = arith.addf %mul3A_743, %mul3A_747 : vector<256x128xf32>
    %mul3A_749 = arith.mulf %add3A_748, %add3A_748 : vector<256x128xf32>
    %dot_general3A_750 = arith.constant dense<0.000000e+00> : vector<256x128xf32>
    %dot_general3A_751 = tpu.matmul %mul3A_749, %get3A_13, %dot_general3A_750 {dimension_numbers = #tpu.dot_dimension_numbers<[1], [0], [0], [1], [0, 0, 1, 1], [], []>, transpose_lhs_hint = false} : vector<256x128xf32>, vector<128x128xf32>, vector<256x128xf32> -> vector<256x128xf32>
    %sqrt3A_752 = math.sqrt %dot_general3A_751 : vector<256x128xf32>
    %max3A_753 = arith.constant 9.99999996E-13 : f32
    %max3A_754 = vector.broadcast %max3A_753 : f32 to vector<256x128xf32>
    %max3A_755 = arith.maximumf %sqrt3A_752, %max3A_754 : vector<256x128xf32>
    %div3A_756 = arith.divf %add3A_748, %max3A_755 : vector<256x128xf32>
    %add3A_757 = arith.addf %add3A_713, %div3A_756 : vector<256x128xf32>
    %get3A_758 = arith.constant 17 : index
    %get3A_759 = arith.constant 0 : index
    %get3A_760 = arith.constant 0 : index
    %get3A_761 = vector.load %arg1[%get3A_758, %get3A_759, %get3A_760] : memref<50x256x128xf32, #tpu.memory_space<vmem>>, vector<1x256x128xf32>
    %get3A_762 = vector.shape_cast %get3A_761 : vector<1x256x128xf32> to vector<256x128xf32>
    %get3A_763 = arith.constant 17 : index
    %get3A_764 = arith.constant 0 : index
    %get3A_765 = arith.constant 0 : index
    %get3A_766 = vector.load %arg2[%get3A_763, %get3A_764, %get3A_765] : memref<50x20x256xf32, #tpu.memory_space<vmem>>, vector<1x20x256xf32>
    %get3A_767 = vector.shape_cast %get3A_766 : vector<1x20x256xf32> to vector<20x256xf32>
    %dot_general3A_768 = arith.constant dense<0.000000e+00> : vector<256x128xf32>
    %dot_general3A_769 = tpu.matmul %get3A_767, %get3A_1, %dot_general3A_768 {dimension_numbers = #tpu.dot_dimension_numbers<[0], [0], [1], [1], [0, 1, 1, 1], [], []>, transpose_lhs_hint = false} : vector<20x256xf32>, vector<20x128xf32>, vector<256x128xf32> -> vector<256x128xf32>
    %mul3A_770 = arith.mulf %get3A_762, %dot_general3A_769 : vector<256x128xf32>
    %dot_general3A_771 = arith.constant dense<0.000000e+00> : vector<256x128xf32>
    %dot_general3A_772 = tpu.matmul %get3A_762, %get3A_4, %dot_general3A_771 {dimension_numbers = #tpu.dot_dimension_numbers<[1], [0], [0], [1], [0, 0, 1, 1], [], []>, transpose_lhs_hint = false} : vector<256x128xf32>, vector<128x128xf32>, vector<256x128xf32> -> vector<256x128xf32>
    %dot_general3A_773 = arith.constant dense<0.000000e+00> : vector<256x128xf32>
    %dot_general3A_774 = tpu.matmul %dot_general3A_769, %get3A_7, %dot_general3A_773 {dimension_numbers = #tpu.dot_dimension_numbers<[1], [0], [0], [1], [0, 0, 1, 1], [], []>, transpose_lhs_hint = false} : vector<256x128xf32>, vector<128x128xf32>, vector<256x128xf32> -> vector<256x128xf32>
    %add3A_775 = arith.addf %dot_general3A_772, %dot_general3A_774 : vector<256x128xf32>
    %dot_general3A_776 = arith.constant dense<0.000000e+00> : vector<256x128xf32>
    %dot_general3A_777 = tpu.matmul %mul3A_770, %get3A_10, %dot_general3A_776 {dimension_numbers = #tpu.dot_dimension_numbers<[1], [0], [0], [1], [0, 0, 1, 1], [], []>, transpose_lhs_hint = false} : vector<256x128xf32>, vector<128x128xf32>, vector<256x128xf32> -> vector<256x128xf32>
    %add3A_778 = arith.addf %add3A_775, %dot_general3A_777 : vector<256x128xf32>
    %add3A_779 = vector.broadcast %get3A_16 : vector<1x128xf32> to vector<256x128xf32>
    %add3A_780 = arith.addf %add3A_778, %add3A_779 : vector<256x128xf32>
    %logistic3A_781 = arith.negf %add3A_780 : vector<256x128xf32>
    %logistic3A_782 = math.exp %logistic3A_781 : vector<256x128xf32>
    %logistic3A_783 = arith.constant 1.000000e+00 : f32
    %logistic3A_784 = vector.broadcast %logistic3A_783 : f32 to vector<256x128xf32>
    %logistic3A_785 = arith.addf %logistic3A_784, %logistic3A_782 : vector<256x128xf32>
    %logistic3A_786 = arith.divf %logistic3A_784, %logistic3A_785 : vector<256x128xf32>
    %mul3A_787 = arith.mulf %logistic3A_786, %get3A_762 : vector<256x128xf32>
    %sub3A_788 = arith.constant 1.000000e+00 : f32
    %sub3A_789 = vector.broadcast %sub3A_788 : f32 to vector<256x128xf32>
    %sub3A_790 = arith.subf %sub3A_789, %logistic3A_786 : vector<256x128xf32>
    %mul3A_791 = arith.mulf %sub3A_790, %dot_general3A_769 : vector<256x128xf32>
    %add3A_792 = arith.addf %mul3A_787, %mul3A_791 : vector<256x128xf32>
    %mul3A_793 = arith.mulf %add3A_792, %add3A_792 : vector<256x128xf32>
    %dot_general3A_794 = arith.constant dense<0.000000e+00> : vector<256x128xf32>
    %dot_general3A_795 = tpu.matmul %mul3A_793, %get3A_13, %dot_general3A_794 {dimension_numbers = #tpu.dot_dimension_numbers<[1], [0], [0], [1], [0, 0, 1, 1], [], []>, transpose_lhs_hint = false} : vector<256x128xf32>, vector<128x128xf32>, vector<256x128xf32> -> vector<256x128xf32>
    %sqrt3A_796 = math.sqrt %dot_general3A_795 : vector<256x128xf32>
    %max3A_797 = arith.constant 9.99999996E-13 : f32
    %max3A_798 = vector.broadcast %max3A_797 : f32 to vector<256x128xf32>
    %max3A_799 = arith.maximumf %sqrt3A_796, %max3A_798 : vector<256x128xf32>
    %div3A_800 = arith.divf %add3A_792, %max3A_799 : vector<256x128xf32>
    %add3A_801 = arith.addf %add3A_757, %div3A_800 : vector<256x128xf32>
    %get3A_802 = arith.constant 18 : index
    %get3A_803 = arith.constant 0 : index
    %get3A_804 = arith.constant 0 : index
    %get3A_805 = vector.load %arg1[%get3A_802, %get3A_803, %get3A_804] : memref<50x256x128xf32, #tpu.memory_space<vmem>>, vector<1x256x128xf32>
    %get3A_806 = vector.shape_cast %get3A_805 : vector<1x256x128xf32> to vector<256x128xf32>
    %get3A_807 = arith.constant 18 : index
    %get3A_808 = arith.constant 0 : index
    %get3A_809 = arith.constant 0 : index
    %get3A_810 = vector.load %arg2[%get3A_807, %get3A_808, %get3A_809] : memref<50x20x256xf32, #tpu.memory_space<vmem>>, vector<1x20x256xf32>
    %get3A_811 = vector.shape_cast %get3A_810 : vector<1x20x256xf32> to vector<20x256xf32>
    %dot_general3A_812 = arith.constant dense<0.000000e+00> : vector<256x128xf32>
    %dot_general3A_813 = tpu.matmul %get3A_811, %get3A_1, %dot_general3A_812 {dimension_numbers = #tpu.dot_dimension_numbers<[0], [0], [1], [1], [0, 1, 1, 1], [], []>, transpose_lhs_hint = false} : vector<20x256xf32>, vector<20x128xf32>, vector<256x128xf32> -> vector<256x128xf32>
    %mul3A_814 = arith.mulf %get3A_806, %dot_general3A_813 : vector<256x128xf32>
    %dot_general3A_815 = arith.constant dense<0.000000e+00> : vector<256x128xf32>
    %dot_general3A_816 = tpu.matmul %get3A_806, %get3A_4, %dot_general3A_815 {dimension_numbers = #tpu.dot_dimension_numbers<[1], [0], [0], [1], [0, 0, 1, 1], [], []>, transpose_lhs_hint = false} : vector<256x128xf32>, vector<128x128xf32>, vector<256x128xf32> -> vector<256x128xf32>
    %dot_general3A_817 = arith.constant dense<0.000000e+00> : vector<256x128xf32>
    %dot_general3A_818 = tpu.matmul %dot_general3A_813, %get3A_7, %dot_general3A_817 {dimension_numbers = #tpu.dot_dimension_numbers<[1], [0], [0], [1], [0, 0, 1, 1], [], []>, transpose_lhs_hint = false} : vector<256x128xf32>, vector<128x128xf32>, vector<256x128xf32> -> vector<256x128xf32>
    %add3A_819 = arith.addf %dot_general3A_816, %dot_general3A_818 : vector<256x128xf32>
    %dot_general3A_820 = arith.constant dense<0.000000e+00> : vector<256x128xf32>
    %dot_general3A_821 = tpu.matmul %mul3A_814, %get3A_10, %dot_general3A_820 {dimension_numbers = #tpu.dot_dimension_numbers<[1], [0], [0], [1], [0, 0, 1, 1], [], []>, transpose_lhs_hint = false} : vector<256x128xf32>, vector<128x128xf32>, vector<256x128xf32> -> vector<256x128xf32>
    %add3A_822 = arith.addf %add3A_819, %dot_general3A_821 : vector<256x128xf32>
    %add3A_823 = vector.broadcast %get3A_16 : vector<1x128xf32> to vector<256x128xf32>
    %add3A_824 = arith.addf %add3A_822, %add3A_823 : vector<256x128xf32>
    %logistic3A_825 = arith.negf %add3A_824 : vector<256x128xf32>
    %logistic3A_826 = math.exp %logistic3A_825 : vector<256x128xf32>
    %logistic3A_827 = arith.constant 1.000000e+00 : f32
    %logistic3A_828 = vector.broadcast %logistic3A_827 : f32 to vector<256x128xf32>
    %logistic3A_829 = arith.addf %logistic3A_828, %logistic3A_826 : vector<256x128xf32>
    %logistic3A_830 = arith.divf %logistic3A_828, %logistic3A_829 : vector<256x128xf32>
    %mul3A_831 = arith.mulf %logistic3A_830, %get3A_806 : vector<256x128xf32>
    %sub3A_832 = arith.constant 1.000000e+00 : f32
    %sub3A_833 = vector.broadcast %sub3A_832 : f32 to vector<256x128xf32>
    %sub3A_834 = arith.subf %sub3A_833, %logistic3A_830 : vector<256x128xf32>
    %mul3A_835 = arith.mulf %sub3A_834, %dot_general3A_813 : vector<256x128xf32>
    %add3A_836 = arith.addf %mul3A_831, %mul3A_835 : vector<256x128xf32>
    %mul3A_837 = arith.mulf %add3A_836, %add3A_836 : vector<256x128xf32>
    %dot_general3A_838 = arith.constant dense<0.000000e+00> : vector<256x128xf32>
    %dot_general3A_839 = tpu.matmul %mul3A_837, %get3A_13, %dot_general3A_838 {dimension_numbers = #tpu.dot_dimension_numbers<[1], [0], [0], [1], [0, 0, 1, 1], [], []>, transpose_lhs_hint = false} : vector<256x128xf32>, vector<128x128xf32>, vector<256x128xf32> -> vector<256x128xf32>
    %sqrt3A_840 = math.sqrt %dot_general3A_839 : vector<256x128xf32>
    %max3A_841 = arith.constant 9.99999996E-13 : f32
    %max3A_842 = vector.broadcast %max3A_841 : f32 to vector<256x128xf32>
    %max3A_843 = arith.maximumf %sqrt3A_840, %max3A_842 : vector<256x128xf32>
    %div3A_844 = arith.divf %add3A_836, %max3A_843 : vector<256x128xf32>
    %add3A_845 = arith.addf %add3A_801, %div3A_844 : vector<256x128xf32>
    %get3A_846 = arith.constant 19 : index
    %get3A_847 = arith.constant 0 : index
    %get3A_848 = arith.constant 0 : index
    %get3A_849 = vector.load %arg1[%get3A_846, %get3A_847, %get3A_848] : memref<50x256x128xf32, #tpu.memory_space<vmem>>, vector<1x256x128xf32>
    %get3A_850 = vector.shape_cast %get3A_849 : vector<1x256x128xf32> to vector<256x128xf32>
    %get3A_851 = arith.constant 19 : index
    %get3A_852 = arith.constant 0 : index
    %get3A_853 = arith.constant 0 : index
    %get3A_854 = vector.load %arg2[%get3A_851, %get3A_852, %get3A_853] : memref<50x20x256xf32, #tpu.memory_space<vmem>>, vector<1x20x256xf32>
    %get3A_855 = vector.shape_cast %get3A_854 : vector<1x20x256xf32> to vector<20x256xf32>
    %dot_general3A_856 = arith.constant dense<0.000000e+00> : vector<256x128xf32>
    %dot_general3A_857 = tpu.matmul %get3A_855, %get3A_1, %dot_general3A_856 {dimension_numbers = #tpu.dot_dimension_numbers<[0], [0], [1], [1], [0, 1, 1, 1], [], []>, transpose_lhs_hint = false} : vector<20x256xf32>, vector<20x128xf32>, vector<256x128xf32> -> vector<256x128xf32>
    %mul3A_858 = arith.mulf %get3A_850, %dot_general3A_857 : vector<256x128xf32>
    %dot_general3A_859 = arith.constant dense<0.000000e+00> : vector<256x128xf32>
    %dot_general3A_860 = tpu.matmul %get3A_850, %get3A_4, %dot_general3A_859 {dimension_numbers = #tpu.dot_dimension_numbers<[1], [0], [0], [1], [0, 0, 1, 1], [], []>, transpose_lhs_hint = false} : vector<256x128xf32>, vector<128x128xf32>, vector<256x128xf32> -> vector<256x128xf32>
    %dot_general3A_861 = arith.constant dense<0.000000e+00> : vector<256x128xf32>
    %dot_general3A_862 = tpu.matmul %dot_general3A_857, %get3A_7, %dot_general3A_861 {dimension_numbers = #tpu.dot_dimension_numbers<[1], [0], [0], [1], [0, 0, 1, 1], [], []>, transpose_lhs_hint = false} : vector<256x128xf32>, vector<128x128xf32>, vector<256x128xf32> -> vector<256x128xf32>
    %add3A_863 = arith.addf %dot_general3A_860, %dot_general3A_862 : vector<256x128xf32>
    %dot_general3A_864 = arith.constant dense<0.000000e+00> : vector<256x128xf32>
    %dot_general3A_865 = tpu.matmul %mul3A_858, %get3A_10, %dot_general3A_864 {dimension_numbers = #tpu.dot_dimension_numbers<[1], [0], [0], [1], [0, 0, 1, 1], [], []>, transpose_lhs_hint = false} : vector<256x128xf32>, vector<128x128xf32>, vector<256x128xf32> -> vector<256x128xf32>
    %add3A_866 = arith.addf %add3A_863, %dot_general3A_865 : vector<256x128xf32>
    %add3A_867 = vector.broadcast %get3A_16 : vector<1x128xf32> to vector<256x128xf32>
    %add3A_868 = arith.addf %add3A_866, %add3A_867 : vector<256x128xf32>
    %logistic3A_869 = arith.negf %add3A_868 : vector<256x128xf32>
    %logistic3A_870 = math.exp %logistic3A_869 : vector<256x128xf32>
    %logistic3A_871 = arith.constant 1.000000e+00 : f32
    %logistic3A_872 = vector.broadcast %logistic3A_871 : f32 to vector<256x128xf32>
    %logistic3A_873 = arith.addf %logistic3A_872, %logistic3A_870 : vector<256x128xf32>
    %logistic3A_874 = arith.divf %logistic3A_872, %logistic3A_873 : vector<256x128xf32>
    %mul3A_875 = arith.mulf %logistic3A_874, %get3A_850 : vector<256x128xf32>
    %sub3A_876 = arith.constant 1.000000e+00 : f32
    %sub3A_877 = vector.broadcast %sub3A_876 : f32 to vector<256x128xf32>
    %sub3A_878 = arith.subf %sub3A_877, %logistic3A_874 : vector<256x128xf32>
    %mul3A_879 = arith.mulf %sub3A_878, %dot_general3A_857 : vector<256x128xf32>
    %add3A_880 = arith.addf %mul3A_875, %mul3A_879 : vector<256x128xf32>
    %mul3A_881 = arith.mulf %add3A_880, %add3A_880 : vector<256x128xf32>
    %dot_general3A_882 = arith.constant dense<0.000000e+00> : vector<256x128xf32>
    %dot_general3A_883 = tpu.matmul %mul3A_881, %get3A_13, %dot_general3A_882 {dimension_numbers = #tpu.dot_dimension_numbers<[1], [0], [0], [1], [0, 0, 1, 1], [], []>, transpose_lhs_hint = false} : vector<256x128xf32>, vector<128x128xf32>, vector<256x128xf32> -> vector<256x128xf32>
    %sqrt3A_884 = math.sqrt %dot_general3A_883 : vector<256x128xf32>
    %max3A_885 = arith.constant 9.99999996E-13 : f32
    %max3A_886 = vector.broadcast %max3A_885 : f32 to vector<256x128xf32>
    %max3A_887 = arith.maximumf %sqrt3A_884, %max3A_886 : vector<256x128xf32>
    %div3A_888 = arith.divf %add3A_880, %max3A_887 : vector<256x128xf32>
    %add3A_889 = arith.addf %add3A_845, %div3A_888 : vector<256x128xf32>
    %get3A_890 = arith.constant 20 : index
    %get3A_891 = arith.constant 0 : index
    %get3A_892 = arith.constant 0 : index
    %get3A_893 = vector.load %arg1[%get3A_890, %get3A_891, %get3A_892] : memref<50x256x128xf32, #tpu.memory_space<vmem>>, vector<1x256x128xf32>
    %get3A_894 = vector.shape_cast %get3A_893 : vector<1x256x128xf32> to vector<256x128xf32>
    %get3A_895 = arith.constant 20 : index
    %get3A_896 = arith.constant 0 : index
    %get3A_897 = arith.constant 0 : index
    %get3A_898 = vector.load %arg2[%get3A_895, %get3A_896, %get3A_897] : memref<50x20x256xf32, #tpu.memory_space<vmem>>, vector<1x20x256xf32>
    %get3A_899 = vector.shape_cast %get3A_898 : vector<1x20x256xf32> to vector<20x256xf32>
    %dot_general3A_900 = arith.constant dense<0.000000e+00> : vector<256x128xf32>
    %dot_general3A_901 = tpu.matmul %get3A_899, %get3A_1, %dot_general3A_900 {dimension_numbers = #tpu.dot_dimension_numbers<[0], [0], [1], [1], [0, 1, 1, 1], [], []>, transpose_lhs_hint = false} : vector<20x256xf32>, vector<20x128xf32>, vector<256x128xf32> -> vector<256x128xf32>
    %mul3A_902 = arith.mulf %get3A_894, %dot_general3A_901 : vector<256x128xf32>
    %dot_general3A_903 = arith.constant dense<0.000000e+00> : vector<256x128xf32>
    %dot_general3A_904 = tpu.matmul %get3A_894, %get3A_4, %dot_general3A_903 {dimension_numbers = #tpu.dot_dimension_numbers<[1], [0], [0], [1], [0, 0, 1, 1], [], []>, transpose_lhs_hint = false} : vector<256x128xf32>, vector<128x128xf32>, vector<256x128xf32> -> vector<256x128xf32>
    %dot_general3A_905 = arith.constant dense<0.000000e+00> : vector<256x128xf32>
    %dot_general3A_906 = tpu.matmul %dot_general3A_901, %get3A_7, %dot_general3A_905 {dimension_numbers = #tpu.dot_dimension_numbers<[1], [0], [0], [1], [0, 0, 1, 1], [], []>, transpose_lhs_hint = false} : vector<256x128xf32>, vector<128x128xf32>, vector<256x128xf32> -> vector<256x128xf32>
    %add3A_907 = arith.addf %dot_general3A_904, %dot_general3A_906 : vector<256x128xf32>
    %dot_general3A_908 = arith.constant dense<0.000000e+00> : vector<256x128xf32>
    %dot_general3A_909 = tpu.matmul %mul3A_902, %get3A_10, %dot_general3A_908 {dimension_numbers = #tpu.dot_dimension_numbers<[1], [0], [0], [1], [0, 0, 1, 1], [], []>, transpose_lhs_hint = false} : vector<256x128xf32>, vector<128x128xf32>, vector<256x128xf32> -> vector<256x128xf32>
    %add3A_910 = arith.addf %add3A_907, %dot_general3A_909 : vector<256x128xf32>
    %add3A_911 = vector.broadcast %get3A_16 : vector<1x128xf32> to vector<256x128xf32>
    %add3A_912 = arith.addf %add3A_910, %add3A_911 : vector<256x128xf32>
    %logistic3A_913 = arith.negf %add3A_912 : vector<256x128xf32>
    %logistic3A_914 = math.exp %logistic3A_913 : vector<256x128xf32>
    %logistic3A_915 = arith.constant 1.000000e+00 : f32
    %logistic3A_916 = vector.broadcast %logistic3A_915 : f32 to vector<256x128xf32>
    %logistic3A_917 = arith.addf %logistic3A_916, %logistic3A_914 : vector<256x128xf32>
    %logistic3A_918 = arith.divf %logistic3A_916, %logistic3A_917 : vector<256x128xf32>
    %mul3A_919 = arith.mulf %logistic3A_918, %get3A_894 : vector<256x128xf32>
    %sub3A_920 = arith.constant 1.000000e+00 : f32
    %sub3A_921 = vector.broadcast %sub3A_920 : f32 to vector<256x128xf32>
    %sub3A_922 = arith.subf %sub3A_921, %logistic3A_918 : vector<256x128xf32>
    %mul3A_923 = arith.mulf %sub3A_922, %dot_general3A_901 : vector<256x128xf32>
    %add3A_924 = arith.addf %mul3A_919, %mul3A_923 : vector<256x128xf32>
    %mul3A_925 = arith.mulf %add3A_924, %add3A_924 : vector<256x128xf32>
    %dot_general3A_926 = arith.constant dense<0.000000e+00> : vector<256x128xf32>
    %dot_general3A_927 = tpu.matmul %mul3A_925, %get3A_13, %dot_general3A_926 {dimension_numbers = #tpu.dot_dimension_numbers<[1], [0], [0], [1], [0, 0, 1, 1], [], []>, transpose_lhs_hint = false} : vector<256x128xf32>, vector<128x128xf32>, vector<256x128xf32> -> vector<256x128xf32>
    %sqrt3A_928 = math.sqrt %dot_general3A_927 : vector<256x128xf32>
    %max3A_929 = arith.constant 9.99999996E-13 : f32
    %max3A_930 = vector.broadcast %max3A_929 : f32 to vector<256x128xf32>
    %max3A_931 = arith.maximumf %sqrt3A_928, %max3A_930 : vector<256x128xf32>
    %div3A_932 = arith.divf %add3A_924, %max3A_931 : vector<256x128xf32>
    %add3A_933 = arith.addf %add3A_889, %div3A_932 : vector<256x128xf32>
    %get3A_934 = arith.constant 21 : index
    %get3A_935 = arith.constant 0 : index
    %get3A_936 = arith.constant 0 : index
    %get3A_937 = vector.load %arg1[%get3A_934, %get3A_935, %get3A_936] : memref<50x256x128xf32, #tpu.memory_space<vmem>>, vector<1x256x128xf32>
    %get3A_938 = vector.shape_cast %get3A_937 : vector<1x256x128xf32> to vector<256x128xf32>
    %get3A_939 = arith.constant 21 : index
    %get3A_940 = arith.constant 0 : index
    %get3A_941 = arith.constant 0 : index
    %get3A_942 = vector.load %arg2[%get3A_939, %get3A_940, %get3A_941] : memref<50x20x256xf32, #tpu.memory_space<vmem>>, vector<1x20x256xf32>
    %get3A_943 = vector.shape_cast %get3A_942 : vector<1x20x256xf32> to vector<20x256xf32>
    %dot_general3A_944 = arith.constant dense<0.000000e+00> : vector<256x128xf32>
    %dot_general3A_945 = tpu.matmul %get3A_943, %get3A_1, %dot_general3A_944 {dimension_numbers = #tpu.dot_dimension_numbers<[0], [0], [1], [1], [0, 1, 1, 1], [], []>, transpose_lhs_hint = false} : vector<20x256xf32>, vector<20x128xf32>, vector<256x128xf32> -> vector<256x128xf32>
    %mul3A_946 = arith.mulf %get3A_938, %dot_general3A_945 : vector<256x128xf32>
    %dot_general3A_947 = arith.constant dense<0.000000e+00> : vector<256x128xf32>
    %dot_general3A_948 = tpu.matmul %get3A_938, %get3A_4, %dot_general3A_947 {dimension_numbers = #tpu.dot_dimension_numbers<[1], [0], [0], [1], [0, 0, 1, 1], [], []>, transpose_lhs_hint = false} : vector<256x128xf32>, vector<128x128xf32>, vector<256x128xf32> -> vector<256x128xf32>
    %dot_general3A_949 = arith.constant dense<0.000000e+00> : vector<256x128xf32>
    %dot_general3A_950 = tpu.matmul %dot_general3A_945, %get3A_7, %dot_general3A_949 {dimension_numbers = #tpu.dot_dimension_numbers<[1], [0], [0], [1], [0, 0, 1, 1], [], []>, transpose_lhs_hint = false} : vector<256x128xf32>, vector<128x128xf32>, vector<256x128xf32> -> vector<256x128xf32>
    %add3A_951 = arith.addf %dot_general3A_948, %dot_general3A_950 : vector<256x128xf32>
    %dot_general3A_952 = arith.constant dense<0.000000e+00> : vector<256x128xf32>
    %dot_general3A_953 = tpu.matmul %mul3A_946, %get3A_10, %dot_general3A_952 {dimension_numbers = #tpu.dot_dimension_numbers<[1], [0], [0], [1], [0, 0, 1, 1], [], []>, transpose_lhs_hint = false} : vector<256x128xf32>, vector<128x128xf32>, vector<256x128xf32> -> vector<256x128xf32>
    %add3A_954 = arith.addf %add3A_951, %dot_general3A_953 : vector<256x128xf32>
    %add3A_955 = vector.broadcast %get3A_16 : vector<1x128xf32> to vector<256x128xf32>
    %add3A_956 = arith.addf %add3A_954, %add3A_955 : vector<256x128xf32>
    %logistic3A_957 = arith.negf %add3A_956 : vector<256x128xf32>
    %logistic3A_958 = math.exp %logistic3A_957 : vector<256x128xf32>
    %logistic3A_959 = arith.constant 1.000000e+00 : f32
    %logistic3A_960 = vector.broadcast %logistic3A_959 : f32 to vector<256x128xf32>
    %logistic3A_961 = arith.addf %logistic3A_960, %logistic3A_958 : vector<256x128xf32>
    %logistic3A_962 = arith.divf %logistic3A_960, %logistic3A_961 : vector<256x128xf32>
    %mul3A_963 = arith.mulf %logistic3A_962, %get3A_938 : vector<256x128xf32>
    %sub3A_964 = arith.constant 1.000000e+00 : f32
    %sub3A_965 = vector.broadcast %sub3A_964 : f32 to vector<256x128xf32>
    %sub3A_966 = arith.subf %sub3A_965, %logistic3A_962 : vector<256x128xf32>
    %mul3A_967 = arith.mulf %sub3A_966, %dot_general3A_945 : vector<256x128xf32>
    %add3A_968 = arith.addf %mul3A_963, %mul3A_967 : vector<256x128xf32>
    %mul3A_969 = arith.mulf %add3A_968, %add3A_968 : vector<256x128xf32>
    %dot_general3A_970 = arith.constant dense<0.000000e+00> : vector<256x128xf32>
    %dot_general3A_971 = tpu.matmul %mul3A_969, %get3A_13, %dot_general3A_970 {dimension_numbers = #tpu.dot_dimension_numbers<[1], [0], [0], [1], [0, 0, 1, 1], [], []>, transpose_lhs_hint = false} : vector<256x128xf32>, vector<128x128xf32>, vector<256x128xf32> -> vector<256x128xf32>
    %sqrt3A_972 = math.sqrt %dot_general3A_971 : vector<256x128xf32>
    %max3A_973 = arith.constant 9.99999996E-13 : f32
    %max3A_974 = vector.broadcast %max3A_973 : f32 to vector<256x128xf32>
    %max3A_975 = arith.maximumf %sqrt3A_972, %max3A_974 : vector<256x128xf32>
    %div3A_976 = arith.divf %add3A_968, %max3A_975 : vector<256x128xf32>
    %add3A_977 = arith.addf %add3A_933, %div3A_976 : vector<256x128xf32>
    %get3A_978 = arith.constant 22 : index
    %get3A_979 = arith.constant 0 : index
    %get3A_980 = arith.constant 0 : index
    %get3A_981 = vector.load %arg1[%get3A_978, %get3A_979, %get3A_980] : memref<50x256x128xf32, #tpu.memory_space<vmem>>, vector<1x256x128xf32>
    %get3A_982 = vector.shape_cast %get3A_981 : vector<1x256x128xf32> to vector<256x128xf32>
    %get3A_983 = arith.constant 22 : index
    %get3A_984 = arith.constant 0 : index
    %get3A_985 = arith.constant 0 : index
    %get3A_986 = vector.load %arg2[%get3A_983, %get3A_984, %get3A_985] : memref<50x20x256xf32, #tpu.memory_space<vmem>>, vector<1x20x256xf32>
    %get3A_987 = vector.shape_cast %get3A_986 : vector<1x20x256xf32> to vector<20x256xf32>
    %dot_general3A_988 = arith.constant dense<0.000000e+00> : vector<256x128xf32>
    %dot_general3A_989 = tpu.matmul %get3A_987, %get3A_1, %dot_general3A_988 {dimension_numbers = #tpu.dot_dimension_numbers<[0], [0], [1], [1], [0, 1, 1, 1], [], []>, transpose_lhs_hint = false} : vector<20x256xf32>, vector<20x128xf32>, vector<256x128xf32> -> vector<256x128xf32>
    %mul3A_990 = arith.mulf %get3A_982, %dot_general3A_989 : vector<256x128xf32>
    %dot_general3A_991 = arith.constant dense<0.000000e+00> : vector<256x128xf32>
    %dot_general3A_992 = tpu.matmul %get3A_982, %get3A_4, %dot_general3A_991 {dimension_numbers = #tpu.dot_dimension_numbers<[1], [0], [0], [1], [0, 0, 1, 1], [], []>, transpose_lhs_hint = false} : vector<256x128xf32>, vector<128x128xf32>, vector<256x128xf32> -> vector<256x128xf32>
    %dot_general3A_993 = arith.constant dense<0.000000e+00> : vector<256x128xf32>
    %dot_general3A_994 = tpu.matmul %dot_general3A_989, %get3A_7, %dot_general3A_993 {dimension_numbers = #tpu.dot_dimension_numbers<[1], [0], [0], [1], [0, 0, 1, 1], [], []>, transpose_lhs_hint = false} : vector<256x128xf32>, vector<128x128xf32>, vector<256x128xf32> -> vector<256x128xf32>
    %add3A_995 = arith.addf %dot_general3A_992, %dot_general3A_994 : vector<256x128xf32>
    %dot_general3A_996 = arith.constant dense<0.000000e+00> : vector<256x128xf32>
    %dot_general3A_997 = tpu.matmul %mul3A_990, %get3A_10, %dot_general3A_996 {dimension_numbers = #tpu.dot_dimension_numbers<[1], [0], [0], [1], [0, 0, 1, 1], [], []>, transpose_lhs_hint = false} : vector<256x128xf32>, vector<128x128xf32>, vector<256x128xf32> -> vector<256x128xf32>
    %add3A_998 = arith.addf %add3A_995, %dot_general3A_997 : vector<256x128xf32>
    %add3A_999 = vector.broadcast %get3A_16 : vector<1x128xf32> to vector<256x128xf32>
    %add3A_1000 = arith.addf %add3A_998, %add3A_999 : vector<256x128xf32>
    %logistic3A_1001 = arith.negf %add3A_1000 : vector<256x128xf32>
    %logistic3A_1002 = math.exp %logistic3A_1001 : vector<256x128xf32>
    %logistic3A_1003 = arith.constant 1.000000e+00 : f32
    %logistic3A_1004 = vector.broadcast %logistic3A_1003 : f32 to vector<256x128xf32>
    %logistic3A_1005 = arith.addf %logistic3A_1004, %logistic3A_1002 : vector<256x128xf32>
    %logistic3A_1006 = arith.divf %logistic3A_1004, %logistic3A_1005 : vector<256x128xf32>
    %mul3A_1007 = arith.mulf %logistic3A_1006, %get3A_982 : vector<256x128xf32>
    %sub3A_1008 = arith.constant 1.000000e+00 : f32
    %sub3A_1009 = vector.broadcast %sub3A_1008 : f32 to vector<256x128xf32>
    %sub3A_1010 = arith.subf %sub3A_1009, %logistic3A_1006 : vector<256x128xf32>
    %mul3A_1011 = arith.mulf %sub3A_1010, %dot_general3A_989 : vector<256x128xf32>
    %add3A_1012 = arith.addf %mul3A_1007, %mul3A_1011 : vector<256x128xf32>
    %mul3A_1013 = arith.mulf %add3A_1012, %add3A_1012 : vector<256x128xf32>
    %dot_general3A_1014 = arith.constant dense<0.000000e+00> : vector<256x128xf32>
    %dot_general3A_1015 = tpu.matmul %mul3A_1013, %get3A_13, %dot_general3A_1014 {dimension_numbers = #tpu.dot_dimension_numbers<[1], [0], [0], [1], [0, 0, 1, 1], [], []>, transpose_lhs_hint = false} : vector<256x128xf32>, vector<128x128xf32>, vector<256x128xf32> -> vector<256x128xf32>
    %sqrt3A_1016 = math.sqrt %dot_general3A_1015 : vector<256x128xf32>
    %max3A_1017 = arith.constant 9.99999996E-13 : f32
    %max3A_1018 = vector.broadcast %max3A_1017 : f32 to vector<256x128xf32>
    %max3A_1019 = arith.maximumf %sqrt3A_1016, %max3A_1018 : vector<256x128xf32>
    %div3A_1020 = arith.divf %add3A_1012, %max3A_1019 : vector<256x128xf32>
    %add3A_1021 = arith.addf %add3A_977, %div3A_1020 : vector<256x128xf32>
    %get3A_1022 = arith.constant 23 : index
    %get3A_1023 = arith.constant 0 : index
    %get3A_1024 = arith.constant 0 : index
    %get3A_1025 = vector.load %arg1[%get3A_1022, %get3A_1023, %get3A_1024] : memref<50x256x128xf32, #tpu.memory_space<vmem>>, vector<1x256x128xf32>
    %get3A_1026 = vector.shape_cast %get3A_1025 : vector<1x256x128xf32> to vector<256x128xf32>
    %get3A_1027 = arith.constant 23 : index
    %get3A_1028 = arith.constant 0 : index
    %get3A_1029 = arith.constant 0 : index
    %get3A_1030 = vector.load %arg2[%get3A_1027, %get3A_1028, %get3A_1029] : memref<50x20x256xf32, #tpu.memory_space<vmem>>, vector<1x20x256xf32>
    %get3A_1031 = vector.shape_cast %get3A_1030 : vector<1x20x256xf32> to vector<20x256xf32>
    %dot_general3A_1032 = arith.constant dense<0.000000e+00> : vector<256x128xf32>
    %dot_general3A_1033 = tpu.matmul %get3A_1031, %get3A_1, %dot_general3A_1032 {dimension_numbers = #tpu.dot_dimension_numbers<[0], [0], [1], [1], [0, 1, 1, 1], [], []>, transpose_lhs_hint = false} : vector<20x256xf32>, vector<20x128xf32>, vector<256x128xf32> -> vector<256x128xf32>
    %mul3A_1034 = arith.mulf %get3A_1026, %dot_general3A_1033 : vector<256x128xf32>
    %dot_general3A_1035 = arith.constant dense<0.000000e+00> : vector<256x128xf32>
    %dot_general3A_1036 = tpu.matmul %get3A_1026, %get3A_4, %dot_general3A_1035 {dimension_numbers = #tpu.dot_dimension_numbers<[1], [0], [0], [1], [0, 0, 1, 1], [], []>, transpose_lhs_hint = false} : vector<256x128xf32>, vector<128x128xf32>, vector<256x128xf32> -> vector<256x128xf32>
    %dot_general3A_1037 = arith.constant dense<0.000000e+00> : vector<256x128xf32>
    %dot_general3A_1038 = tpu.matmul %dot_general3A_1033, %get3A_7, %dot_general3A_1037 {dimension_numbers = #tpu.dot_dimension_numbers<[1], [0], [0], [1], [0, 0, 1, 1], [], []>, transpose_lhs_hint = false} : vector<256x128xf32>, vector<128x128xf32>, vector<256x128xf32> -> vector<256x128xf32>
    %add3A_1039 = arith.addf %dot_general3A_1036, %dot_general3A_1038 : vector<256x128xf32>
    %dot_general3A_1040 = arith.constant dense<0.000000e+00> : vector<256x128xf32>
    %dot_general3A_1041 = tpu.matmul %mul3A_1034, %get3A_10, %dot_general3A_1040 {dimension_numbers = #tpu.dot_dimension_numbers<[1], [0], [0], [1], [0, 0, 1, 1], [], []>, transpose_lhs_hint = false} : vector<256x128xf32>, vector<128x128xf32>, vector<256x128xf32> -> vector<256x128xf32>
    %add3A_1042 = arith.addf %add3A_1039, %dot_general3A_1041 : vector<256x128xf32>
    %add3A_1043 = vector.broadcast %get3A_16 : vector<1x128xf32> to vector<256x128xf32>
    %add3A_1044 = arith.addf %add3A_1042, %add3A_1043 : vector<256x128xf32>
    %logistic3A_1045 = arith.negf %add3A_1044 : vector<256x128xf32>
    %logistic3A_1046 = math.exp %logistic3A_1045 : vector<256x128xf32>
    %logistic3A_1047 = arith.constant 1.000000e+00 : f32
    %logistic3A_1048 = vector.broadcast %logistic3A_1047 : f32 to vector<256x128xf32>
    %logistic3A_1049 = arith.addf %logistic3A_1048, %logistic3A_1046 : vector<256x128xf32>
    %logistic3A_1050 = arith.divf %logistic3A_1048, %logistic3A_1049 : vector<256x128xf32>
    %mul3A_1051 = arith.mulf %logistic3A_1050, %get3A_1026 : vector<256x128xf32>
    %sub3A_1052 = arith.constant 1.000000e+00 : f32
    %sub3A_1053 = vector.broadcast %sub3A_1052 : f32 to vector<256x128xf32>
    %sub3A_1054 = arith.subf %sub3A_1053, %logistic3A_1050 : vector<256x128xf32>
    %mul3A_1055 = arith.mulf %sub3A_1054, %dot_general3A_1033 : vector<256x128xf32>
    %add3A_1056 = arith.addf %mul3A_1051, %mul3A_1055 : vector<256x128xf32>
    %mul3A_1057 = arith.mulf %add3A_1056, %add3A_1056 : vector<256x128xf32>
    %dot_general3A_1058 = arith.constant dense<0.000000e+00> : vector<256x128xf32>
    %dot_general3A_1059 = tpu.matmul %mul3A_1057, %get3A_13, %dot_general3A_1058 {dimension_numbers = #tpu.dot_dimension_numbers<[1], [0], [0], [1], [0, 0, 1, 1], [], []>, transpose_lhs_hint = false} : vector<256x128xf32>, vector<128x128xf32>, vector<256x128xf32> -> vector<256x128xf32>
    %sqrt3A_1060 = math.sqrt %dot_general3A_1059 : vector<256x128xf32>
    %max3A_1061 = arith.constant 9.99999996E-13 : f32
    %max3A_1062 = vector.broadcast %max3A_1061 : f32 to vector<256x128xf32>
    %max3A_1063 = arith.maximumf %sqrt3A_1060, %max3A_1062 : vector<256x128xf32>
    %div3A_1064 = arith.divf %add3A_1056, %max3A_1063 : vector<256x128xf32>
    %add3A_1065 = arith.addf %add3A_1021, %div3A_1064 : vector<256x128xf32>
    %get3A_1066 = arith.constant 24 : index
    %get3A_1067 = arith.constant 0 : index
    %get3A_1068 = arith.constant 0 : index
    %get3A_1069 = vector.load %arg1[%get3A_1066, %get3A_1067, %get3A_1068] : memref<50x256x128xf32, #tpu.memory_space<vmem>>, vector<1x256x128xf32>
    %get3A_1070 = vector.shape_cast %get3A_1069 : vector<1x256x128xf32> to vector<256x128xf32>
    %get3A_1071 = arith.constant 24 : index
    %get3A_1072 = arith.constant 0 : index
    %get3A_1073 = arith.constant 0 : index
    %get3A_1074 = vector.load %arg2[%get3A_1071, %get3A_1072, %get3A_1073] : memref<50x20x256xf32, #tpu.memory_space<vmem>>, vector<1x20x256xf32>
    %get3A_1075 = vector.shape_cast %get3A_1074 : vector<1x20x256xf32> to vector<20x256xf32>
    %dot_general3A_1076 = arith.constant dense<0.000000e+00> : vector<256x128xf32>
    %dot_general3A_1077 = tpu.matmul %get3A_1075, %get3A_1, %dot_general3A_1076 {dimension_numbers = #tpu.dot_dimension_numbers<[0], [0], [1], [1], [0, 1, 1, 1], [], []>, transpose_lhs_hint = false} : vector<20x256xf32>, vector<20x128xf32>, vector<256x128xf32> -> vector<256x128xf32>
    %mul3A_1078 = arith.mulf %get3A_1070, %dot_general3A_1077 : vector<256x128xf32>
    %dot_general3A_1079 = arith.constant dense<0.000000e+00> : vector<256x128xf32>
    %dot_general3A_1080 = tpu.matmul %get3A_1070, %get3A_4, %dot_general3A_1079 {dimension_numbers = #tpu.dot_dimension_numbers<[1], [0], [0], [1], [0, 0, 1, 1], [], []>, transpose_lhs_hint = false} : vector<256x128xf32>, vector<128x128xf32>, vector<256x128xf32> -> vector<256x128xf32>
    %dot_general3A_1081 = arith.constant dense<0.000000e+00> : vector<256x128xf32>
    %dot_general3A_1082 = tpu.matmul %dot_general3A_1077, %get3A_7, %dot_general3A_1081 {dimension_numbers = #tpu.dot_dimension_numbers<[1], [0], [0], [1], [0, 0, 1, 1], [], []>, transpose_lhs_hint = false} : vector<256x128xf32>, vector<128x128xf32>, vector<256x128xf32> -> vector<256x128xf32>
    %add3A_1083 = arith.addf %dot_general3A_1080, %dot_general3A_1082 : vector<256x128xf32>
    %dot_general3A_1084 = arith.constant dense<0.000000e+00> : vector<256x128xf32>
    %dot_general3A_1085 = tpu.matmul %mul3A_1078, %get3A_10, %dot_general3A_1084 {dimension_numbers = #tpu.dot_dimension_numbers<[1], [0], [0], [1], [0, 0, 1, 1], [], []>, transpose_lhs_hint = false} : vector<256x128xf32>, vector<128x128xf32>, vector<256x128xf32> -> vector<256x128xf32>
    %add3A_1086 = arith.addf %add3A_1083, %dot_general3A_1085 : vector<256x128xf32>
    %add3A_1087 = vector.broadcast %get3A_16 : vector<1x128xf32> to vector<256x128xf32>
    %add3A_1088 = arith.addf %add3A_1086, %add3A_1087 : vector<256x128xf32>
    %logistic3A_1089 = arith.negf %add3A_1088 : vector<256x128xf32>
    %logistic3A_1090 = math.exp %logistic3A_1089 : vector<256x128xf32>
    %logistic3A_1091 = arith.constant 1.000000e+00 : f32
    %logistic3A_1092 = vector.broadcast %logistic3A_1091 : f32 to vector<256x128xf32>
    %logistic3A_1093 = arith.addf %logistic3A_1092, %logistic3A_1090 : vector<256x128xf32>
    %logistic3A_1094 = arith.divf %logistic3A_1092, %logistic3A_1093 : vector<256x128xf32>
    %mul3A_1095 = arith.mulf %logistic3A_1094, %get3A_1070 : vector<256x128xf32>
    %sub3A_1096 = arith.constant 1.000000e+00 : f32
    %sub3A_1097 = vector.broadcast %sub3A_1096 : f32 to vector<256x128xf32>
    %sub3A_1098 = arith.subf %sub3A_1097, %logistic3A_1094 : vector<256x128xf32>
    %mul3A_1099 = arith.mulf %sub3A_1098, %dot_general3A_1077 : vector<256x128xf32>
    %add3A_1100 = arith.addf %mul3A_1095, %mul3A_1099 : vector<256x128xf32>
    %mul3A_1101 = arith.mulf %add3A_1100, %add3A_1100 : vector<256x128xf32>
    %dot_general3A_1102 = arith.constant dense<0.000000e+00> : vector<256x128xf32>
    %dot_general3A_1103 = tpu.matmul %mul3A_1101, %get3A_13, %dot_general3A_1102 {dimension_numbers = #tpu.dot_dimension_numbers<[1], [0], [0], [1], [0, 0, 1, 1], [], []>, transpose_lhs_hint = false} : vector<256x128xf32>, vector<128x128xf32>, vector<256x128xf32> -> vector<256x128xf32>
    %sqrt3A_1104 = math.sqrt %dot_general3A_1103 : vector<256x128xf32>
    %max3A_1105 = arith.constant 9.99999996E-13 : f32
    %max3A_1106 = vector.broadcast %max3A_1105 : f32 to vector<256x128xf32>
    %max3A_1107 = arith.maximumf %sqrt3A_1104, %max3A_1106 : vector<256x128xf32>
    %div3A_1108 = arith.divf %add3A_1100, %max3A_1107 : vector<256x128xf32>
    %add3A_1109 = arith.addf %add3A_1065, %div3A_1108 : vector<256x128xf32>
    %get3A_1110 = arith.constant 25 : index
    %get3A_1111 = arith.constant 0 : index
    %get3A_1112 = arith.constant 0 : index
    %get3A_1113 = vector.load %arg1[%get3A_1110, %get3A_1111, %get3A_1112] : memref<50x256x128xf32, #tpu.memory_space<vmem>>, vector<1x256x128xf32>
    %get3A_1114 = vector.shape_cast %get3A_1113 : vector<1x256x128xf32> to vector<256x128xf32>
    %get3A_1115 = arith.constant 25 : index
    %get3A_1116 = arith.constant 0 : index
    %get3A_1117 = arith.constant 0 : index
    %get3A_1118 = vector.load %arg2[%get3A_1115, %get3A_1116, %get3A_1117] : memref<50x20x256xf32, #tpu.memory_space<vmem>>, vector<1x20x256xf32>
    %get3A_1119 = vector.shape_cast %get3A_1118 : vector<1x20x256xf32> to vector<20x256xf32>
    %dot_general3A_1120 = arith.constant dense<0.000000e+00> : vector<256x128xf32>
    %dot_general3A_1121 = tpu.matmul %get3A_1119, %get3A_1, %dot_general3A_1120 {dimension_numbers = #tpu.dot_dimension_numbers<[0], [0], [1], [1], [0, 1, 1, 1], [], []>, transpose_lhs_hint = false} : vector<20x256xf32>, vector<20x128xf32>, vector<256x128xf32> -> vector<256x128xf32>
    %mul3A_1122 = arith.mulf %get3A_1114, %dot_general3A_1121 : vector<256x128xf32>
    %dot_general3A_1123 = arith.constant dense<0.000000e+00> : vector<256x128xf32>
    %dot_general3A_1124 = tpu.matmul %get3A_1114, %get3A_4, %dot_general3A_1123 {dimension_numbers = #tpu.dot_dimension_numbers<[1], [0], [0], [1], [0, 0, 1, 1], [], []>, transpose_lhs_hint = false} : vector<256x128xf32>, vector<128x128xf32>, vector<256x128xf32> -> vector<256x128xf32>
    %dot_general3A_1125 = arith.constant dense<0.000000e+00> : vector<256x128xf32>
    %dot_general3A_1126 = tpu.matmul %dot_general3A_1121, %get3A_7, %dot_general3A_1125 {dimension_numbers = #tpu.dot_dimension_numbers<[1], [0], [0], [1], [0, 0, 1, 1], [], []>, transpose_lhs_hint = false} : vector<256x128xf32>, vector<128x128xf32>, vector<256x128xf32> -> vector<256x128xf32>
    %add3A_1127 = arith.addf %dot_general3A_1124, %dot_general3A_1126 : vector<256x128xf32>
    %dot_general3A_1128 = arith.constant dense<0.000000e+00> : vector<256x128xf32>
    %dot_general3A_1129 = tpu.matmul %mul3A_1122, %get3A_10, %dot_general3A_1128 {dimension_numbers = #tpu.dot_dimension_numbers<[1], [0], [0], [1], [0, 0, 1, 1], [], []>, transpose_lhs_hint = false} : vector<256x128xf32>, vector<128x128xf32>, vector<256x128xf32> -> vector<256x128xf32>
    %add3A_1130 = arith.addf %add3A_1127, %dot_general3A_1129 : vector<256x128xf32>
    %add3A_1131 = vector.broadcast %get3A_16 : vector<1x128xf32> to vector<256x128xf32>
    %add3A_1132 = arith.addf %add3A_1130, %add3A_1131 : vector<256x128xf32>
    %logistic3A_1133 = arith.negf %add3A_1132 : vector<256x128xf32>
    %logistic3A_1134 = math.exp %logistic3A_1133 : vector<256x128xf32>
    %logistic3A_1135 = arith.constant 1.000000e+00 : f32
    %logistic3A_1136 = vector.broadcast %logistic3A_1135 : f32 to vector<256x128xf32>
    %logistic3A_1137 = arith.addf %logistic3A_1136, %logistic3A_1134 : vector<256x128xf32>
    %logistic3A_1138 = arith.divf %logistic3A_1136, %logistic3A_1137 : vector<256x128xf32>
    %mul3A_1139 = arith.mulf %logistic3A_1138, %get3A_1114 : vector<256x128xf32>
    %sub3A_1140 = arith.constant 1.000000e+00 : f32
    %sub3A_1141 = vector.broadcast %sub3A_1140 : f32 to vector<256x128xf32>
    %sub3A_1142 = arith.subf %sub3A_1141, %logistic3A_1138 : vector<256x128xf32>
    %mul3A_1143 = arith.mulf %sub3A_1142, %dot_general3A_1121 : vector<256x128xf32>
    %add3A_1144 = arith.addf %mul3A_1139, %mul3A_1143 : vector<256x128xf32>
    %mul3A_1145 = arith.mulf %add3A_1144, %add3A_1144 : vector<256x128xf32>
    %dot_general3A_1146 = arith.constant dense<0.000000e+00> : vector<256x128xf32>
    %dot_general3A_1147 = tpu.matmul %mul3A_1145, %get3A_13, %dot_general3A_1146 {dimension_numbers = #tpu.dot_dimension_numbers<[1], [0], [0], [1], [0, 0, 1, 1], [], []>, transpose_lhs_hint = false} : vector<256x128xf32>, vector<128x128xf32>, vector<256x128xf32> -> vector<256x128xf32>
    %sqrt3A_1148 = math.sqrt %dot_general3A_1147 : vector<256x128xf32>
    %max3A_1149 = arith.constant 9.99999996E-13 : f32
    %max3A_1150 = vector.broadcast %max3A_1149 : f32 to vector<256x128xf32>
    %max3A_1151 = arith.maximumf %sqrt3A_1148, %max3A_1150 : vector<256x128xf32>
    %div3A_1152 = arith.divf %add3A_1144, %max3A_1151 : vector<256x128xf32>
    %add3A_1153 = arith.addf %add3A_1109, %div3A_1152 : vector<256x128xf32>
    %get3A_1154 = arith.constant 26 : index
    %get3A_1155 = arith.constant 0 : index
    %get3A_1156 = arith.constant 0 : index
    %get3A_1157 = vector.load %arg1[%get3A_1154, %get3A_1155, %get3A_1156] : memref<50x256x128xf32, #tpu.memory_space<vmem>>, vector<1x256x128xf32>
    %get3A_1158 = vector.shape_cast %get3A_1157 : vector<1x256x128xf32> to vector<256x128xf32>
    %get3A_1159 = arith.constant 26 : index
    %get3A_1160 = arith.constant 0 : index
    %get3A_1161 = arith.constant 0 : index
    %get3A_1162 = vector.load %arg2[%get3A_1159, %get3A_1160, %get3A_1161] : memref<50x20x256xf32, #tpu.memory_space<vmem>>, vector<1x20x256xf32>
    %get3A_1163 = vector.shape_cast %get3A_1162 : vector<1x20x256xf32> to vector<20x256xf32>
    %dot_general3A_1164 = arith.constant dense<0.000000e+00> : vector<256x128xf32>
    %dot_general3A_1165 = tpu.matmul %get3A_1163, %get3A_1, %dot_general3A_1164 {dimension_numbers = #tpu.dot_dimension_numbers<[0], [0], [1], [1], [0, 1, 1, 1], [], []>, transpose_lhs_hint = false} : vector<20x256xf32>, vector<20x128xf32>, vector<256x128xf32> -> vector<256x128xf32>
    %mul3A_1166 = arith.mulf %get3A_1158, %dot_general3A_1165 : vector<256x128xf32>
    %dot_general3A_1167 = arith.constant dense<0.000000e+00> : vector<256x128xf32>
    %dot_general3A_1168 = tpu.matmul %get3A_1158, %get3A_4, %dot_general3A_1167 {dimension_numbers = #tpu.dot_dimension_numbers<[1], [0], [0], [1], [0, 0, 1, 1], [], []>, transpose_lhs_hint = false} : vector<256x128xf32>, vector<128x128xf32>, vector<256x128xf32> -> vector<256x128xf32>
    %dot_general3A_1169 = arith.constant dense<0.000000e+00> : vector<256x128xf32>
    %dot_general3A_1170 = tpu.matmul %dot_general3A_1165, %get3A_7, %dot_general3A_1169 {dimension_numbers = #tpu.dot_dimension_numbers<[1], [0], [0], [1], [0, 0, 1, 1], [], []>, transpose_lhs_hint = false} : vector<256x128xf32>, vector<128x128xf32>, vector<256x128xf32> -> vector<256x128xf32>
    %add3A_1171 = arith.addf %dot_general3A_1168, %dot_general3A_1170 : vector<256x128xf32>
    %dot_general3A_1172 = arith.constant dense<0.000000e+00> : vector<256x128xf32>
    %dot_general3A_1173 = tpu.matmul %mul3A_1166, %get3A_10, %dot_general3A_1172 {dimension_numbers = #tpu.dot_dimension_numbers<[1], [0], [0], [1], [0, 0, 1, 1], [], []>, transpose_lhs_hint = false} : vector<256x128xf32>, vector<128x128xf32>, vector<256x128xf32> -> vector<256x128xf32>
    %add3A_1174 = arith.addf %add3A_1171, %dot_general3A_1173 : vector<256x128xf32>
    %add3A_1175 = vector.broadcast %get3A_16 : vector<1x128xf32> to vector<256x128xf32>
    %add3A_1176 = arith.addf %add3A_1174, %add3A_1175 : vector<256x128xf32>
    %logistic3A_1177 = arith.negf %add3A_1176 : vector<256x128xf32>
    %logistic3A_1178 = math.exp %logistic3A_1177 : vector<256x128xf32>
    %logistic3A_1179 = arith.constant 1.000000e+00 : f32
    %logistic3A_1180 = vector.broadcast %logistic3A_1179 : f32 to vector<256x128xf32>
    %logistic3A_1181 = arith.addf %logistic3A_1180, %logistic3A_1178 : vector<256x128xf32>
    %logistic3A_1182 = arith.divf %logistic3A_1180, %logistic3A_1181 : vector<256x128xf32>
    %mul3A_1183 = arith.mulf %logistic3A_1182, %get3A_1158 : vector<256x128xf32>
    %sub3A_1184 = arith.constant 1.000000e+00 : f32
    %sub3A_1185 = vector.broadcast %sub3A_1184 : f32 to vector<256x128xf32>
    %sub3A_1186 = arith.subf %sub3A_1185, %logistic3A_1182 : vector<256x128xf32>
    %mul3A_1187 = arith.mulf %sub3A_1186, %dot_general3A_1165 : vector<256x128xf32>
    %add3A_1188 = arith.addf %mul3A_1183, %mul3A_1187 : vector<256x128xf32>
    %mul3A_1189 = arith.mulf %add3A_1188, %add3A_1188 : vector<256x128xf32>
    %dot_general3A_1190 = arith.constant dense<0.000000e+00> : vector<256x128xf32>
    %dot_general3A_1191 = tpu.matmul %mul3A_1189, %get3A_13, %dot_general3A_1190 {dimension_numbers = #tpu.dot_dimension_numbers<[1], [0], [0], [1], [0, 0, 1, 1], [], []>, transpose_lhs_hint = false} : vector<256x128xf32>, vector<128x128xf32>, vector<256x128xf32> -> vector<256x128xf32>
    %sqrt3A_1192 = math.sqrt %dot_general3A_1191 : vector<256x128xf32>
    %max3A_1193 = arith.constant 9.99999996E-13 : f32
    %max3A_1194 = vector.broadcast %max3A_1193 : f32 to vector<256x128xf32>
    %max3A_1195 = arith.maximumf %sqrt3A_1192, %max3A_1194 : vector<256x128xf32>
    %div3A_1196 = arith.divf %add3A_1188, %max3A_1195 : vector<256x128xf32>
    %add3A_1197 = arith.addf %add3A_1153, %div3A_1196 : vector<256x128xf32>
    %get3A_1198 = arith.constant 27 : index
    %get3A_1199 = arith.constant 0 : index
    %get3A_1200 = arith.constant 0 : index
    %get3A_1201 = vector.load %arg1[%get3A_1198, %get3A_1199, %get3A_1200] : memref<50x256x128xf32, #tpu.memory_space<vmem>>, vector<1x256x128xf32>
    %get3A_1202 = vector.shape_cast %get3A_1201 : vector<1x256x128xf32> to vector<256x128xf32>
    %get3A_1203 = arith.constant 27 : index
    %get3A_1204 = arith.constant 0 : index
    %get3A_1205 = arith.constant 0 : index
    %get3A_1206 = vector.load %arg2[%get3A_1203, %get3A_1204, %get3A_1205] : memref<50x20x256xf32, #tpu.memory_space<vmem>>, vector<1x20x256xf32>
    %get3A_1207 = vector.shape_cast %get3A_1206 : vector<1x20x256xf32> to vector<20x256xf32>
    %dot_general3A_1208 = arith.constant dense<0.000000e+00> : vector<256x128xf32>
    %dot_general3A_1209 = tpu.matmul %get3A_1207, %get3A_1, %dot_general3A_1208 {dimension_numbers = #tpu.dot_dimension_numbers<[0], [0], [1], [1], [0, 1, 1, 1], [], []>, transpose_lhs_hint = false} : vector<20x256xf32>, vector<20x128xf32>, vector<256x128xf32> -> vector<256x128xf32>
    %mul3A_1210 = arith.mulf %get3A_1202, %dot_general3A_1209 : vector<256x128xf32>
    %dot_general3A_1211 = arith.constant dense<0.000000e+00> : vector<256x128xf32>
    %dot_general3A_1212 = tpu.matmul %get3A_1202, %get3A_4, %dot_general3A_1211 {dimension_numbers = #tpu.dot_dimension_numbers<[1], [0], [0], [1], [0, 0, 1, 1], [], []>, transpose_lhs_hint = false} : vector<256x128xf32>, vector<128x128xf32>, vector<256x128xf32> -> vector<256x128xf32>
    %dot_general3A_1213 = arith.constant dense<0.000000e+00> : vector<256x128xf32>
    %dot_general3A_1214 = tpu.matmul %dot_general3A_1209, %get3A_7, %dot_general3A_1213 {dimension_numbers = #tpu.dot_dimension_numbers<[1], [0], [0], [1], [0, 0, 1, 1], [], []>, transpose_lhs_hint = false} : vector<256x128xf32>, vector<128x128xf32>, vector<256x128xf32> -> vector<256x128xf32>
    %add3A_1215 = arith.addf %dot_general3A_1212, %dot_general3A_1214 : vector<256x128xf32>
    %dot_general3A_1216 = arith.constant dense<0.000000e+00> : vector<256x128xf32>
    %dot_general3A_1217 = tpu.matmul %mul3A_1210, %get3A_10, %dot_general3A_1216 {dimension_numbers = #tpu.dot_dimension_numbers<[1], [0], [0], [1], [0, 0, 1, 1], [], []>, transpose_lhs_hint = false} : vector<256x128xf32>, vector<128x128xf32>, vector<256x128xf32> -> vector<256x128xf32>
    %add3A_1218 = arith.addf %add3A_1215, %dot_general3A_1217 : vector<256x128xf32>
    %add3A_1219 = vector.broadcast %get3A_16 : vector<1x128xf32> to vector<256x128xf32>
    %add3A_1220 = arith.addf %add3A_1218, %add3A_1219 : vector<256x128xf32>
    %logistic3A_1221 = arith.negf %add3A_1220 : vector<256x128xf32>
    %logistic3A_1222 = math.exp %logistic3A_1221 : vector<256x128xf32>
    %logistic3A_1223 = arith.constant 1.000000e+00 : f32
    %logistic3A_1224 = vector.broadcast %logistic3A_1223 : f32 to vector<256x128xf32>
    %logistic3A_1225 = arith.addf %logistic3A_1224, %logistic3A_1222 : vector<256x128xf32>
    %logistic3A_1226 = arith.divf %logistic3A_1224, %logistic3A_1225 : vector<256x128xf32>
    %mul3A_1227 = arith.mulf %logistic3A_1226, %get3A_1202 : vector<256x128xf32>
    %sub3A_1228 = arith.constant 1.000000e+00 : f32
    %sub3A_1229 = vector.broadcast %sub3A_1228 : f32 to vector<256x128xf32>
    %sub3A_1230 = arith.subf %sub3A_1229, %logistic3A_1226 : vector<256x128xf32>
    %mul3A_1231 = arith.mulf %sub3A_1230, %dot_general3A_1209 : vector<256x128xf32>
    %add3A_1232 = arith.addf %mul3A_1227, %mul3A_1231 : vector<256x128xf32>
    %mul3A_1233 = arith.mulf %add3A_1232, %add3A_1232 : vector<256x128xf32>
    %dot_general3A_1234 = arith.constant dense<0.000000e+00> : vector<256x128xf32>
    %dot_general3A_1235 = tpu.matmul %mul3A_1233, %get3A_13, %dot_general3A_1234 {dimension_numbers = #tpu.dot_dimension_numbers<[1], [0], [0], [1], [0, 0, 1, 1], [], []>, transpose_lhs_hint = false} : vector<256x128xf32>, vector<128x128xf32>, vector<256x128xf32> -> vector<256x128xf32>
    %sqrt3A_1236 = math.sqrt %dot_general3A_1235 : vector<256x128xf32>
    %max3A_1237 = arith.constant 9.99999996E-13 : f32
    %max3A_1238 = vector.broadcast %max3A_1237 : f32 to vector<256x128xf32>
    %max3A_1239 = arith.maximumf %sqrt3A_1236, %max3A_1238 : vector<256x128xf32>
    %div3A_1240 = arith.divf %add3A_1232, %max3A_1239 : vector<256x128xf32>
    %add3A_1241 = arith.addf %add3A_1197, %div3A_1240 : vector<256x128xf32>
    %get3A_1242 = arith.constant 28 : index
    %get3A_1243 = arith.constant 0 : index
    %get3A_1244 = arith.constant 0 : index
    %get3A_1245 = vector.load %arg1[%get3A_1242, %get3A_1243, %get3A_1244] : memref<50x256x128xf32, #tpu.memory_space<vmem>>, vector<1x256x128xf32>
    %get3A_1246 = vector.shape_cast %get3A_1245 : vector<1x256x128xf32> to vector<256x128xf32>
    %get3A_1247 = arith.constant 28 : index
    %get3A_1248 = arith.constant 0 : index
    %get3A_1249 = arith.constant 0 : index
    %get3A_1250 = vector.load %arg2[%get3A_1247, %get3A_1248, %get3A_1249] : memref<50x20x256xf32, #tpu.memory_space<vmem>>, vector<1x20x256xf32>
    %get3A_1251 = vector.shape_cast %get3A_1250 : vector<1x20x256xf32> to vector<20x256xf32>
    %dot_general3A_1252 = arith.constant dense<0.000000e+00> : vector<256x128xf32>
    %dot_general3A_1253 = tpu.matmul %get3A_1251, %get3A_1, %dot_general3A_1252 {dimension_numbers = #tpu.dot_dimension_numbers<[0], [0], [1], [1], [0, 1, 1, 1], [], []>, transpose_lhs_hint = false} : vector<20x256xf32>, vector<20x128xf32>, vector<256x128xf32> -> vector<256x128xf32>
    %mul3A_1254 = arith.mulf %get3A_1246, %dot_general3A_1253 : vector<256x128xf32>
    %dot_general3A_1255 = arith.constant dense<0.000000e+00> : vector<256x128xf32>
    %dot_general3A_1256 = tpu.matmul %get3A_1246, %get3A_4, %dot_general3A_1255 {dimension_numbers = #tpu.dot_dimension_numbers<[1], [0], [0], [1], [0, 0, 1, 1], [], []>, transpose_lhs_hint = false} : vector<256x128xf32>, vector<128x128xf32>, vector<256x128xf32> -> vector<256x128xf32>
    %dot_general3A_1257 = arith.constant dense<0.000000e+00> : vector<256x128xf32>
    %dot_general3A_1258 = tpu.matmul %dot_general3A_1253, %get3A_7, %dot_general3A_1257 {dimension_numbers = #tpu.dot_dimension_numbers<[1], [0], [0], [1], [0, 0, 1, 1], [], []>, transpose_lhs_hint = false} : vector<256x128xf32>, vector<128x128xf32>, vector<256x128xf32> -> vector<256x128xf32>
    %add3A_1259 = arith.addf %dot_general3A_1256, %dot_general3A_1258 : vector<256x128xf32>
    %dot_general3A_1260 = arith.constant dense<0.000000e+00> : vector<256x128xf32>
    %dot_general3A_1261 = tpu.matmul %mul3A_1254, %get3A_10, %dot_general3A_1260 {dimension_numbers = #tpu.dot_dimension_numbers<[1], [0], [0], [1], [0, 0, 1, 1], [], []>, transpose_lhs_hint = false} : vector<256x128xf32>, vector<128x128xf32>, vector<256x128xf32> -> vector<256x128xf32>
    %add3A_1262 = arith.addf %add3A_1259, %dot_general3A_1261 : vector<256x128xf32>
    %add3A_1263 = vector.broadcast %get3A_16 : vector<1x128xf32> to vector<256x128xf32>
    %add3A_1264 = arith.addf %add3A_1262, %add3A_1263 : vector<256x128xf32>
    %logistic3A_1265 = arith.negf %add3A_1264 : vector<256x128xf32>
    %logistic3A_1266 = math.exp %logistic3A_1265 : vector<256x128xf32>
    %logistic3A_1267 = arith.constant 1.000000e+00 : f32
    %logistic3A_1268 = vector.broadcast %logistic3A_1267 : f32 to vector<256x128xf32>
    %logistic3A_1269 = arith.addf %logistic3A_1268, %logistic3A_1266 : vector<256x128xf32>
    %logistic3A_1270 = arith.divf %logistic3A_1268, %logistic3A_1269 : vector<256x128xf32>
    %mul3A_1271 = arith.mulf %logistic3A_1270, %get3A_1246 : vector<256x128xf32>
    %sub3A_1272 = arith.constant 1.000000e+00 : f32
    %sub3A_1273 = vector.broadcast %sub3A_1272 : f32 to vector<256x128xf32>
    %sub3A_1274 = arith.subf %sub3A_1273, %logistic3A_1270 : vector<256x128xf32>
    %mul3A_1275 = arith.mulf %sub3A_1274, %dot_general3A_1253 : vector<256x128xf32>
    %add3A_1276 = arith.addf %mul3A_1271, %mul3A_1275 : vector<256x128xf32>
    %mul3A_1277 = arith.mulf %add3A_1276, %add3A_1276 : vector<256x128xf32>
    %dot_general3A_1278 = arith.constant dense<0.000000e+00> : vector<256x128xf32>
    %dot_general3A_1279 = tpu.matmul %mul3A_1277, %get3A_13, %dot_general3A_1278 {dimension_numbers = #tpu.dot_dimension_numbers<[1], [0], [0], [1], [0, 0, 1, 1], [], []>, transpose_lhs_hint = false} : vector<256x128xf32>, vector<128x128xf32>, vector<256x128xf32> -> vector<256x128xf32>
    %sqrt3A_1280 = math.sqrt %dot_general3A_1279 : vector<256x128xf32>
    %max3A_1281 = arith.constant 9.99999996E-13 : f32
    %max3A_1282 = vector.broadcast %max3A_1281 : f32 to vector<256x128xf32>
    %max3A_1283 = arith.maximumf %sqrt3A_1280, %max3A_1282 : vector<256x128xf32>
    %div3A_1284 = arith.divf %add3A_1276, %max3A_1283 : vector<256x128xf32>
    %add3A_1285 = arith.addf %add3A_1241, %div3A_1284 : vector<256x128xf32>
    %get3A_1286 = arith.constant 29 : index
    %get3A_1287 = arith.constant 0 : index
    %get3A_1288 = arith.constant 0 : index
    %get3A_1289 = vector.load %arg1[%get3A_1286, %get3A_1287, %get3A_1288] : memref<50x256x128xf32, #tpu.memory_space<vmem>>, vector<1x256x128xf32>
    %get3A_1290 = vector.shape_cast %get3A_1289 : vector<1x256x128xf32> to vector<256x128xf32>
    %get3A_1291 = arith.constant 29 : index
    %get3A_1292 = arith.constant 0 : index
    %get3A_1293 = arith.constant 0 : index
    %get3A_1294 = vector.load %arg2[%get3A_1291, %get3A_1292, %get3A_1293] : memref<50x20x256xf32, #tpu.memory_space<vmem>>, vector<1x20x256xf32>
    %get3A_1295 = vector.shape_cast %get3A_1294 : vector<1x20x256xf32> to vector<20x256xf32>
    %dot_general3A_1296 = arith.constant dense<0.000000e+00> : vector<256x128xf32>
    %dot_general3A_1297 = tpu.matmul %get3A_1295, %get3A_1, %dot_general3A_1296 {dimension_numbers = #tpu.dot_dimension_numbers<[0], [0], [1], [1], [0, 1, 1, 1], [], []>, transpose_lhs_hint = false} : vector<20x256xf32>, vector<20x128xf32>, vector<256x128xf32> -> vector<256x128xf32>
    %mul3A_1298 = arith.mulf %get3A_1290, %dot_general3A_1297 : vector<256x128xf32>
    %dot_general3A_1299 = arith.constant dense<0.000000e+00> : vector<256x128xf32>
    %dot_general3A_1300 = tpu.matmul %get3A_1290, %get3A_4, %dot_general3A_1299 {dimension_numbers = #tpu.dot_dimension_numbers<[1], [0], [0], [1], [0, 0, 1, 1], [], []>, transpose_lhs_hint = false} : vector<256x128xf32>, vector<128x128xf32>, vector<256x128xf32> -> vector<256x128xf32>
    %dot_general3A_1301 = arith.constant dense<0.000000e+00> : vector<256x128xf32>
    %dot_general3A_1302 = tpu.matmul %dot_general3A_1297, %get3A_7, %dot_general3A_1301 {dimension_numbers = #tpu.dot_dimension_numbers<[1], [0], [0], [1], [0, 0, 1, 1], [], []>, transpose_lhs_hint = false} : vector<256x128xf32>, vector<128x128xf32>, vector<256x128xf32> -> vector<256x128xf32>
    %add3A_1303 = arith.addf %dot_general3A_1300, %dot_general3A_1302 : vector<256x128xf32>
    %dot_general3A_1304 = arith.constant dense<0.000000e+00> : vector<256x128xf32>
    %dot_general3A_1305 = tpu.matmul %mul3A_1298, %get3A_10, %dot_general3A_1304 {dimension_numbers = #tpu.dot_dimension_numbers<[1], [0], [0], [1], [0, 0, 1, 1], [], []>, transpose_lhs_hint = false} : vector<256x128xf32>, vector<128x128xf32>, vector<256x128xf32> -> vector<256x128xf32>
    %add3A_1306 = arith.addf %add3A_1303, %dot_general3A_1305 : vector<256x128xf32>
    %add3A_1307 = vector.broadcast %get3A_16 : vector<1x128xf32> to vector<256x128xf32>
    %add3A_1308 = arith.addf %add3A_1306, %add3A_1307 : vector<256x128xf32>
    %logistic3A_1309 = arith.negf %add3A_1308 : vector<256x128xf32>
    %logistic3A_1310 = math.exp %logistic3A_1309 : vector<256x128xf32>
    %logistic3A_1311 = arith.constant 1.000000e+00 : f32
    %logistic3A_1312 = vector.broadcast %logistic3A_1311 : f32 to vector<256x128xf32>
    %logistic3A_1313 = arith.addf %logistic3A_1312, %logistic3A_1310 : vector<256x128xf32>
    %logistic3A_1314 = arith.divf %logistic3A_1312, %logistic3A_1313 : vector<256x128xf32>
    %mul3A_1315 = arith.mulf %logistic3A_1314, %get3A_1290 : vector<256x128xf32>
    %sub3A_1316 = arith.constant 1.000000e+00 : f32
    %sub3A_1317 = vector.broadcast %sub3A_1316 : f32 to vector<256x128xf32>
    %sub3A_1318 = arith.subf %sub3A_1317, %logistic3A_1314 : vector<256x128xf32>
    %mul3A_1319 = arith.mulf %sub3A_1318, %dot_general3A_1297 : vector<256x128xf32>
    %add3A_1320 = arith.addf %mul3A_1315, %mul3A_1319 : vector<256x128xf32>
    %mul3A_1321 = arith.mulf %add3A_1320, %add3A_1320 : vector<256x128xf32>
    %dot_general3A_1322 = arith.constant dense<0.000000e+00> : vector<256x128xf32>
    %dot_general3A_1323 = tpu.matmul %mul3A_1321, %get3A_13, %dot_general3A_1322 {dimension_numbers = #tpu.dot_dimension_numbers<[1], [0], [0], [1], [0, 0, 1, 1], [], []>, transpose_lhs_hint = false} : vector<256x128xf32>, vector<128x128xf32>, vector<256x128xf32> -> vector<256x128xf32>
    %sqrt3A_1324 = math.sqrt %dot_general3A_1323 : vector<256x128xf32>
    %max3A_1325 = arith.constant 9.99999996E-13 : f32
    %max3A_1326 = vector.broadcast %max3A_1325 : f32 to vector<256x128xf32>
    %max3A_1327 = arith.maximumf %sqrt3A_1324, %max3A_1326 : vector<256x128xf32>
    %div3A_1328 = arith.divf %add3A_1320, %max3A_1327 : vector<256x128xf32>
    %add3A_1329 = arith.addf %add3A_1285, %div3A_1328 : vector<256x128xf32>
    %get3A_1330 = arith.constant 30 : index
    %get3A_1331 = arith.constant 0 : index
    %get3A_1332 = arith.constant 0 : index
    %get3A_1333 = vector.load %arg1[%get3A_1330, %get3A_1331, %get3A_1332] : memref<50x256x128xf32, #tpu.memory_space<vmem>>, vector<1x256x128xf32>
    %get3A_1334 = vector.shape_cast %get3A_1333 : vector<1x256x128xf32> to vector<256x128xf32>
    %get3A_1335 = arith.constant 30 : index
    %get3A_1336 = arith.constant 0 : index
    %get3A_1337 = arith.constant 0 : index
    %get3A_1338 = vector.load %arg2[%get3A_1335, %get3A_1336, %get3A_1337] : memref<50x20x256xf32, #tpu.memory_space<vmem>>, vector<1x20x256xf32>
    %get3A_1339 = vector.shape_cast %get3A_1338 : vector<1x20x256xf32> to vector<20x256xf32>
    %dot_general3A_1340 = arith.constant dense<0.000000e+00> : vector<256x128xf32>
    %dot_general3A_1341 = tpu.matmul %get3A_1339, %get3A_1, %dot_general3A_1340 {dimension_numbers = #tpu.dot_dimension_numbers<[0], [0], [1], [1], [0, 1, 1, 1], [], []>, transpose_lhs_hint = false} : vector<20x256xf32>, vector<20x128xf32>, vector<256x128xf32> -> vector<256x128xf32>
    %mul3A_1342 = arith.mulf %get3A_1334, %dot_general3A_1341 : vector<256x128xf32>
    %dot_general3A_1343 = arith.constant dense<0.000000e+00> : vector<256x128xf32>
    %dot_general3A_1344 = tpu.matmul %get3A_1334, %get3A_4, %dot_general3A_1343 {dimension_numbers = #tpu.dot_dimension_numbers<[1], [0], [0], [1], [0, 0, 1, 1], [], []>, transpose_lhs_hint = false} : vector<256x128xf32>, vector<128x128xf32>, vector<256x128xf32> -> vector<256x128xf32>
    %dot_general3A_1345 = arith.constant dense<0.000000e+00> : vector<256x128xf32>
    %dot_general3A_1346 = tpu.matmul %dot_general3A_1341, %get3A_7, %dot_general3A_1345 {dimension_numbers = #tpu.dot_dimension_numbers<[1], [0], [0], [1], [0, 0, 1, 1], [], []>, transpose_lhs_hint = false} : vector<256x128xf32>, vector<128x128xf32>, vector<256x128xf32> -> vector<256x128xf32>
    %add3A_1347 = arith.addf %dot_general3A_1344, %dot_general3A_1346 : vector<256x128xf32>
    %dot_general3A_1348 = arith.constant dense<0.000000e+00> : vector<256x128xf32>
    %dot_general3A_1349 = tpu.matmul %mul3A_1342, %get3A_10, %dot_general3A_1348 {dimension_numbers = #tpu.dot_dimension_numbers<[1], [0], [0], [1], [0, 0, 1, 1], [], []>, transpose_lhs_hint = false} : vector<256x128xf32>, vector<128x128xf32>, vector<256x128xf32> -> vector<256x128xf32>
    %add3A_1350 = arith.addf %add3A_1347, %dot_general3A_1349 : vector<256x128xf32>
    %add3A_1351 = vector.broadcast %get3A_16 : vector<1x128xf32> to vector<256x128xf32>
    %add3A_1352 = arith.addf %add3A_1350, %add3A_1351 : vector<256x128xf32>
    %logistic3A_1353 = arith.negf %add3A_1352 : vector<256x128xf32>
    %logistic3A_1354 = math.exp %logistic3A_1353 : vector<256x128xf32>
    %logistic3A_1355 = arith.constant 1.000000e+00 : f32
    %logistic3A_1356 = vector.broadcast %logistic3A_1355 : f32 to vector<256x128xf32>
    %logistic3A_1357 = arith.addf %logistic3A_1356, %logistic3A_1354 : vector<256x128xf32>
    %logistic3A_1358 = arith.divf %logistic3A_1356, %logistic3A_1357 : vector<256x128xf32>
    %mul3A_1359 = arith.mulf %logistic3A_1358, %get3A_1334 : vector<256x128xf32>
    %sub3A_1360 = arith.constant 1.000000e+00 : f32
    %sub3A_1361 = vector.broadcast %sub3A_1360 : f32 to vector<256x128xf32>
    %sub3A_1362 = arith.subf %sub3A_1361, %logistic3A_1358 : vector<256x128xf32>
    %mul3A_1363 = arith.mulf %sub3A_1362, %dot_general3A_1341 : vector<256x128xf32>
    %add3A_1364 = arith.addf %mul3A_1359, %mul3A_1363 : vector<256x128xf32>
    %mul3A_1365 = arith.mulf %add3A_1364, %add3A_1364 : vector<256x128xf32>
    %dot_general3A_1366 = arith.constant dense<0.000000e+00> : vector<256x128xf32>
    %dot_general3A_1367 = tpu.matmul %mul3A_1365, %get3A_13, %dot_general3A_1366 {dimension_numbers = #tpu.dot_dimension_numbers<[1], [0], [0], [1], [0, 0, 1, 1], [], []>, transpose_lhs_hint = false} : vector<256x128xf32>, vector<128x128xf32>, vector<256x128xf32> -> vector<256x128xf32>
    %sqrt3A_1368 = math.sqrt %dot_general3A_1367 : vector<256x128xf32>
    %max3A_1369 = arith.constant 9.99999996E-13 : f32
    %max3A_1370 = vector.broadcast %max3A_1369 : f32 to vector<256x128xf32>
    %max3A_1371 = arith.maximumf %sqrt3A_1368, %max3A_1370 : vector<256x128xf32>
    %div3A_1372 = arith.divf %add3A_1364, %max3A_1371 : vector<256x128xf32>
    %add3A_1373 = arith.addf %add3A_1329, %div3A_1372 : vector<256x128xf32>
    %get3A_1374 = arith.constant 31 : index
    %get3A_1375 = arith.constant 0 : index
    %get3A_1376 = arith.constant 0 : index
    %get3A_1377 = vector.load %arg1[%get3A_1374, %get3A_1375, %get3A_1376] : memref<50x256x128xf32, #tpu.memory_space<vmem>>, vector<1x256x128xf32>
    %get3A_1378 = vector.shape_cast %get3A_1377 : vector<1x256x128xf32> to vector<256x128xf32>
    %get3A_1379 = arith.constant 31 : index
    %get3A_1380 = arith.constant 0 : index
    %get3A_1381 = arith.constant 0 : index
    %get3A_1382 = vector.load %arg2[%get3A_1379, %get3A_1380, %get3A_1381] : memref<50x20x256xf32, #tpu.memory_space<vmem>>, vector<1x20x256xf32>
    %get3A_1383 = vector.shape_cast %get3A_1382 : vector<1x20x256xf32> to vector<20x256xf32>
    %dot_general3A_1384 = arith.constant dense<0.000000e+00> : vector<256x128xf32>
    %dot_general3A_1385 = tpu.matmul %get3A_1383, %get3A_1, %dot_general3A_1384 {dimension_numbers = #tpu.dot_dimension_numbers<[0], [0], [1], [1], [0, 1, 1, 1], [], []>, transpose_lhs_hint = false} : vector<20x256xf32>, vector<20x128xf32>, vector<256x128xf32> -> vector<256x128xf32>
    %mul3A_1386 = arith.mulf %get3A_1378, %dot_general3A_1385 : vector<256x128xf32>
    %dot_general3A_1387 = arith.constant dense<0.000000e+00> : vector<256x128xf32>
    %dot_general3A_1388 = tpu.matmul %get3A_1378, %get3A_4, %dot_general3A_1387 {dimension_numbers = #tpu.dot_dimension_numbers<[1], [0], [0], [1], [0, 0, 1, 1], [], []>, transpose_lhs_hint = false} : vector<256x128xf32>, vector<128x128xf32>, vector<256x128xf32> -> vector<256x128xf32>
    %dot_general3A_1389 = arith.constant dense<0.000000e+00> : vector<256x128xf32>
    %dot_general3A_1390 = tpu.matmul %dot_general3A_1385, %get3A_7, %dot_general3A_1389 {dimension_numbers = #tpu.dot_dimension_numbers<[1], [0], [0], [1], [0, 0, 1, 1], [], []>, transpose_lhs_hint = false} : vector<256x128xf32>, vector<128x128xf32>, vector<256x128xf32> -> vector<256x128xf32>
    %add3A_1391 = arith.addf %dot_general3A_1388, %dot_general3A_1390 : vector<256x128xf32>
    %dot_general3A_1392 = arith.constant dense<0.000000e+00> : vector<256x128xf32>
    %dot_general3A_1393 = tpu.matmul %mul3A_1386, %get3A_10, %dot_general3A_1392 {dimension_numbers = #tpu.dot_dimension_numbers<[1], [0], [0], [1], [0, 0, 1, 1], [], []>, transpose_lhs_hint = false} : vector<256x128xf32>, vector<128x128xf32>, vector<256x128xf32> -> vector<256x128xf32>
    %add3A_1394 = arith.addf %add3A_1391, %dot_general3A_1393 : vector<256x128xf32>
    %add3A_1395 = vector.broadcast %get3A_16 : vector<1x128xf32> to vector<256x128xf32>
    %add3A_1396 = arith.addf %add3A_1394, %add3A_1395 : vector<256x128xf32>
    %logistic3A_1397 = arith.negf %add3A_1396 : vector<256x128xf32>
    %logistic3A_1398 = math.exp %logistic3A_1397 : vector<256x128xf32>
    %logistic3A_1399 = arith.constant 1.000000e+00 : f32
    %logistic3A_1400 = vector.broadcast %logistic3A_1399 : f32 to vector<256x128xf32>
    %logistic3A_1401 = arith.addf %logistic3A_1400, %logistic3A_1398 : vector<256x128xf32>
    %logistic3A_1402 = arith.divf %logistic3A_1400, %logistic3A_1401 : vector<256x128xf32>
    %mul3A_1403 = arith.mulf %logistic3A_1402, %get3A_1378 : vector<256x128xf32>
    %sub3A_1404 = arith.constant 1.000000e+00 : f32
    %sub3A_1405 = vector.broadcast %sub3A_1404 : f32 to vector<256x128xf32>
    %sub3A_1406 = arith.subf %sub3A_1405, %logistic3A_1402 : vector<256x128xf32>
    %mul3A_1407 = arith.mulf %sub3A_1406, %dot_general3A_1385 : vector<256x128xf32>
    %add3A_1408 = arith.addf %mul3A_1403, %mul3A_1407 : vector<256x128xf32>
    %mul3A_1409 = arith.mulf %add3A_1408, %add3A_1408 : vector<256x128xf32>
    %dot_general3A_1410 = arith.constant dense<0.000000e+00> : vector<256x128xf32>
    %dot_general3A_1411 = tpu.matmul %mul3A_1409, %get3A_13, %dot_general3A_1410 {dimension_numbers = #tpu.dot_dimension_numbers<[1], [0], [0], [1], [0, 0, 1, 1], [], []>, transpose_lhs_hint = false} : vector<256x128xf32>, vector<128x128xf32>, vector<256x128xf32> -> vector<256x128xf32>
    %sqrt3A_1412 = math.sqrt %dot_general3A_1411 : vector<256x128xf32>
    %max3A_1413 = arith.constant 9.99999996E-13 : f32
    %max3A_1414 = vector.broadcast %max3A_1413 : f32 to vector<256x128xf32>
    %max3A_1415 = arith.maximumf %sqrt3A_1412, %max3A_1414 : vector<256x128xf32>
    %div3A_1416 = arith.divf %add3A_1408, %max3A_1415 : vector<256x128xf32>
    %add3A_1417 = arith.addf %add3A_1373, %div3A_1416 : vector<256x128xf32>
    %get3A_1418 = arith.constant 32 : index
    %get3A_1419 = arith.constant 0 : index
    %get3A_1420 = arith.constant 0 : index
    %get3A_1421 = vector.load %arg1[%get3A_1418, %get3A_1419, %get3A_1420] : memref<50x256x128xf32, #tpu.memory_space<vmem>>, vector<1x256x128xf32>
    %get3A_1422 = vector.shape_cast %get3A_1421 : vector<1x256x128xf32> to vector<256x128xf32>
    %get3A_1423 = arith.constant 32 : index
    %get3A_1424 = arith.constant 0 : index
    %get3A_1425 = arith.constant 0 : index
    %get3A_1426 = vector.load %arg2[%get3A_1423, %get3A_1424, %get3A_1425] : memref<50x20x256xf32, #tpu.memory_space<vmem>>, vector<1x20x256xf32>
    %get3A_1427 = vector.shape_cast %get3A_1426 : vector<1x20x256xf32> to vector<20x256xf32>
    %dot_general3A_1428 = arith.constant dense<0.000000e+00> : vector<256x128xf32>
    %dot_general3A_1429 = tpu.matmul %get3A_1427, %get3A_1, %dot_general3A_1428 {dimension_numbers = #tpu.dot_dimension_numbers<[0], [0], [1], [1], [0, 1, 1, 1], [], []>, transpose_lhs_hint = false} : vector<20x256xf32>, vector<20x128xf32>, vector<256x128xf32> -> vector<256x128xf32>
    %mul3A_1430 = arith.mulf %get3A_1422, %dot_general3A_1429 : vector<256x128xf32>
    %dot_general3A_1431 = arith.constant dense<0.000000e+00> : vector<256x128xf32>
    %dot_general3A_1432 = tpu.matmul %get3A_1422, %get3A_4, %dot_general3A_1431 {dimension_numbers = #tpu.dot_dimension_numbers<[1], [0], [0], [1], [0, 0, 1, 1], [], []>, transpose_lhs_hint = false} : vector<256x128xf32>, vector<128x128xf32>, vector<256x128xf32> -> vector<256x128xf32>
    %dot_general3A_1433 = arith.constant dense<0.000000e+00> : vector<256x128xf32>
    %dot_general3A_1434 = tpu.matmul %dot_general3A_1429, %get3A_7, %dot_general3A_1433 {dimension_numbers = #tpu.dot_dimension_numbers<[1], [0], [0], [1], [0, 0, 1, 1], [], []>, transpose_lhs_hint = false} : vector<256x128xf32>, vector<128x128xf32>, vector<256x128xf32> -> vector<256x128xf32>
    %add3A_1435 = arith.addf %dot_general3A_1432, %dot_general3A_1434 : vector<256x128xf32>
    %dot_general3A_1436 = arith.constant dense<0.000000e+00> : vector<256x128xf32>
    %dot_general3A_1437 = tpu.matmul %mul3A_1430, %get3A_10, %dot_general3A_1436 {dimension_numbers = #tpu.dot_dimension_numbers<[1], [0], [0], [1], [0, 0, 1, 1], [], []>, transpose_lhs_hint = false} : vector<256x128xf32>, vector<128x128xf32>, vector<256x128xf32> -> vector<256x128xf32>
    %add3A_1438 = arith.addf %add3A_1435, %dot_general3A_1437 : vector<256x128xf32>
    %add3A_1439 = vector.broadcast %get3A_16 : vector<1x128xf32> to vector<256x128xf32>
    %add3A_1440 = arith.addf %add3A_1438, %add3A_1439 : vector<256x128xf32>
    %logistic3A_1441 = arith.negf %add3A_1440 : vector<256x128xf32>
    %logistic3A_1442 = math.exp %logistic3A_1441 : vector<256x128xf32>
    %logistic3A_1443 = arith.constant 1.000000e+00 : f32
    %logistic3A_1444 = vector.broadcast %logistic3A_1443 : f32 to vector<256x128xf32>
    %logistic3A_1445 = arith.addf %logistic3A_1444, %logistic3A_1442 : vector<256x128xf32>
    %logistic3A_1446 = arith.divf %logistic3A_1444, %logistic3A_1445 : vector<256x128xf32>
    %mul3A_1447 = arith.mulf %logistic3A_1446, %get3A_1422 : vector<256x128xf32>
    %sub3A_1448 = arith.constant 1.000000e+00 : f32
    %sub3A_1449 = vector.broadcast %sub3A_1448 : f32 to vector<256x128xf32>
    %sub3A_1450 = arith.subf %sub3A_1449, %logistic3A_1446 : vector<256x128xf32>
    %mul3A_1451 = arith.mulf %sub3A_1450, %dot_general3A_1429 : vector<256x128xf32>
    %add3A_1452 = arith.addf %mul3A_1447, %mul3A_1451 : vector<256x128xf32>
    %mul3A_1453 = arith.mulf %add3A_1452, %add3A_1452 : vector<256x128xf32>
    %dot_general3A_1454 = arith.constant dense<0.000000e+00> : vector<256x128xf32>
    %dot_general3A_1455 = tpu.matmul %mul3A_1453, %get3A_13, %dot_general3A_1454 {dimension_numbers = #tpu.dot_dimension_numbers<[1], [0], [0], [1], [0, 0, 1, 1], [], []>, transpose_lhs_hint = false} : vector<256x128xf32>, vector<128x128xf32>, vector<256x128xf32> -> vector<256x128xf32>
    %sqrt3A_1456 = math.sqrt %dot_general3A_1455 : vector<256x128xf32>
    %max3A_1457 = arith.constant 9.99999996E-13 : f32
    %max3A_1458 = vector.broadcast %max3A_1457 : f32 to vector<256x128xf32>
    %max3A_1459 = arith.maximumf %sqrt3A_1456, %max3A_1458 : vector<256x128xf32>
    %div3A_1460 = arith.divf %add3A_1452, %max3A_1459 : vector<256x128xf32>
    %add3A_1461 = arith.addf %add3A_1417, %div3A_1460 : vector<256x128xf32>
    %get3A_1462 = arith.constant 33 : index
    %get3A_1463 = arith.constant 0 : index
    %get3A_1464 = arith.constant 0 : index
    %get3A_1465 = vector.load %arg1[%get3A_1462, %get3A_1463, %get3A_1464] : memref<50x256x128xf32, #tpu.memory_space<vmem>>, vector<1x256x128xf32>
    %get3A_1466 = vector.shape_cast %get3A_1465 : vector<1x256x128xf32> to vector<256x128xf32>
    %get3A_1467 = arith.constant 33 : index
    %get3A_1468 = arith.constant 0 : index
    %get3A_1469 = arith.constant 0 : index
    %get3A_1470 = vector.load %arg2[%get3A_1467, %get3A_1468, %get3A_1469] : memref<50x20x256xf32, #tpu.memory_space<vmem>>, vector<1x20x256xf32>
    %get3A_1471 = vector.shape_cast %get3A_1470 : vector<1x20x256xf32> to vector<20x256xf32>
    %dot_general3A_1472 = arith.constant dense<0.000000e+00> : vector<256x128xf32>
    %dot_general3A_1473 = tpu.matmul %get3A_1471, %get3A_1, %dot_general3A_1472 {dimension_numbers = #tpu.dot_dimension_numbers<[0], [0], [1], [1], [0, 1, 1, 1], [], []>, transpose_lhs_hint = false} : vector<20x256xf32>, vector<20x128xf32>, vector<256x128xf32> -> vector<256x128xf32>
    %mul3A_1474 = arith.mulf %get3A_1466, %dot_general3A_1473 : vector<256x128xf32>
    %dot_general3A_1475 = arith.constant dense<0.000000e+00> : vector<256x128xf32>
    %dot_general3A_1476 = tpu.matmul %get3A_1466, %get3A_4, %dot_general3A_1475 {dimension_numbers = #tpu.dot_dimension_numbers<[1], [0], [0], [1], [0, 0, 1, 1], [], []>, transpose_lhs_hint = false} : vector<256x128xf32>, vector<128x128xf32>, vector<256x128xf32> -> vector<256x128xf32>
    %dot_general3A_1477 = arith.constant dense<0.000000e+00> : vector<256x128xf32>
    %dot_general3A_1478 = tpu.matmul %dot_general3A_1473, %get3A_7, %dot_general3A_1477 {dimension_numbers = #tpu.dot_dimension_numbers<[1], [0], [0], [1], [0, 0, 1, 1], [], []>, transpose_lhs_hint = false} : vector<256x128xf32>, vector<128x128xf32>, vector<256x128xf32> -> vector<256x128xf32>
    %add3A_1479 = arith.addf %dot_general3A_1476, %dot_general3A_1478 : vector<256x128xf32>
    %dot_general3A_1480 = arith.constant dense<0.000000e+00> : vector<256x128xf32>
    %dot_general3A_1481 = tpu.matmul %mul3A_1474, %get3A_10, %dot_general3A_1480 {dimension_numbers = #tpu.dot_dimension_numbers<[1], [0], [0], [1], [0, 0, 1, 1], [], []>, transpose_lhs_hint = false} : vector<256x128xf32>, vector<128x128xf32>, vector<256x128xf32> -> vector<256x128xf32>
    %add3A_1482 = arith.addf %add3A_1479, %dot_general3A_1481 : vector<256x128xf32>
    %add3A_1483 = vector.broadcast %get3A_16 : vector<1x128xf32> to vector<256x128xf32>
    %add3A_1484 = arith.addf %add3A_1482, %add3A_1483 : vector<256x128xf32>
    %logistic3A_1485 = arith.negf %add3A_1484 : vector<256x128xf32>
    %logistic3A_1486 = math.exp %logistic3A_1485 : vector<256x128xf32>
    %logistic3A_1487 = arith.constant 1.000000e+00 : f32
    %logistic3A_1488 = vector.broadcast %logistic3A_1487 : f32 to vector<256x128xf32>
    %logistic3A_1489 = arith.addf %logistic3A_1488, %logistic3A_1486 : vector<256x128xf32>
    %logistic3A_1490 = arith.divf %logistic3A_1488, %logistic3A_1489 : vector<256x128xf32>
    %mul3A_1491 = arith.mulf %logistic3A_1490, %get3A_1466 : vector<256x128xf32>
    %sub3A_1492 = arith.constant 1.000000e+00 : f32
    %sub3A_1493 = vector.broadcast %sub3A_1492 : f32 to vector<256x128xf32>
    %sub3A_1494 = arith.subf %sub3A_1493, %logistic3A_1490 : vector<256x128xf32>
    %mul3A_1495 = arith.mulf %sub3A_1494, %dot_general3A_1473 : vector<256x128xf32>
    %add3A_1496 = arith.addf %mul3A_1491, %mul3A_1495 : vector<256x128xf32>
    %mul3A_1497 = arith.mulf %add3A_1496, %add3A_1496 : vector<256x128xf32>
    %dot_general3A_1498 = arith.constant dense<0.000000e+00> : vector<256x128xf32>
    %dot_general3A_1499 = tpu.matmul %mul3A_1497, %get3A_13, %dot_general3A_1498 {dimension_numbers = #tpu.dot_dimension_numbers<[1], [0], [0], [1], [0, 0, 1, 1], [], []>, transpose_lhs_hint = false} : vector<256x128xf32>, vector<128x128xf32>, vector<256x128xf32> -> vector<256x128xf32>
    %sqrt3A_1500 = math.sqrt %dot_general3A_1499 : vector<256x128xf32>
    %max3A_1501 = arith.constant 9.99999996E-13 : f32
    %max3A_1502 = vector.broadcast %max3A_1501 : f32 to vector<256x128xf32>
    %max3A_1503 = arith.maximumf %sqrt3A_1500, %max3A_1502 : vector<256x128xf32>
    %div3A_1504 = arith.divf %add3A_1496, %max3A_1503 : vector<256x128xf32>
    %add3A_1505 = arith.addf %add3A_1461, %div3A_1504 : vector<256x128xf32>
    %get3A_1506 = arith.constant 34 : index
    %get3A_1507 = arith.constant 0 : index
    %get3A_1508 = arith.constant 0 : index
    %get3A_1509 = vector.load %arg1[%get3A_1506, %get3A_1507, %get3A_1508] : memref<50x256x128xf32, #tpu.memory_space<vmem>>, vector<1x256x128xf32>
    %get3A_1510 = vector.shape_cast %get3A_1509 : vector<1x256x128xf32> to vector<256x128xf32>
    %get3A_1511 = arith.constant 34 : index
    %get3A_1512 = arith.constant 0 : index
    %get3A_1513 = arith.constant 0 : index
    %get3A_1514 = vector.load %arg2[%get3A_1511, %get3A_1512, %get3A_1513] : memref<50x20x256xf32, #tpu.memory_space<vmem>>, vector<1x20x256xf32>
    %get3A_1515 = vector.shape_cast %get3A_1514 : vector<1x20x256xf32> to vector<20x256xf32>
    %dot_general3A_1516 = arith.constant dense<0.000000e+00> : vector<256x128xf32>
    %dot_general3A_1517 = tpu.matmul %get3A_1515, %get3A_1, %dot_general3A_1516 {dimension_numbers = #tpu.dot_dimension_numbers<[0], [0], [1], [1], [0, 1, 1, 1], [], []>, transpose_lhs_hint = false} : vector<20x256xf32>, vector<20x128xf32>, vector<256x128xf32> -> vector<256x128xf32>
    %mul3A_1518 = arith.mulf %get3A_1510, %dot_general3A_1517 : vector<256x128xf32>
    %dot_general3A_1519 = arith.constant dense<0.000000e+00> : vector<256x128xf32>
    %dot_general3A_1520 = tpu.matmul %get3A_1510, %get3A_4, %dot_general3A_1519 {dimension_numbers = #tpu.dot_dimension_numbers<[1], [0], [0], [1], [0, 0, 1, 1], [], []>, transpose_lhs_hint = false} : vector<256x128xf32>, vector<128x128xf32>, vector<256x128xf32> -> vector<256x128xf32>
    %dot_general3A_1521 = arith.constant dense<0.000000e+00> : vector<256x128xf32>
    %dot_general3A_1522 = tpu.matmul %dot_general3A_1517, %get3A_7, %dot_general3A_1521 {dimension_numbers = #tpu.dot_dimension_numbers<[1], [0], [0], [1], [0, 0, 1, 1], [], []>, transpose_lhs_hint = false} : vector<256x128xf32>, vector<128x128xf32>, vector<256x128xf32> -> vector<256x128xf32>
    %add3A_1523 = arith.addf %dot_general3A_1520, %dot_general3A_1522 : vector<256x128xf32>
    %dot_general3A_1524 = arith.constant dense<0.000000e+00> : vector<256x128xf32>
    %dot_general3A_1525 = tpu.matmul %mul3A_1518, %get3A_10, %dot_general3A_1524 {dimension_numbers = #tpu.dot_dimension_numbers<[1], [0], [0], [1], [0, 0, 1, 1], [], []>, transpose_lhs_hint = false} : vector<256x128xf32>, vector<128x128xf32>, vector<256x128xf32> -> vector<256x128xf32>
    %add3A_1526 = arith.addf %add3A_1523, %dot_general3A_1525 : vector<256x128xf32>
    %add3A_1527 = vector.broadcast %get3A_16 : vector<1x128xf32> to vector<256x128xf32>
    %add3A_1528 = arith.addf %add3A_1526, %add3A_1527 : vector<256x128xf32>
    %logistic3A_1529 = arith.negf %add3A_1528 : vector<256x128xf32>
    %logistic3A_1530 = math.exp %logistic3A_1529 : vector<256x128xf32>
    %logistic3A_1531 = arith.constant 1.000000e+00 : f32
    %logistic3A_1532 = vector.broadcast %logistic3A_1531 : f32 to vector<256x128xf32>
    %logistic3A_1533 = arith.addf %logistic3A_1532, %logistic3A_1530 : vector<256x128xf32>
    %logistic3A_1534 = arith.divf %logistic3A_1532, %logistic3A_1533 : vector<256x128xf32>
    %mul3A_1535 = arith.mulf %logistic3A_1534, %get3A_1510 : vector<256x128xf32>
    %sub3A_1536 = arith.constant 1.000000e+00 : f32
    %sub3A_1537 = vector.broadcast %sub3A_1536 : f32 to vector<256x128xf32>
    %sub3A_1538 = arith.subf %sub3A_1537, %logistic3A_1534 : vector<256x128xf32>
    %mul3A_1539 = arith.mulf %sub3A_1538, %dot_general3A_1517 : vector<256x128xf32>
    %add3A_1540 = arith.addf %mul3A_1535, %mul3A_1539 : vector<256x128xf32>
    %mul3A_1541 = arith.mulf %add3A_1540, %add3A_1540 : vector<256x128xf32>
    %dot_general3A_1542 = arith.constant dense<0.000000e+00> : vector<256x128xf32>
    %dot_general3A_1543 = tpu.matmul %mul3A_1541, %get3A_13, %dot_general3A_1542 {dimension_numbers = #tpu.dot_dimension_numbers<[1], [0], [0], [1], [0, 0, 1, 1], [], []>, transpose_lhs_hint = false} : vector<256x128xf32>, vector<128x128xf32>, vector<256x128xf32> -> vector<256x128xf32>
    %sqrt3A_1544 = math.sqrt %dot_general3A_1543 : vector<256x128xf32>
    %max3A_1545 = arith.constant 9.99999996E-13 : f32
    %max3A_1546 = vector.broadcast %max3A_1545 : f32 to vector<256x128xf32>
    %max3A_1547 = arith.maximumf %sqrt3A_1544, %max3A_1546 : vector<256x128xf32>
    %div3A_1548 = arith.divf %add3A_1540, %max3A_1547 : vector<256x128xf32>
    %add3A_1549 = arith.addf %add3A_1505, %div3A_1548 : vector<256x128xf32>
    %get3A_1550 = arith.constant 35 : index
    %get3A_1551 = arith.constant 0 : index
    %get3A_1552 = arith.constant 0 : index
    %get3A_1553 = vector.load %arg1[%get3A_1550, %get3A_1551, %get3A_1552] : memref<50x256x128xf32, #tpu.memory_space<vmem>>, vector<1x256x128xf32>
    %get3A_1554 = vector.shape_cast %get3A_1553 : vector<1x256x128xf32> to vector<256x128xf32>
    %get3A_1555 = arith.constant 35 : index
    %get3A_1556 = arith.constant 0 : index
    %get3A_1557 = arith.constant 0 : index
    %get3A_1558 = vector.load %arg2[%get3A_1555, %get3A_1556, %get3A_1557] : memref<50x20x256xf32, #tpu.memory_space<vmem>>, vector<1x20x256xf32>
    %get3A_1559 = vector.shape_cast %get3A_1558 : vector<1x20x256xf32> to vector<20x256xf32>
    %dot_general3A_1560 = arith.constant dense<0.000000e+00> : vector<256x128xf32>
    %dot_general3A_1561 = tpu.matmul %get3A_1559, %get3A_1, %dot_general3A_1560 {dimension_numbers = #tpu.dot_dimension_numbers<[0], [0], [1], [1], [0, 1, 1, 1], [], []>, transpose_lhs_hint = false} : vector<20x256xf32>, vector<20x128xf32>, vector<256x128xf32> -> vector<256x128xf32>
    %mul3A_1562 = arith.mulf %get3A_1554, %dot_general3A_1561 : vector<256x128xf32>
    %dot_general3A_1563 = arith.constant dense<0.000000e+00> : vector<256x128xf32>
    %dot_general3A_1564 = tpu.matmul %get3A_1554, %get3A_4, %dot_general3A_1563 {dimension_numbers = #tpu.dot_dimension_numbers<[1], [0], [0], [1], [0, 0, 1, 1], [], []>, transpose_lhs_hint = false} : vector<256x128xf32>, vector<128x128xf32>, vector<256x128xf32> -> vector<256x128xf32>
    %dot_general3A_1565 = arith.constant dense<0.000000e+00> : vector<256x128xf32>
    %dot_general3A_1566 = tpu.matmul %dot_general3A_1561, %get3A_7, %dot_general3A_1565 {dimension_numbers = #tpu.dot_dimension_numbers<[1], [0], [0], [1], [0, 0, 1, 1], [], []>, transpose_lhs_hint = false} : vector<256x128xf32>, vector<128x128xf32>, vector<256x128xf32> -> vector<256x128xf32>
    %add3A_1567 = arith.addf %dot_general3A_1564, %dot_general3A_1566 : vector<256x128xf32>
    %dot_general3A_1568 = arith.constant dense<0.000000e+00> : vector<256x128xf32>
    %dot_general3A_1569 = tpu.matmul %mul3A_1562, %get3A_10, %dot_general3A_1568 {dimension_numbers = #tpu.dot_dimension_numbers<[1], [0], [0], [1], [0, 0, 1, 1], [], []>, transpose_lhs_hint = false} : vector<256x128xf32>, vector<128x128xf32>, vector<256x128xf32> -> vector<256x128xf32>
    %add3A_1570 = arith.addf %add3A_1567, %dot_general3A_1569 : vector<256x128xf32>
    %add3A_1571 = vector.broadcast %get3A_16 : vector<1x128xf32> to vector<256x128xf32>
    %add3A_1572 = arith.addf %add3A_1570, %add3A_1571 : vector<256x128xf32>
    %logistic3A_1573 = arith.negf %add3A_1572 : vector<256x128xf32>
    %logistic3A_1574 = math.exp %logistic3A_1573 : vector<256x128xf32>
    %logistic3A_1575 = arith.constant 1.000000e+00 : f32
    %logistic3A_1576 = vector.broadcast %logistic3A_1575 : f32 to vector<256x128xf32>
    %logistic3A_1577 = arith.addf %logistic3A_1576, %logistic3A_1574 : vector<256x128xf32>
    %logistic3A_1578 = arith.divf %logistic3A_1576, %logistic3A_1577 : vector<256x128xf32>
    %mul3A_1579 = arith.mulf %logistic3A_1578, %get3A_1554 : vector<256x128xf32>
    %sub3A_1580 = arith.constant 1.000000e+00 : f32
    %sub3A_1581 = vector.broadcast %sub3A_1580 : f32 to vector<256x128xf32>
    %sub3A_1582 = arith.subf %sub3A_1581, %logistic3A_1578 : vector<256x128xf32>
    %mul3A_1583 = arith.mulf %sub3A_1582, %dot_general3A_1561 : vector<256x128xf32>
    %add3A_1584 = arith.addf %mul3A_1579, %mul3A_1583 : vector<256x128xf32>
    %mul3A_1585 = arith.mulf %add3A_1584, %add3A_1584 : vector<256x128xf32>
    %dot_general3A_1586 = arith.constant dense<0.000000e+00> : vector<256x128xf32>
    %dot_general3A_1587 = tpu.matmul %mul3A_1585, %get3A_13, %dot_general3A_1586 {dimension_numbers = #tpu.dot_dimension_numbers<[1], [0], [0], [1], [0, 0, 1, 1], [], []>, transpose_lhs_hint = false} : vector<256x128xf32>, vector<128x128xf32>, vector<256x128xf32> -> vector<256x128xf32>
    %sqrt3A_1588 = math.sqrt %dot_general3A_1587 : vector<256x128xf32>
    %max3A_1589 = arith.constant 9.99999996E-13 : f32
    %max3A_1590 = vector.broadcast %max3A_1589 : f32 to vector<256x128xf32>
    %max3A_1591 = arith.maximumf %sqrt3A_1588, %max3A_1590 : vector<256x128xf32>
    %div3A_1592 = arith.divf %add3A_1584, %max3A_1591 : vector<256x128xf32>
    %add3A_1593 = arith.addf %add3A_1549, %div3A_1592 : vector<256x128xf32>
    %get3A_1594 = arith.constant 36 : index
    %get3A_1595 = arith.constant 0 : index
    %get3A_1596 = arith.constant 0 : index
    %get3A_1597 = vector.load %arg1[%get3A_1594, %get3A_1595, %get3A_1596] : memref<50x256x128xf32, #tpu.memory_space<vmem>>, vector<1x256x128xf32>
    %get3A_1598 = vector.shape_cast %get3A_1597 : vector<1x256x128xf32> to vector<256x128xf32>
    %get3A_1599 = arith.constant 36 : index
    %get3A_1600 = arith.constant 0 : index
    %get3A_1601 = arith.constant 0 : index
    %get3A_1602 = vector.load %arg2[%get3A_1599, %get3A_1600, %get3A_1601] : memref<50x20x256xf32, #tpu.memory_space<vmem>>, vector<1x20x256xf32>
    %get3A_1603 = vector.shape_cast %get3A_1602 : vector<1x20x256xf32> to vector<20x256xf32>
    %dot_general3A_1604 = arith.constant dense<0.000000e+00> : vector<256x128xf32>
    %dot_general3A_1605 = tpu.matmul %get3A_1603, %get3A_1, %dot_general3A_1604 {dimension_numbers = #tpu.dot_dimension_numbers<[0], [0], [1], [1], [0, 1, 1, 1], [], []>, transpose_lhs_hint = false} : vector<20x256xf32>, vector<20x128xf32>, vector<256x128xf32> -> vector<256x128xf32>
    %mul3A_1606 = arith.mulf %get3A_1598, %dot_general3A_1605 : vector<256x128xf32>
    %dot_general3A_1607 = arith.constant dense<0.000000e+00> : vector<256x128xf32>
    %dot_general3A_1608 = tpu.matmul %get3A_1598, %get3A_4, %dot_general3A_1607 {dimension_numbers = #tpu.dot_dimension_numbers<[1], [0], [0], [1], [0, 0, 1, 1], [], []>, transpose_lhs_hint = false} : vector<256x128xf32>, vector<128x128xf32>, vector<256x128xf32> -> vector<256x128xf32>
    %dot_general3A_1609 = arith.constant dense<0.000000e+00> : vector<256x128xf32>
    %dot_general3A_1610 = tpu.matmul %dot_general3A_1605, %get3A_7, %dot_general3A_1609 {dimension_numbers = #tpu.dot_dimension_numbers<[1], [0], [0], [1], [0, 0, 1, 1], [], []>, transpose_lhs_hint = false} : vector<256x128xf32>, vector<128x128xf32>, vector<256x128xf32> -> vector<256x128xf32>
    %add3A_1611 = arith.addf %dot_general3A_1608, %dot_general3A_1610 : vector<256x128xf32>
    %dot_general3A_1612 = arith.constant dense<0.000000e+00> : vector<256x128xf32>
    %dot_general3A_1613 = tpu.matmul %mul3A_1606, %get3A_10, %dot_general3A_1612 {dimension_numbers = #tpu.dot_dimension_numbers<[1], [0], [0], [1], [0, 0, 1, 1], [], []>, transpose_lhs_hint = false} : vector<256x128xf32>, vector<128x128xf32>, vector<256x128xf32> -> vector<256x128xf32>
    %add3A_1614 = arith.addf %add3A_1611, %dot_general3A_1613 : vector<256x128xf32>
    %add3A_1615 = vector.broadcast %get3A_16 : vector<1x128xf32> to vector<256x128xf32>
    %add3A_1616 = arith.addf %add3A_1614, %add3A_1615 : vector<256x128xf32>
    %logistic3A_1617 = arith.negf %add3A_1616 : vector<256x128xf32>
    %logistic3A_1618 = math.exp %logistic3A_1617 : vector<256x128xf32>
    %logistic3A_1619 = arith.constant 1.000000e+00 : f32
    %logistic3A_1620 = vector.broadcast %logistic3A_1619 : f32 to vector<256x128xf32>
    %logistic3A_1621 = arith.addf %logistic3A_1620, %logistic3A_1618 : vector<256x128xf32>
    %logistic3A_1622 = arith.divf %logistic3A_1620, %logistic3A_1621 : vector<256x128xf32>
    %mul3A_1623 = arith.mulf %logistic3A_1622, %get3A_1598 : vector<256x128xf32>
    %sub3A_1624 = arith.constant 1.000000e+00 : f32
    %sub3A_1625 = vector.broadcast %sub3A_1624 : f32 to vector<256x128xf32>
    %sub3A_1626 = arith.subf %sub3A_1625, %logistic3A_1622 : vector<256x128xf32>
    %mul3A_1627 = arith.mulf %sub3A_1626, %dot_general3A_1605 : vector<256x128xf32>
    %add3A_1628 = arith.addf %mul3A_1623, %mul3A_1627 : vector<256x128xf32>
    %mul3A_1629 = arith.mulf %add3A_1628, %add3A_1628 : vector<256x128xf32>
    %dot_general3A_1630 = arith.constant dense<0.000000e+00> : vector<256x128xf32>
    %dot_general3A_1631 = tpu.matmul %mul3A_1629, %get3A_13, %dot_general3A_1630 {dimension_numbers = #tpu.dot_dimension_numbers<[1], [0], [0], [1], [0, 0, 1, 1], [], []>, transpose_lhs_hint = false} : vector<256x128xf32>, vector<128x128xf32>, vector<256x128xf32> -> vector<256x128xf32>
    %sqrt3A_1632 = math.sqrt %dot_general3A_1631 : vector<256x128xf32>
    %max3A_1633 = arith.constant 9.99999996E-13 : f32
    %max3A_1634 = vector.broadcast %max3A_1633 : f32 to vector<256x128xf32>
    %max3A_1635 = arith.maximumf %sqrt3A_1632, %max3A_1634 : vector<256x128xf32>
    %div3A_1636 = arith.divf %add3A_1628, %max3A_1635 : vector<256x128xf32>
    %add3A_1637 = arith.addf %add3A_1593, %div3A_1636 : vector<256x128xf32>
    %get3A_1638 = arith.constant 37 : index
    %get3A_1639 = arith.constant 0 : index
    %get3A_1640 = arith.constant 0 : index
    %get3A_1641 = vector.load %arg1[%get3A_1638, %get3A_1639, %get3A_1640] : memref<50x256x128xf32, #tpu.memory_space<vmem>>, vector<1x256x128xf32>
    %get3A_1642 = vector.shape_cast %get3A_1641 : vector<1x256x128xf32> to vector<256x128xf32>
    %get3A_1643 = arith.constant 37 : index
    %get3A_1644 = arith.constant 0 : index
    %get3A_1645 = arith.constant 0 : index
    %get3A_1646 = vector.load %arg2[%get3A_1643, %get3A_1644, %get3A_1645] : memref<50x20x256xf32, #tpu.memory_space<vmem>>, vector<1x20x256xf32>
    %get3A_1647 = vector.shape_cast %get3A_1646 : vector<1x20x256xf32> to vector<20x256xf32>
    %dot_general3A_1648 = arith.constant dense<0.000000e+00> : vector<256x128xf32>
    %dot_general3A_1649 = tpu.matmul %get3A_1647, %get3A_1, %dot_general3A_1648 {dimension_numbers = #tpu.dot_dimension_numbers<[0], [0], [1], [1], [0, 1, 1, 1], [], []>, transpose_lhs_hint = false} : vector<20x256xf32>, vector<20x128xf32>, vector<256x128xf32> -> vector<256x128xf32>
    %mul3A_1650 = arith.mulf %get3A_1642, %dot_general3A_1649 : vector<256x128xf32>
    %dot_general3A_1651 = arith.constant dense<0.000000e+00> : vector<256x128xf32>
    %dot_general3A_1652 = tpu.matmul %get3A_1642, %get3A_4, %dot_general3A_1651 {dimension_numbers = #tpu.dot_dimension_numbers<[1], [0], [0], [1], [0, 0, 1, 1], [], []>, transpose_lhs_hint = false} : vector<256x128xf32>, vector<128x128xf32>, vector<256x128xf32> -> vector<256x128xf32>
    %dot_general3A_1653 = arith.constant dense<0.000000e+00> : vector<256x128xf32>
    %dot_general3A_1654 = tpu.matmul %dot_general3A_1649, %get3A_7, %dot_general3A_1653 {dimension_numbers = #tpu.dot_dimension_numbers<[1], [0], [0], [1], [0, 0, 1, 1], [], []>, transpose_lhs_hint = false} : vector<256x128xf32>, vector<128x128xf32>, vector<256x128xf32> -> vector<256x128xf32>
    %add3A_1655 = arith.addf %dot_general3A_1652, %dot_general3A_1654 : vector<256x128xf32>
    %dot_general3A_1656 = arith.constant dense<0.000000e+00> : vector<256x128xf32>
    %dot_general3A_1657 = tpu.matmul %mul3A_1650, %get3A_10, %dot_general3A_1656 {dimension_numbers = #tpu.dot_dimension_numbers<[1], [0], [0], [1], [0, 0, 1, 1], [], []>, transpose_lhs_hint = false} : vector<256x128xf32>, vector<128x128xf32>, vector<256x128xf32> -> vector<256x128xf32>
    %add3A_1658 = arith.addf %add3A_1655, %dot_general3A_1657 : vector<256x128xf32>
    %add3A_1659 = vector.broadcast %get3A_16 : vector<1x128xf32> to vector<256x128xf32>
    %add3A_1660 = arith.addf %add3A_1658, %add3A_1659 : vector<256x128xf32>
    %logistic3A_1661 = arith.negf %add3A_1660 : vector<256x128xf32>
    %logistic3A_1662 = math.exp %logistic3A_1661 : vector<256x128xf32>
    %logistic3A_1663 = arith.constant 1.000000e+00 : f32
    %logistic3A_1664 = vector.broadcast %logistic3A_1663 : f32 to vector<256x128xf32>
    %logistic3A_1665 = arith.addf %logistic3A_1664, %logistic3A_1662 : vector<256x128xf32>
    %logistic3A_1666 = arith.divf %logistic3A_1664, %logistic3A_1665 : vector<256x128xf32>
    %mul3A_1667 = arith.mulf %logistic3A_1666, %get3A_1642 : vector<256x128xf32>
    %sub3A_1668 = arith.constant 1.000000e+00 : f32
    %sub3A_1669 = vector.broadcast %sub3A_1668 : f32 to vector<256x128xf32>
    %sub3A_1670 = arith.subf %sub3A_1669, %logistic3A_1666 : vector<256x128xf32>
    %mul3A_1671 = arith.mulf %sub3A_1670, %dot_general3A_1649 : vector<256x128xf32>
    %add3A_1672 = arith.addf %mul3A_1667, %mul3A_1671 : vector<256x128xf32>
    %mul3A_1673 = arith.mulf %add3A_1672, %add3A_1672 : vector<256x128xf32>
    %dot_general3A_1674 = arith.constant dense<0.000000e+00> : vector<256x128xf32>
    %dot_general3A_1675 = tpu.matmul %mul3A_1673, %get3A_13, %dot_general3A_1674 {dimension_numbers = #tpu.dot_dimension_numbers<[1], [0], [0], [1], [0, 0, 1, 1], [], []>, transpose_lhs_hint = false} : vector<256x128xf32>, vector<128x128xf32>, vector<256x128xf32> -> vector<256x128xf32>
    %sqrt3A_1676 = math.sqrt %dot_general3A_1675 : vector<256x128xf32>
    %max3A_1677 = arith.constant 9.99999996E-13 : f32
    %max3A_1678 = vector.broadcast %max3A_1677 : f32 to vector<256x128xf32>
    %max3A_1679 = arith.maximumf %sqrt3A_1676, %max3A_1678 : vector<256x128xf32>
    %div3A_1680 = arith.divf %add3A_1672, %max3A_1679 : vector<256x128xf32>
    %add3A_1681 = arith.addf %add3A_1637, %div3A_1680 : vector<256x128xf32>
    %get3A_1682 = arith.constant 38 : index
    %get3A_1683 = arith.constant 0 : index
    %get3A_1684 = arith.constant 0 : index
    %get3A_1685 = vector.load %arg1[%get3A_1682, %get3A_1683, %get3A_1684] : memref<50x256x128xf32, #tpu.memory_space<vmem>>, vector<1x256x128xf32>
    %get3A_1686 = vector.shape_cast %get3A_1685 : vector<1x256x128xf32> to vector<256x128xf32>
    %get3A_1687 = arith.constant 38 : index
    %get3A_1688 = arith.constant 0 : index
    %get3A_1689 = arith.constant 0 : index
    %get3A_1690 = vector.load %arg2[%get3A_1687, %get3A_1688, %get3A_1689] : memref<50x20x256xf32, #tpu.memory_space<vmem>>, vector<1x20x256xf32>
    %get3A_1691 = vector.shape_cast %get3A_1690 : vector<1x20x256xf32> to vector<20x256xf32>
    %dot_general3A_1692 = arith.constant dense<0.000000e+00> : vector<256x128xf32>
    %dot_general3A_1693 = tpu.matmul %get3A_1691, %get3A_1, %dot_general3A_1692 {dimension_numbers = #tpu.dot_dimension_numbers<[0], [0], [1], [1], [0, 1, 1, 1], [], []>, transpose_lhs_hint = false} : vector<20x256xf32>, vector<20x128xf32>, vector<256x128xf32> -> vector<256x128xf32>
    %mul3A_1694 = arith.mulf %get3A_1686, %dot_general3A_1693 : vector<256x128xf32>
    %dot_general3A_1695 = arith.constant dense<0.000000e+00> : vector<256x128xf32>
    %dot_general3A_1696 = tpu.matmul %get3A_1686, %get3A_4, %dot_general3A_1695 {dimension_numbers = #tpu.dot_dimension_numbers<[1], [0], [0], [1], [0, 0, 1, 1], [], []>, transpose_lhs_hint = false} : vector<256x128xf32>, vector<128x128xf32>, vector<256x128xf32> -> vector<256x128xf32>
    %dot_general3A_1697 = arith.constant dense<0.000000e+00> : vector<256x128xf32>
    %dot_general3A_1698 = tpu.matmul %dot_general3A_1693, %get3A_7, %dot_general3A_1697 {dimension_numbers = #tpu.dot_dimension_numbers<[1], [0], [0], [1], [0, 0, 1, 1], [], []>, transpose_lhs_hint = false} : vector<256x128xf32>, vector<128x128xf32>, vector<256x128xf32> -> vector<256x128xf32>
    %add3A_1699 = arith.addf %dot_general3A_1696, %dot_general3A_1698 : vector<256x128xf32>
    %dot_general3A_1700 = arith.constant dense<0.000000e+00> : vector<256x128xf32>
    %dot_general3A_1701 = tpu.matmul %mul3A_1694, %get3A_10, %dot_general3A_1700 {dimension_numbers = #tpu.dot_dimension_numbers<[1], [0], [0], [1], [0, 0, 1, 1], [], []>, transpose_lhs_hint = false} : vector<256x128xf32>, vector<128x128xf32>, vector<256x128xf32> -> vector<256x128xf32>
    %add3A_1702 = arith.addf %add3A_1699, %dot_general3A_1701 : vector<256x128xf32>
    %add3A_1703 = vector.broadcast %get3A_16 : vector<1x128xf32> to vector<256x128xf32>
    %add3A_1704 = arith.addf %add3A_1702, %add3A_1703 : vector<256x128xf32>
    %logistic3A_1705 = arith.negf %add3A_1704 : vector<256x128xf32>
    %logistic3A_1706 = math.exp %logistic3A_1705 : vector<256x128xf32>
    %logistic3A_1707 = arith.constant 1.000000e+00 : f32
    %logistic3A_1708 = vector.broadcast %logistic3A_1707 : f32 to vector<256x128xf32>
    %logistic3A_1709 = arith.addf %logistic3A_1708, %logistic3A_1706 : vector<256x128xf32>
    %logistic3A_1710 = arith.divf %logistic3A_1708, %logistic3A_1709 : vector<256x128xf32>
    %mul3A_1711 = arith.mulf %logistic3A_1710, %get3A_1686 : vector<256x128xf32>
    %sub3A_1712 = arith.constant 1.000000e+00 : f32
    %sub3A_1713 = vector.broadcast %sub3A_1712 : f32 to vector<256x128xf32>
    %sub3A_1714 = arith.subf %sub3A_1713, %logistic3A_1710 : vector<256x128xf32>
    %mul3A_1715 = arith.mulf %sub3A_1714, %dot_general3A_1693 : vector<256x128xf32>
    %add3A_1716 = arith.addf %mul3A_1711, %mul3A_1715 : vector<256x128xf32>
    %mul3A_1717 = arith.mulf %add3A_1716, %add3A_1716 : vector<256x128xf32>
    %dot_general3A_1718 = arith.constant dense<0.000000e+00> : vector<256x128xf32>
    %dot_general3A_1719 = tpu.matmul %mul3A_1717, %get3A_13, %dot_general3A_1718 {dimension_numbers = #tpu.dot_dimension_numbers<[1], [0], [0], [1], [0, 0, 1, 1], [], []>, transpose_lhs_hint = false} : vector<256x128xf32>, vector<128x128xf32>, vector<256x128xf32> -> vector<256x128xf32>
    %sqrt3A_1720 = math.sqrt %dot_general3A_1719 : vector<256x128xf32>
    %max3A_1721 = arith.constant 9.99999996E-13 : f32
    %max3A_1722 = vector.broadcast %max3A_1721 : f32 to vector<256x128xf32>
    %max3A_1723 = arith.maximumf %sqrt3A_1720, %max3A_1722 : vector<256x128xf32>
    %div3A_1724 = arith.divf %add3A_1716, %max3A_1723 : vector<256x128xf32>
    %add3A_1725 = arith.addf %add3A_1681, %div3A_1724 : vector<256x128xf32>
    %get3A_1726 = arith.constant 39 : index
    %get3A_1727 = arith.constant 0 : index
    %get3A_1728 = arith.constant 0 : index
    %get3A_1729 = vector.load %arg1[%get3A_1726, %get3A_1727, %get3A_1728] : memref<50x256x128xf32, #tpu.memory_space<vmem>>, vector<1x256x128xf32>
    %get3A_1730 = vector.shape_cast %get3A_1729 : vector<1x256x128xf32> to vector<256x128xf32>
    %get3A_1731 = arith.constant 39 : index
    %get3A_1732 = arith.constant 0 : index
    %get3A_1733 = arith.constant 0 : index
    %get3A_1734 = vector.load %arg2[%get3A_1731, %get3A_1732, %get3A_1733] : memref<50x20x256xf32, #tpu.memory_space<vmem>>, vector<1x20x256xf32>
    %get3A_1735 = vector.shape_cast %get3A_1734 : vector<1x20x256xf32> to vector<20x256xf32>
    %dot_general3A_1736 = arith.constant dense<0.000000e+00> : vector<256x128xf32>
    %dot_general3A_1737 = tpu.matmul %get3A_1735, %get3A_1, %dot_general3A_1736 {dimension_numbers = #tpu.dot_dimension_numbers<[0], [0], [1], [1], [0, 1, 1, 1], [], []>, transpose_lhs_hint = false} : vector<20x256xf32>, vector<20x128xf32>, vector<256x128xf32> -> vector<256x128xf32>
    %mul3A_1738 = arith.mulf %get3A_1730, %dot_general3A_1737 : vector<256x128xf32>
    %dot_general3A_1739 = arith.constant dense<0.000000e+00> : vector<256x128xf32>
    %dot_general3A_1740 = tpu.matmul %get3A_1730, %get3A_4, %dot_general3A_1739 {dimension_numbers = #tpu.dot_dimension_numbers<[1], [0], [0], [1], [0, 0, 1, 1], [], []>, transpose_lhs_hint = false} : vector<256x128xf32>, vector<128x128xf32>, vector<256x128xf32> -> vector<256x128xf32>
    %dot_general3A_1741 = arith.constant dense<0.000000e+00> : vector<256x128xf32>
    %dot_general3A_1742 = tpu.matmul %dot_general3A_1737, %get3A_7, %dot_general3A_1741 {dimension_numbers = #tpu.dot_dimension_numbers<[1], [0], [0], [1], [0, 0, 1, 1], [], []>, transpose_lhs_hint = false} : vector<256x128xf32>, vector<128x128xf32>, vector<256x128xf32> -> vector<256x128xf32>
    %add3A_1743 = arith.addf %dot_general3A_1740, %dot_general3A_1742 : vector<256x128xf32>
    %dot_general3A_1744 = arith.constant dense<0.000000e+00> : vector<256x128xf32>
    %dot_general3A_1745 = tpu.matmul %mul3A_1738, %get3A_10, %dot_general3A_1744 {dimension_numbers = #tpu.dot_dimension_numbers<[1], [0], [0], [1], [0, 0, 1, 1], [], []>, transpose_lhs_hint = false} : vector<256x128xf32>, vector<128x128xf32>, vector<256x128xf32> -> vector<256x128xf32>
    %add3A_1746 = arith.addf %add3A_1743, %dot_general3A_1745 : vector<256x128xf32>
    %add3A_1747 = vector.broadcast %get3A_16 : vector<1x128xf32> to vector<256x128xf32>
    %add3A_1748 = arith.addf %add3A_1746, %add3A_1747 : vector<256x128xf32>
    %logistic3A_1749 = arith.negf %add3A_1748 : vector<256x128xf32>
    %logistic3A_1750 = math.exp %logistic3A_1749 : vector<256x128xf32>
    %logistic3A_1751 = arith.constant 1.000000e+00 : f32
    %logistic3A_1752 = vector.broadcast %logistic3A_1751 : f32 to vector<256x128xf32>
    %logistic3A_1753 = arith.addf %logistic3A_1752, %logistic3A_1750 : vector<256x128xf32>
    %logistic3A_1754 = arith.divf %logistic3A_1752, %logistic3A_1753 : vector<256x128xf32>
    %mul3A_1755 = arith.mulf %logistic3A_1754, %get3A_1730 : vector<256x128xf32>
    %sub3A_1756 = arith.constant 1.000000e+00 : f32
    %sub3A_1757 = vector.broadcast %sub3A_1756 : f32 to vector<256x128xf32>
    %sub3A_1758 = arith.subf %sub3A_1757, %logistic3A_1754 : vector<256x128xf32>
    %mul3A_1759 = arith.mulf %sub3A_1758, %dot_general3A_1737 : vector<256x128xf32>
    %add3A_1760 = arith.addf %mul3A_1755, %mul3A_1759 : vector<256x128xf32>
    %mul3A_1761 = arith.mulf %add3A_1760, %add3A_1760 : vector<256x128xf32>
    %dot_general3A_1762 = arith.constant dense<0.000000e+00> : vector<256x128xf32>
    %dot_general3A_1763 = tpu.matmul %mul3A_1761, %get3A_13, %dot_general3A_1762 {dimension_numbers = #tpu.dot_dimension_numbers<[1], [0], [0], [1], [0, 0, 1, 1], [], []>, transpose_lhs_hint = false} : vector<256x128xf32>, vector<128x128xf32>, vector<256x128xf32> -> vector<256x128xf32>
    %sqrt3A_1764 = math.sqrt %dot_general3A_1763 : vector<256x128xf32>
    %max3A_1765 = arith.constant 9.99999996E-13 : f32
    %max3A_1766 = vector.broadcast %max3A_1765 : f32 to vector<256x128xf32>
    %max3A_1767 = arith.maximumf %sqrt3A_1764, %max3A_1766 : vector<256x128xf32>
    %div3A_1768 = arith.divf %add3A_1760, %max3A_1767 : vector<256x128xf32>
    %add3A_1769 = arith.addf %add3A_1725, %div3A_1768 : vector<256x128xf32>
    %get3A_1770 = arith.constant 40 : index
    %get3A_1771 = arith.constant 0 : index
    %get3A_1772 = arith.constant 0 : index
    %get3A_1773 = vector.load %arg1[%get3A_1770, %get3A_1771, %get3A_1772] : memref<50x256x128xf32, #tpu.memory_space<vmem>>, vector<1x256x128xf32>
    %get3A_1774 = vector.shape_cast %get3A_1773 : vector<1x256x128xf32> to vector<256x128xf32>
    %get3A_1775 = arith.constant 40 : index
    %get3A_1776 = arith.constant 0 : index
    %get3A_1777 = arith.constant 0 : index
    %get3A_1778 = vector.load %arg2[%get3A_1775, %get3A_1776, %get3A_1777] : memref<50x20x256xf32, #tpu.memory_space<vmem>>, vector<1x20x256xf32>
    %get3A_1779 = vector.shape_cast %get3A_1778 : vector<1x20x256xf32> to vector<20x256xf32>
    %dot_general3A_1780 = arith.constant dense<0.000000e+00> : vector<256x128xf32>
    %dot_general3A_1781 = tpu.matmul %get3A_1779, %get3A_1, %dot_general3A_1780 {dimension_numbers = #tpu.dot_dimension_numbers<[0], [0], [1], [1], [0, 1, 1, 1], [], []>, transpose_lhs_hint = false} : vector<20x256xf32>, vector<20x128xf32>, vector<256x128xf32> -> vector<256x128xf32>
    %mul3A_1782 = arith.mulf %get3A_1774, %dot_general3A_1781 : vector<256x128xf32>
    %dot_general3A_1783 = arith.constant dense<0.000000e+00> : vector<256x128xf32>
    %dot_general3A_1784 = tpu.matmul %get3A_1774, %get3A_4, %dot_general3A_1783 {dimension_numbers = #tpu.dot_dimension_numbers<[1], [0], [0], [1], [0, 0, 1, 1], [], []>, transpose_lhs_hint = false} : vector<256x128xf32>, vector<128x128xf32>, vector<256x128xf32> -> vector<256x128xf32>
    %dot_general3A_1785 = arith.constant dense<0.000000e+00> : vector<256x128xf32>
    %dot_general3A_1786 = tpu.matmul %dot_general3A_1781, %get3A_7, %dot_general3A_1785 {dimension_numbers = #tpu.dot_dimension_numbers<[1], [0], [0], [1], [0, 0, 1, 1], [], []>, transpose_lhs_hint = false} : vector<256x128xf32>, vector<128x128xf32>, vector<256x128xf32> -> vector<256x128xf32>
    %add3A_1787 = arith.addf %dot_general3A_1784, %dot_general3A_1786 : vector<256x128xf32>
    %dot_general3A_1788 = arith.constant dense<0.000000e+00> : vector<256x128xf32>
    %dot_general3A_1789 = tpu.matmul %mul3A_1782, %get3A_10, %dot_general3A_1788 {dimension_numbers = #tpu.dot_dimension_numbers<[1], [0], [0], [1], [0, 0, 1, 1], [], []>, transpose_lhs_hint = false} : vector<256x128xf32>, vector<128x128xf32>, vector<256x128xf32> -> vector<256x128xf32>
    %add3A_1790 = arith.addf %add3A_1787, %dot_general3A_1789 : vector<256x128xf32>
    %add3A_1791 = vector.broadcast %get3A_16 : vector<1x128xf32> to vector<256x128xf32>
    %add3A_1792 = arith.addf %add3A_1790, %add3A_1791 : vector<256x128xf32>
    %logistic3A_1793 = arith.negf %add3A_1792 : vector<256x128xf32>
    %logistic3A_1794 = math.exp %logistic3A_1793 : vector<256x128xf32>
    %logistic3A_1795 = arith.constant 1.000000e+00 : f32
    %logistic3A_1796 = vector.broadcast %logistic3A_1795 : f32 to vector<256x128xf32>
    %logistic3A_1797 = arith.addf %logistic3A_1796, %logistic3A_1794 : vector<256x128xf32>
    %logistic3A_1798 = arith.divf %logistic3A_1796, %logistic3A_1797 : vector<256x128xf32>
    %mul3A_1799 = arith.mulf %logistic3A_1798, %get3A_1774 : vector<256x128xf32>
    %sub3A_1800 = arith.constant 1.000000e+00 : f32
    %sub3A_1801 = vector.broadcast %sub3A_1800 : f32 to vector<256x128xf32>
    %sub3A_1802 = arith.subf %sub3A_1801, %logistic3A_1798 : vector<256x128xf32>
    %mul3A_1803 = arith.mulf %sub3A_1802, %dot_general3A_1781 : vector<256x128xf32>
    %add3A_1804 = arith.addf %mul3A_1799, %mul3A_1803 : vector<256x128xf32>
    %mul3A_1805 = arith.mulf %add3A_1804, %add3A_1804 : vector<256x128xf32>
    %dot_general3A_1806 = arith.constant dense<0.000000e+00> : vector<256x128xf32>
    %dot_general3A_1807 = tpu.matmul %mul3A_1805, %get3A_13, %dot_general3A_1806 {dimension_numbers = #tpu.dot_dimension_numbers<[1], [0], [0], [1], [0, 0, 1, 1], [], []>, transpose_lhs_hint = false} : vector<256x128xf32>, vector<128x128xf32>, vector<256x128xf32> -> vector<256x128xf32>
    %sqrt3A_1808 = math.sqrt %dot_general3A_1807 : vector<256x128xf32>
    %max3A_1809 = arith.constant 9.99999996E-13 : f32
    %max3A_1810 = vector.broadcast %max3A_1809 : f32 to vector<256x128xf32>
    %max3A_1811 = arith.maximumf %sqrt3A_1808, %max3A_1810 : vector<256x128xf32>
    %div3A_1812 = arith.divf %add3A_1804, %max3A_1811 : vector<256x128xf32>
    %add3A_1813 = arith.addf %add3A_1769, %div3A_1812 : vector<256x128xf32>
    %get3A_1814 = arith.constant 41 : index
    %get3A_1815 = arith.constant 0 : index
    %get3A_1816 = arith.constant 0 : index
    %get3A_1817 = vector.load %arg1[%get3A_1814, %get3A_1815, %get3A_1816] : memref<50x256x128xf32, #tpu.memory_space<vmem>>, vector<1x256x128xf32>
    %get3A_1818 = vector.shape_cast %get3A_1817 : vector<1x256x128xf32> to vector<256x128xf32>
    %get3A_1819 = arith.constant 41 : index
    %get3A_1820 = arith.constant 0 : index
    %get3A_1821 = arith.constant 0 : index
    %get3A_1822 = vector.load %arg2[%get3A_1819, %get3A_1820, %get3A_1821] : memref<50x20x256xf32, #tpu.memory_space<vmem>>, vector<1x20x256xf32>
    %get3A_1823 = vector.shape_cast %get3A_1822 : vector<1x20x256xf32> to vector<20x256xf32>
    %dot_general3A_1824 = arith.constant dense<0.000000e+00> : vector<256x128xf32>
    %dot_general3A_1825 = tpu.matmul %get3A_1823, %get3A_1, %dot_general3A_1824 {dimension_numbers = #tpu.dot_dimension_numbers<[0], [0], [1], [1], [0, 1, 1, 1], [], []>, transpose_lhs_hint = false} : vector<20x256xf32>, vector<20x128xf32>, vector<256x128xf32> -> vector<256x128xf32>
    %mul3A_1826 = arith.mulf %get3A_1818, %dot_general3A_1825 : vector<256x128xf32>
    %dot_general3A_1827 = arith.constant dense<0.000000e+00> : vector<256x128xf32>
    %dot_general3A_1828 = tpu.matmul %get3A_1818, %get3A_4, %dot_general3A_1827 {dimension_numbers = #tpu.dot_dimension_numbers<[1], [0], [0], [1], [0, 0, 1, 1], [], []>, transpose_lhs_hint = false} : vector<256x128xf32>, vector<128x128xf32>, vector<256x128xf32> -> vector<256x128xf32>
    %dot_general3A_1829 = arith.constant dense<0.000000e+00> : vector<256x128xf32>
    %dot_general3A_1830 = tpu.matmul %dot_general3A_1825, %get3A_7, %dot_general3A_1829 {dimension_numbers = #tpu.dot_dimension_numbers<[1], [0], [0], [1], [0, 0, 1, 1], [], []>, transpose_lhs_hint = false} : vector<256x128xf32>, vector<128x128xf32>, vector<256x128xf32> -> vector<256x128xf32>
    %add3A_1831 = arith.addf %dot_general3A_1828, %dot_general3A_1830 : vector<256x128xf32>
    %dot_general3A_1832 = arith.constant dense<0.000000e+00> : vector<256x128xf32>
    %dot_general3A_1833 = tpu.matmul %mul3A_1826, %get3A_10, %dot_general3A_1832 {dimension_numbers = #tpu.dot_dimension_numbers<[1], [0], [0], [1], [0, 0, 1, 1], [], []>, transpose_lhs_hint = false} : vector<256x128xf32>, vector<128x128xf32>, vector<256x128xf32> -> vector<256x128xf32>
    %add3A_1834 = arith.addf %add3A_1831, %dot_general3A_1833 : vector<256x128xf32>
    %add3A_1835 = vector.broadcast %get3A_16 : vector<1x128xf32> to vector<256x128xf32>
    %add3A_1836 = arith.addf %add3A_1834, %add3A_1835 : vector<256x128xf32>
    %logistic3A_1837 = arith.negf %add3A_1836 : vector<256x128xf32>
    %logistic3A_1838 = math.exp %logistic3A_1837 : vector<256x128xf32>
    %logistic3A_1839 = arith.constant 1.000000e+00 : f32
    %logistic3A_1840 = vector.broadcast %logistic3A_1839 : f32 to vector<256x128xf32>
    %logistic3A_1841 = arith.addf %logistic3A_1840, %logistic3A_1838 : vector<256x128xf32>
    %logistic3A_1842 = arith.divf %logistic3A_1840, %logistic3A_1841 : vector<256x128xf32>
    %mul3A_1843 = arith.mulf %logistic3A_1842, %get3A_1818 : vector<256x128xf32>
    %sub3A_1844 = arith.constant 1.000000e+00 : f32
    %sub3A_1845 = vector.broadcast %sub3A_1844 : f32 to vector<256x128xf32>
    %sub3A_1846 = arith.subf %sub3A_1845, %logistic3A_1842 : vector<256x128xf32>
    %mul3A_1847 = arith.mulf %sub3A_1846, %dot_general3A_1825 : vector<256x128xf32>
    %add3A_1848 = arith.addf %mul3A_1843, %mul3A_1847 : vector<256x128xf32>
    %mul3A_1849 = arith.mulf %add3A_1848, %add3A_1848 : vector<256x128xf32>
    %dot_general3A_1850 = arith.constant dense<0.000000e+00> : vector<256x128xf32>
    %dot_general3A_1851 = tpu.matmul %mul3A_1849, %get3A_13, %dot_general3A_1850 {dimension_numbers = #tpu.dot_dimension_numbers<[1], [0], [0], [1], [0, 0, 1, 1], [], []>, transpose_lhs_hint = false} : vector<256x128xf32>, vector<128x128xf32>, vector<256x128xf32> -> vector<256x128xf32>
    %sqrt3A_1852 = math.sqrt %dot_general3A_1851 : vector<256x128xf32>
    %max3A_1853 = arith.constant 9.99999996E-13 : f32
    %max3A_1854 = vector.broadcast %max3A_1853 : f32 to vector<256x128xf32>
    %max3A_1855 = arith.maximumf %sqrt3A_1852, %max3A_1854 : vector<256x128xf32>
    %div3A_1856 = arith.divf %add3A_1848, %max3A_1855 : vector<256x128xf32>
    %add3A_1857 = arith.addf %add3A_1813, %div3A_1856 : vector<256x128xf32>
    %get3A_1858 = arith.constant 42 : index
    %get3A_1859 = arith.constant 0 : index
    %get3A_1860 = arith.constant 0 : index
    %get3A_1861 = vector.load %arg1[%get3A_1858, %get3A_1859, %get3A_1860] : memref<50x256x128xf32, #tpu.memory_space<vmem>>, vector<1x256x128xf32>
    %get3A_1862 = vector.shape_cast %get3A_1861 : vector<1x256x128xf32> to vector<256x128xf32>
    %get3A_1863 = arith.constant 42 : index
    %get3A_1864 = arith.constant 0 : index
    %get3A_1865 = arith.constant 0 : index
    %get3A_1866 = vector.load %arg2[%get3A_1863, %get3A_1864, %get3A_1865] : memref<50x20x256xf32, #tpu.memory_space<vmem>>, vector<1x20x256xf32>
    %get3A_1867 = vector.shape_cast %get3A_1866 : vector<1x20x256xf32> to vector<20x256xf32>
    %dot_general3A_1868 = arith.constant dense<0.000000e+00> : vector<256x128xf32>
    %dot_general3A_1869 = tpu.matmul %get3A_1867, %get3A_1, %dot_general3A_1868 {dimension_numbers = #tpu.dot_dimension_numbers<[0], [0], [1], [1], [0, 1, 1, 1], [], []>, transpose_lhs_hint = false} : vector<20x256xf32>, vector<20x128xf32>, vector<256x128xf32> -> vector<256x128xf32>
    %mul3A_1870 = arith.mulf %get3A_1862, %dot_general3A_1869 : vector<256x128xf32>
    %dot_general3A_1871 = arith.constant dense<0.000000e+00> : vector<256x128xf32>
    %dot_general3A_1872 = tpu.matmul %get3A_1862, %get3A_4, %dot_general3A_1871 {dimension_numbers = #tpu.dot_dimension_numbers<[1], [0], [0], [1], [0, 0, 1, 1], [], []>, transpose_lhs_hint = false} : vector<256x128xf32>, vector<128x128xf32>, vector<256x128xf32> -> vector<256x128xf32>
    %dot_general3A_1873 = arith.constant dense<0.000000e+00> : vector<256x128xf32>
    %dot_general3A_1874 = tpu.matmul %dot_general3A_1869, %get3A_7, %dot_general3A_1873 {dimension_numbers = #tpu.dot_dimension_numbers<[1], [0], [0], [1], [0, 0, 1, 1], [], []>, transpose_lhs_hint = false} : vector<256x128xf32>, vector<128x128xf32>, vector<256x128xf32> -> vector<256x128xf32>
    %add3A_1875 = arith.addf %dot_general3A_1872, %dot_general3A_1874 : vector<256x128xf32>
    %dot_general3A_1876 = arith.constant dense<0.000000e+00> : vector<256x128xf32>
    %dot_general3A_1877 = tpu.matmul %mul3A_1870, %get3A_10, %dot_general3A_1876 {dimension_numbers = #tpu.dot_dimension_numbers<[1], [0], [0], [1], [0, 0, 1, 1], [], []>, transpose_lhs_hint = false} : vector<256x128xf32>, vector<128x128xf32>, vector<256x128xf32> -> vector<256x128xf32>
    %add3A_1878 = arith.addf %add3A_1875, %dot_general3A_1877 : vector<256x128xf32>
    %add3A_1879 = vector.broadcast %get3A_16 : vector<1x128xf32> to vector<256x128xf32>
    %add3A_1880 = arith.addf %add3A_1878, %add3A_1879 : vector<256x128xf32>
    %logistic3A_1881 = arith.negf %add3A_1880 : vector<256x128xf32>
    %logistic3A_1882 = math.exp %logistic3A_1881 : vector<256x128xf32>
    %logistic3A_1883 = arith.constant 1.000000e+00 : f32
    %logistic3A_1884 = vector.broadcast %logistic3A_1883 : f32 to vector<256x128xf32>
    %logistic3A_1885 = arith.addf %logistic3A_1884, %logistic3A_1882 : vector<256x128xf32>
    %logistic3A_1886 = arith.divf %logistic3A_1884, %logistic3A_1885 : vector<256x128xf32>
    %mul3A_1887 = arith.mulf %logistic3A_1886, %get3A_1862 : vector<256x128xf32>
    %sub3A_1888 = arith.constant 1.000000e+00 : f32
    %sub3A_1889 = vector.broadcast %sub3A_1888 : f32 to vector<256x128xf32>
    %sub3A_1890 = arith.subf %sub3A_1889, %logistic3A_1886 : vector<256x128xf32>
    %mul3A_1891 = arith.mulf %sub3A_1890, %dot_general3A_1869 : vector<256x128xf32>
    %add3A_1892 = arith.addf %mul3A_1887, %mul3A_1891 : vector<256x128xf32>
    %mul3A_1893 = arith.mulf %add3A_1892, %add3A_1892 : vector<256x128xf32>
    %dot_general3A_1894 = arith.constant dense<0.000000e+00> : vector<256x128xf32>
    %dot_general3A_1895 = tpu.matmul %mul3A_1893, %get3A_13, %dot_general3A_1894 {dimension_numbers = #tpu.dot_dimension_numbers<[1], [0], [0], [1], [0, 0, 1, 1], [], []>, transpose_lhs_hint = false} : vector<256x128xf32>, vector<128x128xf32>, vector<256x128xf32> -> vector<256x128xf32>
    %sqrt3A_1896 = math.sqrt %dot_general3A_1895 : vector<256x128xf32>
    %max3A_1897 = arith.constant 9.99999996E-13 : f32
    %max3A_1898 = vector.broadcast %max3A_1897 : f32 to vector<256x128xf32>
    %max3A_1899 = arith.maximumf %sqrt3A_1896, %max3A_1898 : vector<256x128xf32>
    %div3A_1900 = arith.divf %add3A_1892, %max3A_1899 : vector<256x128xf32>
    %add3A_1901 = arith.addf %add3A_1857, %div3A_1900 : vector<256x128xf32>
    %get3A_1902 = arith.constant 43 : index
    %get3A_1903 = arith.constant 0 : index
    %get3A_1904 = arith.constant 0 : index
    %get3A_1905 = vector.load %arg1[%get3A_1902, %get3A_1903, %get3A_1904] : memref<50x256x128xf32, #tpu.memory_space<vmem>>, vector<1x256x128xf32>
    %get3A_1906 = vector.shape_cast %get3A_1905 : vector<1x256x128xf32> to vector<256x128xf32>
    %get3A_1907 = arith.constant 43 : index
    %get3A_1908 = arith.constant 0 : index
    %get3A_1909 = arith.constant 0 : index
    %get3A_1910 = vector.load %arg2[%get3A_1907, %get3A_1908, %get3A_1909] : memref<50x20x256xf32, #tpu.memory_space<vmem>>, vector<1x20x256xf32>
    %get3A_1911 = vector.shape_cast %get3A_1910 : vector<1x20x256xf32> to vector<20x256xf32>
    %dot_general3A_1912 = arith.constant dense<0.000000e+00> : vector<256x128xf32>
    %dot_general3A_1913 = tpu.matmul %get3A_1911, %get3A_1, %dot_general3A_1912 {dimension_numbers = #tpu.dot_dimension_numbers<[0], [0], [1], [1], [0, 1, 1, 1], [], []>, transpose_lhs_hint = false} : vector<20x256xf32>, vector<20x128xf32>, vector<256x128xf32> -> vector<256x128xf32>
    %mul3A_1914 = arith.mulf %get3A_1906, %dot_general3A_1913 : vector<256x128xf32>
    %dot_general3A_1915 = arith.constant dense<0.000000e+00> : vector<256x128xf32>
    %dot_general3A_1916 = tpu.matmul %get3A_1906, %get3A_4, %dot_general3A_1915 {dimension_numbers = #tpu.dot_dimension_numbers<[1], [0], [0], [1], [0, 0, 1, 1], [], []>, transpose_lhs_hint = false} : vector<256x128xf32>, vector<128x128xf32>, vector<256x128xf32> -> vector<256x128xf32>
    %dot_general3A_1917 = arith.constant dense<0.000000e+00> : vector<256x128xf32>
    %dot_general3A_1918 = tpu.matmul %dot_general3A_1913, %get3A_7, %dot_general3A_1917 {dimension_numbers = #tpu.dot_dimension_numbers<[1], [0], [0], [1], [0, 0, 1, 1], [], []>, transpose_lhs_hint = false} : vector<256x128xf32>, vector<128x128xf32>, vector<256x128xf32> -> vector<256x128xf32>
    %add3A_1919 = arith.addf %dot_general3A_1916, %dot_general3A_1918 : vector<256x128xf32>
    %dot_general3A_1920 = arith.constant dense<0.000000e+00> : vector<256x128xf32>
    %dot_general3A_1921 = tpu.matmul %mul3A_1914, %get3A_10, %dot_general3A_1920 {dimension_numbers = #tpu.dot_dimension_numbers<[1], [0], [0], [1], [0, 0, 1, 1], [], []>, transpose_lhs_hint = false} : vector<256x128xf32>, vector<128x128xf32>, vector<256x128xf32> -> vector<256x128xf32>
    %add3A_1922 = arith.addf %add3A_1919, %dot_general3A_1921 : vector<256x128xf32>
    %add3A_1923 = vector.broadcast %get3A_16 : vector<1x128xf32> to vector<256x128xf32>
    %add3A_1924 = arith.addf %add3A_1922, %add3A_1923 : vector<256x128xf32>
    %logistic3A_1925 = arith.negf %add3A_1924 : vector<256x128xf32>
    %logistic3A_1926 = math.exp %logistic3A_1925 : vector<256x128xf32>
    %logistic3A_1927 = arith.constant 1.000000e+00 : f32
    %logistic3A_1928 = vector.broadcast %logistic3A_1927 : f32 to vector<256x128xf32>
    %logistic3A_1929 = arith.addf %logistic3A_1928, %logistic3A_1926 : vector<256x128xf32>
    %logistic3A_1930 = arith.divf %logistic3A_1928, %logistic3A_1929 : vector<256x128xf32>
    %mul3A_1931 = arith.mulf %logistic3A_1930, %get3A_1906 : vector<256x128xf32>
    %sub3A_1932 = arith.constant 1.000000e+00 : f32
    %sub3A_1933 = vector.broadcast %sub3A_1932 : f32 to vector<256x128xf32>
    %sub3A_1934 = arith.subf %sub3A_1933, %logistic3A_1930 : vector<256x128xf32>
    %mul3A_1935 = arith.mulf %sub3A_1934, %dot_general3A_1913 : vector<256x128xf32>
    %add3A_1936 = arith.addf %mul3A_1931, %mul3A_1935 : vector<256x128xf32>
    %mul3A_1937 = arith.mulf %add3A_1936, %add3A_1936 : vector<256x128xf32>
    %dot_general3A_1938 = arith.constant dense<0.000000e+00> : vector<256x128xf32>
    %dot_general3A_1939 = tpu.matmul %mul3A_1937, %get3A_13, %dot_general3A_1938 {dimension_numbers = #tpu.dot_dimension_numbers<[1], [0], [0], [1], [0, 0, 1, 1], [], []>, transpose_lhs_hint = false} : vector<256x128xf32>, vector<128x128xf32>, vector<256x128xf32> -> vector<256x128xf32>
    %sqrt3A_1940 = math.sqrt %dot_general3A_1939 : vector<256x128xf32>
    %max3A_1941 = arith.constant 9.99999996E-13 : f32
    %max3A_1942 = vector.broadcast %max3A_1941 : f32 to vector<256x128xf32>
    %max3A_1943 = arith.maximumf %sqrt3A_1940, %max3A_1942 : vector<256x128xf32>
    %div3A_1944 = arith.divf %add3A_1936, %max3A_1943 : vector<256x128xf32>
    %add3A_1945 = arith.addf %add3A_1901, %div3A_1944 : vector<256x128xf32>
    %get3A_1946 = arith.constant 44 : index
    %get3A_1947 = arith.constant 0 : index
    %get3A_1948 = arith.constant 0 : index
    %get3A_1949 = vector.load %arg1[%get3A_1946, %get3A_1947, %get3A_1948] : memref<50x256x128xf32, #tpu.memory_space<vmem>>, vector<1x256x128xf32>
    %get3A_1950 = vector.shape_cast %get3A_1949 : vector<1x256x128xf32> to vector<256x128xf32>
    %get3A_1951 = arith.constant 44 : index
    %get3A_1952 = arith.constant 0 : index
    %get3A_1953 = arith.constant 0 : index
    %get3A_1954 = vector.load %arg2[%get3A_1951, %get3A_1952, %get3A_1953] : memref<50x20x256xf32, #tpu.memory_space<vmem>>, vector<1x20x256xf32>
    %get3A_1955 = vector.shape_cast %get3A_1954 : vector<1x20x256xf32> to vector<20x256xf32>
    %dot_general3A_1956 = arith.constant dense<0.000000e+00> : vector<256x128xf32>
    %dot_general3A_1957 = tpu.matmul %get3A_1955, %get3A_1, %dot_general3A_1956 {dimension_numbers = #tpu.dot_dimension_numbers<[0], [0], [1], [1], [0, 1, 1, 1], [], []>, transpose_lhs_hint = false} : vector<20x256xf32>, vector<20x128xf32>, vector<256x128xf32> -> vector<256x128xf32>
    %mul3A_1958 = arith.mulf %get3A_1950, %dot_general3A_1957 : vector<256x128xf32>
    %dot_general3A_1959 = arith.constant dense<0.000000e+00> : vector<256x128xf32>
    %dot_general3A_1960 = tpu.matmul %get3A_1950, %get3A_4, %dot_general3A_1959 {dimension_numbers = #tpu.dot_dimension_numbers<[1], [0], [0], [1], [0, 0, 1, 1], [], []>, transpose_lhs_hint = false} : vector<256x128xf32>, vector<128x128xf32>, vector<256x128xf32> -> vector<256x128xf32>
    %dot_general3A_1961 = arith.constant dense<0.000000e+00> : vector<256x128xf32>
    %dot_general3A_1962 = tpu.matmul %dot_general3A_1957, %get3A_7, %dot_general3A_1961 {dimension_numbers = #tpu.dot_dimension_numbers<[1], [0], [0], [1], [0, 0, 1, 1], [], []>, transpose_lhs_hint = false} : vector<256x128xf32>, vector<128x128xf32>, vector<256x128xf32> -> vector<256x128xf32>
    %add3A_1963 = arith.addf %dot_general3A_1960, %dot_general3A_1962 : vector<256x128xf32>
    %dot_general3A_1964 = arith.constant dense<0.000000e+00> : vector<256x128xf32>
    %dot_general3A_1965 = tpu.matmul %mul3A_1958, %get3A_10, %dot_general3A_1964 {dimension_numbers = #tpu.dot_dimension_numbers<[1], [0], [0], [1], [0, 0, 1, 1], [], []>, transpose_lhs_hint = false} : vector<256x128xf32>, vector<128x128xf32>, vector<256x128xf32> -> vector<256x128xf32>
    %add3A_1966 = arith.addf %add3A_1963, %dot_general3A_1965 : vector<256x128xf32>
    %add3A_1967 = vector.broadcast %get3A_16 : vector<1x128xf32> to vector<256x128xf32>
    %add3A_1968 = arith.addf %add3A_1966, %add3A_1967 : vector<256x128xf32>
    %logistic3A_1969 = arith.negf %add3A_1968 : vector<256x128xf32>
    %logistic3A_1970 = math.exp %logistic3A_1969 : vector<256x128xf32>
    %logistic3A_1971 = arith.constant 1.000000e+00 : f32
    %logistic3A_1972 = vector.broadcast %logistic3A_1971 : f32 to vector<256x128xf32>
    %logistic3A_1973 = arith.addf %logistic3A_1972, %logistic3A_1970 : vector<256x128xf32>
    %logistic3A_1974 = arith.divf %logistic3A_1972, %logistic3A_1973 : vector<256x128xf32>
    %mul3A_1975 = arith.mulf %logistic3A_1974, %get3A_1950 : vector<256x128xf32>
    %sub3A_1976 = arith.constant 1.000000e+00 : f32
    %sub3A_1977 = vector.broadcast %sub3A_1976 : f32 to vector<256x128xf32>
    %sub3A_1978 = arith.subf %sub3A_1977, %logistic3A_1974 : vector<256x128xf32>
    %mul3A_1979 = arith.mulf %sub3A_1978, %dot_general3A_1957 : vector<256x128xf32>
    %add3A_1980 = arith.addf %mul3A_1975, %mul3A_1979 : vector<256x128xf32>
    %mul3A_1981 = arith.mulf %add3A_1980, %add3A_1980 : vector<256x128xf32>
    %dot_general3A_1982 = arith.constant dense<0.000000e+00> : vector<256x128xf32>
    %dot_general3A_1983 = tpu.matmul %mul3A_1981, %get3A_13, %dot_general3A_1982 {dimension_numbers = #tpu.dot_dimension_numbers<[1], [0], [0], [1], [0, 0, 1, 1], [], []>, transpose_lhs_hint = false} : vector<256x128xf32>, vector<128x128xf32>, vector<256x128xf32> -> vector<256x128xf32>
    %sqrt3A_1984 = math.sqrt %dot_general3A_1983 : vector<256x128xf32>
    %max3A_1985 = arith.constant 9.99999996E-13 : f32
    %max3A_1986 = vector.broadcast %max3A_1985 : f32 to vector<256x128xf32>
    %max3A_1987 = arith.maximumf %sqrt3A_1984, %max3A_1986 : vector<256x128xf32>
    %div3A_1988 = arith.divf %add3A_1980, %max3A_1987 : vector<256x128xf32>
    %add3A_1989 = arith.addf %add3A_1945, %div3A_1988 : vector<256x128xf32>
    %get3A_1990 = arith.constant 45 : index
    %get3A_1991 = arith.constant 0 : index
    %get3A_1992 = arith.constant 0 : index
    %get3A_1993 = vector.load %arg1[%get3A_1990, %get3A_1991, %get3A_1992] : memref<50x256x128xf32, #tpu.memory_space<vmem>>, vector<1x256x128xf32>
    %get3A_1994 = vector.shape_cast %get3A_1993 : vector<1x256x128xf32> to vector<256x128xf32>
    %get3A_1995 = arith.constant 45 : index
    %get3A_1996 = arith.constant 0 : index
    %get3A_1997 = arith.constant 0 : index
    %get3A_1998 = vector.load %arg2[%get3A_1995, %get3A_1996, %get3A_1997] : memref<50x20x256xf32, #tpu.memory_space<vmem>>, vector<1x20x256xf32>
    %get3A_1999 = vector.shape_cast %get3A_1998 : vector<1x20x256xf32> to vector<20x256xf32>
    %dot_general3A_2000 = arith.constant dense<0.000000e+00> : vector<256x128xf32>
    %dot_general3A_2001 = tpu.matmul %get3A_1999, %get3A_1, %dot_general3A_2000 {dimension_numbers = #tpu.dot_dimension_numbers<[0], [0], [1], [1], [0, 1, 1, 1], [], []>, transpose_lhs_hint = false} : vector<20x256xf32>, vector<20x128xf32>, vector<256x128xf32> -> vector<256x128xf32>
    %mul3A_2002 = arith.mulf %get3A_1994, %dot_general3A_2001 : vector<256x128xf32>
    %dot_general3A_2003 = arith.constant dense<0.000000e+00> : vector<256x128xf32>
    %dot_general3A_2004 = tpu.matmul %get3A_1994, %get3A_4, %dot_general3A_2003 {dimension_numbers = #tpu.dot_dimension_numbers<[1], [0], [0], [1], [0, 0, 1, 1], [], []>, transpose_lhs_hint = false} : vector<256x128xf32>, vector<128x128xf32>, vector<256x128xf32> -> vector<256x128xf32>
    %dot_general3A_2005 = arith.constant dense<0.000000e+00> : vector<256x128xf32>
    %dot_general3A_2006 = tpu.matmul %dot_general3A_2001, %get3A_7, %dot_general3A_2005 {dimension_numbers = #tpu.dot_dimension_numbers<[1], [0], [0], [1], [0, 0, 1, 1], [], []>, transpose_lhs_hint = false} : vector<256x128xf32>, vector<128x128xf32>, vector<256x128xf32> -> vector<256x128xf32>
    %add3A_2007 = arith.addf %dot_general3A_2004, %dot_general3A_2006 : vector<256x128xf32>
    %dot_general3A_2008 = arith.constant dense<0.000000e+00> : vector<256x128xf32>
    %dot_general3A_2009 = tpu.matmul %mul3A_2002, %get3A_10, %dot_general3A_2008 {dimension_numbers = #tpu.dot_dimension_numbers<[1], [0], [0], [1], [0, 0, 1, 1], [], []>, transpose_lhs_hint = false} : vector<256x128xf32>, vector<128x128xf32>, vector<256x128xf32> -> vector<256x128xf32>
    %add3A_2010 = arith.addf %add3A_2007, %dot_general3A_2009 : vector<256x128xf32>
    %add3A_2011 = vector.broadcast %get3A_16 : vector<1x128xf32> to vector<256x128xf32>
    %add3A_2012 = arith.addf %add3A_2010, %add3A_2011 : vector<256x128xf32>
    %logistic3A_2013 = arith.negf %add3A_2012 : vector<256x128xf32>
    %logistic3A_2014 = math.exp %logistic3A_2013 : vector<256x128xf32>
    %logistic3A_2015 = arith.constant 1.000000e+00 : f32
    %logistic3A_2016 = vector.broadcast %logistic3A_2015 : f32 to vector<256x128xf32>
    %logistic3A_2017 = arith.addf %logistic3A_2016, %logistic3A_2014 : vector<256x128xf32>
    %logistic3A_2018 = arith.divf %logistic3A_2016, %logistic3A_2017 : vector<256x128xf32>
    %mul3A_2019 = arith.mulf %logistic3A_2018, %get3A_1994 : vector<256x128xf32>
    %sub3A_2020 = arith.constant 1.000000e+00 : f32
    %sub3A_2021 = vector.broadcast %sub3A_2020 : f32 to vector<256x128xf32>
    %sub3A_2022 = arith.subf %sub3A_2021, %logistic3A_2018 : vector<256x128xf32>
    %mul3A_2023 = arith.mulf %sub3A_2022, %dot_general3A_2001 : vector<256x128xf32>
    %add3A_2024 = arith.addf %mul3A_2019, %mul3A_2023 : vector<256x128xf32>
    %mul3A_2025 = arith.mulf %add3A_2024, %add3A_2024 : vector<256x128xf32>
    %dot_general3A_2026 = arith.constant dense<0.000000e+00> : vector<256x128xf32>
    %dot_general3A_2027 = tpu.matmul %mul3A_2025, %get3A_13, %dot_general3A_2026 {dimension_numbers = #tpu.dot_dimension_numbers<[1], [0], [0], [1], [0, 0, 1, 1], [], []>, transpose_lhs_hint = false} : vector<256x128xf32>, vector<128x128xf32>, vector<256x128xf32> -> vector<256x128xf32>
    %sqrt3A_2028 = math.sqrt %dot_general3A_2027 : vector<256x128xf32>
    %max3A_2029 = arith.constant 9.99999996E-13 : f32
    %max3A_2030 = vector.broadcast %max3A_2029 : f32 to vector<256x128xf32>
    %max3A_2031 = arith.maximumf %sqrt3A_2028, %max3A_2030 : vector<256x128xf32>
    %div3A_2032 = arith.divf %add3A_2024, %max3A_2031 : vector<256x128xf32>
    %add3A_2033 = arith.addf %add3A_1989, %div3A_2032 : vector<256x128xf32>
    %get3A_2034 = arith.constant 46 : index
    %get3A_2035 = arith.constant 0 : index
    %get3A_2036 = arith.constant 0 : index
    %get3A_2037 = vector.load %arg1[%get3A_2034, %get3A_2035, %get3A_2036] : memref<50x256x128xf32, #tpu.memory_space<vmem>>, vector<1x256x128xf32>
    %get3A_2038 = vector.shape_cast %get3A_2037 : vector<1x256x128xf32> to vector<256x128xf32>
    %get3A_2039 = arith.constant 46 : index
    %get3A_2040 = arith.constant 0 : index
    %get3A_2041 = arith.constant 0 : index
    %get3A_2042 = vector.load %arg2[%get3A_2039, %get3A_2040, %get3A_2041] : memref<50x20x256xf32, #tpu.memory_space<vmem>>, vector<1x20x256xf32>
    %get3A_2043 = vector.shape_cast %get3A_2042 : vector<1x20x256xf32> to vector<20x256xf32>
    %dot_general3A_2044 = arith.constant dense<0.000000e+00> : vector<256x128xf32>
    %dot_general3A_2045 = tpu.matmul %get3A_2043, %get3A_1, %dot_general3A_2044 {dimension_numbers = #tpu.dot_dimension_numbers<[0], [0], [1], [1], [0, 1, 1, 1], [], []>, transpose_lhs_hint = false} : vector<20x256xf32>, vector<20x128xf32>, vector<256x128xf32> -> vector<256x128xf32>
    %mul3A_2046 = arith.mulf %get3A_2038, %dot_general3A_2045 : vector<256x128xf32>
    %dot_general3A_2047 = arith.constant dense<0.000000e+00> : vector<256x128xf32>
    %dot_general3A_2048 = tpu.matmul %get3A_2038, %get3A_4, %dot_general3A_2047 {dimension_numbers = #tpu.dot_dimension_numbers<[1], [0], [0], [1], [0, 0, 1, 1], [], []>, transpose_lhs_hint = false} : vector<256x128xf32>, vector<128x128xf32>, vector<256x128xf32> -> vector<256x128xf32>
    %dot_general3A_2049 = arith.constant dense<0.000000e+00> : vector<256x128xf32>
    %dot_general3A_2050 = tpu.matmul %dot_general3A_2045, %get3A_7, %dot_general3A_2049 {dimension_numbers = #tpu.dot_dimension_numbers<[1], [0], [0], [1], [0, 0, 1, 1], [], []>, transpose_lhs_hint = false} : vector<256x128xf32>, vector<128x128xf32>, vector<256x128xf32> -> vector<256x128xf32>
    %add3A_2051 = arith.addf %dot_general3A_2048, %dot_general3A_2050 : vector<256x128xf32>
    %dot_general3A_2052 = arith.constant dense<0.000000e+00> : vector<256x128xf32>
    %dot_general3A_2053 = tpu.matmul %mul3A_2046, %get3A_10, %dot_general3A_2052 {dimension_numbers = #tpu.dot_dimension_numbers<[1], [0], [0], [1], [0, 0, 1, 1], [], []>, transpose_lhs_hint = false} : vector<256x128xf32>, vector<128x128xf32>, vector<256x128xf32> -> vector<256x128xf32>
    %add3A_2054 = arith.addf %add3A_2051, %dot_general3A_2053 : vector<256x128xf32>
    %add3A_2055 = vector.broadcast %get3A_16 : vector<1x128xf32> to vector<256x128xf32>
    %add3A_2056 = arith.addf %add3A_2054, %add3A_2055 : vector<256x128xf32>
    %logistic3A_2057 = arith.negf %add3A_2056 : vector<256x128xf32>
    %logistic3A_2058 = math.exp %logistic3A_2057 : vector<256x128xf32>
    %logistic3A_2059 = arith.constant 1.000000e+00 : f32
    %logistic3A_2060 = vector.broadcast %logistic3A_2059 : f32 to vector<256x128xf32>
    %logistic3A_2061 = arith.addf %logistic3A_2060, %logistic3A_2058 : vector<256x128xf32>
    %logistic3A_2062 = arith.divf %logistic3A_2060, %logistic3A_2061 : vector<256x128xf32>
    %mul3A_2063 = arith.mulf %logistic3A_2062, %get3A_2038 : vector<256x128xf32>
    %sub3A_2064 = arith.constant 1.000000e+00 : f32
    %sub3A_2065 = vector.broadcast %sub3A_2064 : f32 to vector<256x128xf32>
    %sub3A_2066 = arith.subf %sub3A_2065, %logistic3A_2062 : vector<256x128xf32>
    %mul3A_2067 = arith.mulf %sub3A_2066, %dot_general3A_2045 : vector<256x128xf32>
    %add3A_2068 = arith.addf %mul3A_2063, %mul3A_2067 : vector<256x128xf32>
    %mul3A_2069 = arith.mulf %add3A_2068, %add3A_2068 : vector<256x128xf32>
    %dot_general3A_2070 = arith.constant dense<0.000000e+00> : vector<256x128xf32>
    %dot_general3A_2071 = tpu.matmul %mul3A_2069, %get3A_13, %dot_general3A_2070 {dimension_numbers = #tpu.dot_dimension_numbers<[1], [0], [0], [1], [0, 0, 1, 1], [], []>, transpose_lhs_hint = false} : vector<256x128xf32>, vector<128x128xf32>, vector<256x128xf32> -> vector<256x128xf32>
    %sqrt3A_2072 = math.sqrt %dot_general3A_2071 : vector<256x128xf32>
    %max3A_2073 = arith.constant 9.99999996E-13 : f32
    %max3A_2074 = vector.broadcast %max3A_2073 : f32 to vector<256x128xf32>
    %max3A_2075 = arith.maximumf %sqrt3A_2072, %max3A_2074 : vector<256x128xf32>
    %div3A_2076 = arith.divf %add3A_2068, %max3A_2075 : vector<256x128xf32>
    %add3A_2077 = arith.addf %add3A_2033, %div3A_2076 : vector<256x128xf32>
    %get3A_2078 = arith.constant 47 : index
    %get3A_2079 = arith.constant 0 : index
    %get3A_2080 = arith.constant 0 : index
    %get3A_2081 = vector.load %arg1[%get3A_2078, %get3A_2079, %get3A_2080] : memref<50x256x128xf32, #tpu.memory_space<vmem>>, vector<1x256x128xf32>
    %get3A_2082 = vector.shape_cast %get3A_2081 : vector<1x256x128xf32> to vector<256x128xf32>
    %get3A_2083 = arith.constant 47 : index
    %get3A_2084 = arith.constant 0 : index
    %get3A_2085 = arith.constant 0 : index
    %get3A_2086 = vector.load %arg2[%get3A_2083, %get3A_2084, %get3A_2085] : memref<50x20x256xf32, #tpu.memory_space<vmem>>, vector<1x20x256xf32>
    %get3A_2087 = vector.shape_cast %get3A_2086 : vector<1x20x256xf32> to vector<20x256xf32>
    %dot_general3A_2088 = arith.constant dense<0.000000e+00> : vector<256x128xf32>
    %dot_general3A_2089 = tpu.matmul %get3A_2087, %get3A_1, %dot_general3A_2088 {dimension_numbers = #tpu.dot_dimension_numbers<[0], [0], [1], [1], [0, 1, 1, 1], [], []>, transpose_lhs_hint = false} : vector<20x256xf32>, vector<20x128xf32>, vector<256x128xf32> -> vector<256x128xf32>
    %mul3A_2090 = arith.mulf %get3A_2082, %dot_general3A_2089 : vector<256x128xf32>
    %dot_general3A_2091 = arith.constant dense<0.000000e+00> : vector<256x128xf32>
    %dot_general3A_2092 = tpu.matmul %get3A_2082, %get3A_4, %dot_general3A_2091 {dimension_numbers = #tpu.dot_dimension_numbers<[1], [0], [0], [1], [0, 0, 1, 1], [], []>, transpose_lhs_hint = false} : vector<256x128xf32>, vector<128x128xf32>, vector<256x128xf32> -> vector<256x128xf32>
    %dot_general3A_2093 = arith.constant dense<0.000000e+00> : vector<256x128xf32>
    %dot_general3A_2094 = tpu.matmul %dot_general3A_2089, %get3A_7, %dot_general3A_2093 {dimension_numbers = #tpu.dot_dimension_numbers<[1], [0], [0], [1], [0, 0, 1, 1], [], []>, transpose_lhs_hint = false} : vector<256x128xf32>, vector<128x128xf32>, vector<256x128xf32> -> vector<256x128xf32>
    %add3A_2095 = arith.addf %dot_general3A_2092, %dot_general3A_2094 : vector<256x128xf32>
    %dot_general3A_2096 = arith.constant dense<0.000000e+00> : vector<256x128xf32>
    %dot_general3A_2097 = tpu.matmul %mul3A_2090, %get3A_10, %dot_general3A_2096 {dimension_numbers = #tpu.dot_dimension_numbers<[1], [0], [0], [1], [0, 0, 1, 1], [], []>, transpose_lhs_hint = false} : vector<256x128xf32>, vector<128x128xf32>, vector<256x128xf32> -> vector<256x128xf32>
    %add3A_2098 = arith.addf %add3A_2095, %dot_general3A_2097 : vector<256x128xf32>
    %add3A_2099 = vector.broadcast %get3A_16 : vector<1x128xf32> to vector<256x128xf32>
    %add3A_2100 = arith.addf %add3A_2098, %add3A_2099 : vector<256x128xf32>
    %logistic3A_2101 = arith.negf %add3A_2100 : vector<256x128xf32>
    %logistic3A_2102 = math.exp %logistic3A_2101 : vector<256x128xf32>
    %logistic3A_2103 = arith.constant 1.000000e+00 : f32
    %logistic3A_2104 = vector.broadcast %logistic3A_2103 : f32 to vector<256x128xf32>
    %logistic3A_2105 = arith.addf %logistic3A_2104, %logistic3A_2102 : vector<256x128xf32>
    %logistic3A_2106 = arith.divf %logistic3A_2104, %logistic3A_2105 : vector<256x128xf32>
    %mul3A_2107 = arith.mulf %logistic3A_2106, %get3A_2082 : vector<256x128xf32>
    %sub3A_2108 = arith.constant 1.000000e+00 : f32
    %sub3A_2109 = vector.broadcast %sub3A_2108 : f32 to vector<256x128xf32>
    %sub3A_2110 = arith.subf %sub3A_2109, %logistic3A_2106 : vector<256x128xf32>
    %mul3A_2111 = arith.mulf %sub3A_2110, %dot_general3A_2089 : vector<256x128xf32>
    %add3A_2112 = arith.addf %mul3A_2107, %mul3A_2111 : vector<256x128xf32>
    %mul3A_2113 = arith.mulf %add3A_2112, %add3A_2112 : vector<256x128xf32>
    %dot_general3A_2114 = arith.constant dense<0.000000e+00> : vector<256x128xf32>
    %dot_general3A_2115 = tpu.matmul %mul3A_2113, %get3A_13, %dot_general3A_2114 {dimension_numbers = #tpu.dot_dimension_numbers<[1], [0], [0], [1], [0, 0, 1, 1], [], []>, transpose_lhs_hint = false} : vector<256x128xf32>, vector<128x128xf32>, vector<256x128xf32> -> vector<256x128xf32>
    %sqrt3A_2116 = math.sqrt %dot_general3A_2115 : vector<256x128xf32>
    %max3A_2117 = arith.constant 9.99999996E-13 : f32
    %max3A_2118 = vector.broadcast %max3A_2117 : f32 to vector<256x128xf32>
    %max3A_2119 = arith.maximumf %sqrt3A_2116, %max3A_2118 : vector<256x128xf32>
    %div3A_2120 = arith.divf %add3A_2112, %max3A_2119 : vector<256x128xf32>
    %add3A_2121 = arith.addf %add3A_2077, %div3A_2120 : vector<256x128xf32>
    %get3A_2122 = arith.constant 48 : index
    %get3A_2123 = arith.constant 0 : index
    %get3A_2124 = arith.constant 0 : index
    %get3A_2125 = vector.load %arg1[%get3A_2122, %get3A_2123, %get3A_2124] : memref<50x256x128xf32, #tpu.memory_space<vmem>>, vector<1x256x128xf32>
    %get3A_2126 = vector.shape_cast %get3A_2125 : vector<1x256x128xf32> to vector<256x128xf32>
    %get3A_2127 = arith.constant 48 : index
    %get3A_2128 = arith.constant 0 : index
    %get3A_2129 = arith.constant 0 : index
    %get3A_2130 = vector.load %arg2[%get3A_2127, %get3A_2128, %get3A_2129] : memref<50x20x256xf32, #tpu.memory_space<vmem>>, vector<1x20x256xf32>
    %get3A_2131 = vector.shape_cast %get3A_2130 : vector<1x20x256xf32> to vector<20x256xf32>
    %dot_general3A_2132 = arith.constant dense<0.000000e+00> : vector<256x128xf32>
    %dot_general3A_2133 = tpu.matmul %get3A_2131, %get3A_1, %dot_general3A_2132 {dimension_numbers = #tpu.dot_dimension_numbers<[0], [0], [1], [1], [0, 1, 1, 1], [], []>, transpose_lhs_hint = false} : vector<20x256xf32>, vector<20x128xf32>, vector<256x128xf32> -> vector<256x128xf32>
    %mul3A_2134 = arith.mulf %get3A_2126, %dot_general3A_2133 : vector<256x128xf32>
    %dot_general3A_2135 = arith.constant dense<0.000000e+00> : vector<256x128xf32>
    %dot_general3A_2136 = tpu.matmul %get3A_2126, %get3A_4, %dot_general3A_2135 {dimension_numbers = #tpu.dot_dimension_numbers<[1], [0], [0], [1], [0, 0, 1, 1], [], []>, transpose_lhs_hint = false} : vector<256x128xf32>, vector<128x128xf32>, vector<256x128xf32> -> vector<256x128xf32>
    %dot_general3A_2137 = arith.constant dense<0.000000e+00> : vector<256x128xf32>
    %dot_general3A_2138 = tpu.matmul %dot_general3A_2133, %get3A_7, %dot_general3A_2137 {dimension_numbers = #tpu.dot_dimension_numbers<[1], [0], [0], [1], [0, 0, 1, 1], [], []>, transpose_lhs_hint = false} : vector<256x128xf32>, vector<128x128xf32>, vector<256x128xf32> -> vector<256x128xf32>
    %add3A_2139 = arith.addf %dot_general3A_2136, %dot_general3A_2138 : vector<256x128xf32>
    %dot_general3A_2140 = arith.constant dense<0.000000e+00> : vector<256x128xf32>
    %dot_general3A_2141 = tpu.matmul %mul3A_2134, %get3A_10, %dot_general3A_2140 {dimension_numbers = #tpu.dot_dimension_numbers<[1], [0], [0], [1], [0, 0, 1, 1], [], []>, transpose_lhs_hint = false} : vector<256x128xf32>, vector<128x128xf32>, vector<256x128xf32> -> vector<256x128xf32>
    %add3A_2142 = arith.addf %add3A_2139, %dot_general3A_2141 : vector<256x128xf32>
    %add3A_2143 = vector.broadcast %get3A_16 : vector<1x128xf32> to vector<256x128xf32>
    %add3A_2144 = arith.addf %add3A_2142, %add3A_2143 : vector<256x128xf32>
    %logistic3A_2145 = arith.negf %add3A_2144 : vector<256x128xf32>
    %logistic3A_2146 = math.exp %logistic3A_2145 : vector<256x128xf32>
    %logistic3A_2147 = arith.constant 1.000000e+00 : f32
    %logistic3A_2148 = vector.broadcast %logistic3A_2147 : f32 to vector<256x128xf32>
    %logistic3A_2149 = arith.addf %logistic3A_2148, %logistic3A_2146 : vector<256x128xf32>
    %logistic3A_2150 = arith.divf %logistic3A_2148, %logistic3A_2149 : vector<256x128xf32>
    %mul3A_2151 = arith.mulf %logistic3A_2150, %get3A_2126 : vector<256x128xf32>
    %sub3A_2152 = arith.constant 1.000000e+00 : f32
    %sub3A_2153 = vector.broadcast %sub3A_2152 : f32 to vector<256x128xf32>
    %sub3A_2154 = arith.subf %sub3A_2153, %logistic3A_2150 : vector<256x128xf32>
    %mul3A_2155 = arith.mulf %sub3A_2154, %dot_general3A_2133 : vector<256x128xf32>
    %add3A_2156 = arith.addf %mul3A_2151, %mul3A_2155 : vector<256x128xf32>
    %mul3A_2157 = arith.mulf %add3A_2156, %add3A_2156 : vector<256x128xf32>
    %dot_general3A_2158 = arith.constant dense<0.000000e+00> : vector<256x128xf32>
    %dot_general3A_2159 = tpu.matmul %mul3A_2157, %get3A_13, %dot_general3A_2158 {dimension_numbers = #tpu.dot_dimension_numbers<[1], [0], [0], [1], [0, 0, 1, 1], [], []>, transpose_lhs_hint = false} : vector<256x128xf32>, vector<128x128xf32>, vector<256x128xf32> -> vector<256x128xf32>
    %sqrt3A_2160 = math.sqrt %dot_general3A_2159 : vector<256x128xf32>
    %max3A_2161 = arith.constant 9.99999996E-13 : f32
    %max3A_2162 = vector.broadcast %max3A_2161 : f32 to vector<256x128xf32>
    %max3A_2163 = arith.maximumf %sqrt3A_2160, %max3A_2162 : vector<256x128xf32>
    %div3A_2164 = arith.divf %add3A_2156, %max3A_2163 : vector<256x128xf32>
    %add3A_2165 = arith.addf %add3A_2121, %div3A_2164 : vector<256x128xf32>
    %get3A_2166 = arith.constant 49 : index
    %get3A_2167 = arith.constant 0 : index
    %get3A_2168 = arith.constant 0 : index
    %get3A_2169 = vector.load %arg1[%get3A_2166, %get3A_2167, %get3A_2168] : memref<50x256x128xf32, #tpu.memory_space<vmem>>, vector<1x256x128xf32>
    %get3A_2170 = vector.shape_cast %get3A_2169 : vector<1x256x128xf32> to vector<256x128xf32>
    %get3A_2171 = arith.constant 49 : index
    %get3A_2172 = arith.constant 0 : index
    %get3A_2173 = arith.constant 0 : index
    %get3A_2174 = vector.load %arg2[%get3A_2171, %get3A_2172, %get3A_2173] : memref<50x20x256xf32, #tpu.memory_space<vmem>>, vector<1x20x256xf32>
    %get3A_2175 = vector.shape_cast %get3A_2174 : vector<1x20x256xf32> to vector<20x256xf32>
    %dot_general3A_2176 = arith.constant dense<0.000000e+00> : vector<256x128xf32>
    %dot_general3A_2177 = tpu.matmul %get3A_2175, %get3A_1, %dot_general3A_2176 {dimension_numbers = #tpu.dot_dimension_numbers<[0], [0], [1], [1], [0, 1, 1, 1], [], []>, transpose_lhs_hint = false} : vector<20x256xf32>, vector<20x128xf32>, vector<256x128xf32> -> vector<256x128xf32>
    %mul3A_2178 = arith.mulf %get3A_2170, %dot_general3A_2177 : vector<256x128xf32>
    %dot_general3A_2179 = arith.constant dense<0.000000e+00> : vector<256x128xf32>
    %dot_general3A_2180 = tpu.matmul %get3A_2170, %get3A_4, %dot_general3A_2179 {dimension_numbers = #tpu.dot_dimension_numbers<[1], [0], [0], [1], [0, 0, 1, 1], [], []>, transpose_lhs_hint = false} : vector<256x128xf32>, vector<128x128xf32>, vector<256x128xf32> -> vector<256x128xf32>
    %dot_general3A_2181 = arith.constant dense<0.000000e+00> : vector<256x128xf32>
    %dot_general3A_2182 = tpu.matmul %dot_general3A_2177, %get3A_7, %dot_general3A_2181 {dimension_numbers = #tpu.dot_dimension_numbers<[1], [0], [0], [1], [0, 0, 1, 1], [], []>, transpose_lhs_hint = false} : vector<256x128xf32>, vector<128x128xf32>, vector<256x128xf32> -> vector<256x128xf32>
    %add3A_2183 = arith.addf %dot_general3A_2180, %dot_general3A_2182 : vector<256x128xf32>
    %dot_general3A_2184 = arith.constant dense<0.000000e+00> : vector<256x128xf32>
    %dot_general3A_2185 = tpu.matmul %mul3A_2178, %get3A_10, %dot_general3A_2184 {dimension_numbers = #tpu.dot_dimension_numbers<[1], [0], [0], [1], [0, 0, 1, 1], [], []>, transpose_lhs_hint = false} : vector<256x128xf32>, vector<128x128xf32>, vector<256x128xf32> -> vector<256x128xf32>
    %add3A_2186 = arith.addf %add3A_2183, %dot_general3A_2185 : vector<256x128xf32>
    %add3A_2187 = vector.broadcast %get3A_16 : vector<1x128xf32> to vector<256x128xf32>
    %add3A_2188 = arith.addf %add3A_2186, %add3A_2187 : vector<256x128xf32>
    %logistic3A_2189 = arith.negf %add3A_2188 : vector<256x128xf32>
    %logistic3A_2190 = math.exp %logistic3A_2189 : vector<256x128xf32>
    %logistic3A_2191 = arith.constant 1.000000e+00 : f32
    %logistic3A_2192 = vector.broadcast %logistic3A_2191 : f32 to vector<256x128xf32>
    %logistic3A_2193 = arith.addf %logistic3A_2192, %logistic3A_2190 : vector<256x128xf32>
    %logistic3A_2194 = arith.divf %logistic3A_2192, %logistic3A_2193 : vector<256x128xf32>
    %mul3A_2195 = arith.mulf %logistic3A_2194, %get3A_2170 : vector<256x128xf32>
    %sub3A_2196 = arith.constant 1.000000e+00 : f32
    %sub3A_2197 = vector.broadcast %sub3A_2196 : f32 to vector<256x128xf32>
    %sub3A_2198 = arith.subf %sub3A_2197, %logistic3A_2194 : vector<256x128xf32>
    %mul3A_2199 = arith.mulf %sub3A_2198, %dot_general3A_2177 : vector<256x128xf32>
    %add3A_2200 = arith.addf %mul3A_2195, %mul3A_2199 : vector<256x128xf32>
    %mul3A_2201 = arith.mulf %add3A_2200, %add3A_2200 : vector<256x128xf32>
    %dot_general3A_2202 = arith.constant dense<0.000000e+00> : vector<256x128xf32>
    %dot_general3A_2203 = tpu.matmul %mul3A_2201, %get3A_13, %dot_general3A_2202 {dimension_numbers = #tpu.dot_dimension_numbers<[1], [0], [0], [1], [0, 0, 1, 1], [], []>, transpose_lhs_hint = false} : vector<256x128xf32>, vector<128x128xf32>, vector<256x128xf32> -> vector<256x128xf32>
    %sqrt3A_2204 = math.sqrt %dot_general3A_2203 : vector<256x128xf32>
    %max3A_2205 = arith.constant 9.99999996E-13 : f32
    %max3A_2206 = vector.broadcast %max3A_2205 : f32 to vector<256x128xf32>
    %max3A_2207 = arith.maximumf %sqrt3A_2204, %max3A_2206 : vector<256x128xf32>
    %div3A_2208 = arith.divf %add3A_2200, %max3A_2207 : vector<256x128xf32>
    %add3A_2209 = arith.addf %add3A_2165, %div3A_2208 : vector<256x128xf32>
    %swap3A = arith.constant 0 : index
    %swap3A_2210 = arith.constant 0 : index
    %swap3A_2211 = vector.load %arg9[%swap3A, %swap3A_2210] : memref<256x128xf32, #tpu.memory_space<vmem>>, vector<256x128xf32>
    tpu.vector_store %arg9[%swap3A, %swap3A_2210], %add3A_2209 {strides = array<i32>} : memref<256x128xf32, #tpu.memory_space<vmem>>, vector<256x128xf32>,
    return
  }
  func.func @transform_0(%arg0: i32) -> (i32, i32, i32) {
    %c0_i32 = arith.constant 0 : i32
    %c0_i32_0 = arith.constant 0 : i32
    %c0_i32_1 = arith.constant 0 : i32
    return %c0_i32, %arg0, %c0_i32_0 : i32, i32, i32
  }
  func.func @transform_1(%arg0: i32) -> (i32, i32, i32) {
    %c0_i32 = arith.constant 0 : i32
    %c0_i32_0 = arith.constant 0 : i32
    %c0_i32_1 = arith.constant 0 : i32
    return %c0_i32, %c0_i32_0, %arg0 : i32, i32, i32
  }
  func.func @transform_2(%arg0: i32) -> (i32, i32) {
    %c0_i32 = arith.constant 0 : i32
    %c0_i32_0 = arith.constant 0 : i32
    %c0_i32_1 = arith.constant 0 : i32
    return %c0_i32, %c0_i32_0 : i32, i32
  }
  func.func @transform_3(%arg0: i32) -> (i32, i32) {
    %c0_i32 = arith.constant 0 : i32
    %c0_i32_0 = arith.constant 0 : i32
    %c0_i32_1 = arith.constant 0 : i32
    return %c0_i32, %c0_i32_0 : i32, i32
  }
  func.func @transform_4(%arg0: i32) -> (i32, i32) {
    %c0_i32 = arith.constant 0 : i32
    %c0_i32_0 = arith.constant 0 : i32
    %c0_i32_1 = arith.constant 0 : i32
    return %c0_i32, %c0_i32_0 : i32, i32
  }
  func.func @transform_5(%arg0: i32) -> (i32, i32) {
    %c0_i32 = arith.constant 0 : i32
    %c0_i32_0 = arith.constant 0 : i32
    %c0_i32_1 = arith.constant 0 : i32
    return %c0_i32, %c0_i32_0 : i32, i32
  }
  func.func @transform_6(%arg0: i32) -> (i32, i32) {
    %c0_i32 = arith.constant 0 : i32
    %c0_i32_0 = arith.constant 0 : i32
    %c0_i32_1 = arith.constant 0 : i32
    return %c0_i32, %c0_i32_0 : i32, i32
  }
  func.func @transform_7(%arg0: i32) -> (i32, i32) {
    %c0_i32 = arith.constant 0 : i32
    %c0_i32_0 = arith.constant 0 : i32
    %c0_i32_1 = arith.constant 0 : i32
    return %c0_i32, %c0_i32_0 : i32, i32
  }
  func.func @transform_8(%arg0: i32) -> (i32, i32) {
    %c0_i32 = arith.constant 0 : i32
    %c0_i32_0 = arith.constant 0 : i32
    return %arg0, %c0_i32 : i32, i32
  }
}

module attributes {stable_mosaic.version = 14 : i64} {
  func.func @kern(%arg0: memref<1024x128xf32, #tpu.memory_space<vmem>>, %arg1: memref<1024x128xf32, #tpu.memory_space<vmem>>, %arg2: memref<128x128xf32, #tpu.memory_space<vmem>>, %arg3: memref<1x128xf32, #tpu.memory_space<vmem>>, %arg4: memref<128x128xf32, #tpu.memory_space<vmem>>, %arg5: memref<1x128xf32, #tpu.memory_space<vmem>>, %arg6: memref<128x128xf32, #tpu.memory_space<vmem>>, %arg7: memref<128x128xf32, #tpu.memory_space<vmem>>, %arg8: memref<128x128xf32, #tpu.memory_space<vmem>>, %arg9: memref<1x128xf32, #tpu.memory_space<vmem>>, %arg10: memref<1x128xf32, #tpu.memory_space<vmem>>, %arg11: memref<1x128xf32, #tpu.memory_space<vmem>>, %arg12: memref<1x128xf32, #tpu.memory_space<vmem>>, %arg13: memref<1x128xf32, #tpu.memory_space<vmem>>, %arg14: memref<128x128xf32, #tpu.memory_space<vmem>>, %arg15: memref<1024x128xf32, #tpu.memory_space<vmem>>) attributes {dimension_semantics = [], scalar_prefetch = 0 : i64, scratch_operands = 0 : i64, tpu.core_type = #tpu.core_type<tc>} {
    %get3A = arith.constant 0 : index
    %get3A_0 = arith.constant 0 : index
    %get3A_1 = vector.load %arg0[%get3A, %get3A_0] : memref<1024x128xf32, #tpu.memory_space<vmem>>, vector<1024x128xf32>
    %get3A_2 = arith.constant 0 : index
    %get3A_3 = arith.constant 0 : index
    %get3A_4 = vector.load %arg14[%get3A_2, %get3A_3] : memref<128x128xf32, #tpu.memory_space<vmem>>, vector<128x128xf32>
    %reduce_sum3A = arith.constant dense<0.000000e+00> : vector<128xf32>
    %reduce_sum3A_5 = vector.multi_reduction <add>, %get3A_1, %reduce_sum3A [0] : vector<1024x128xf32> to vector<128xf32>
    %broadcast_in_dim3A = vector.shape_cast %reduce_sum3A_5 : vector<128xf32> to vector<1x128xf32>
    %div3A = arith.constant 1.024000e+03 : f32
    %div3A_6 = vector.broadcast %div3A : f32 to vector<1x128xf32>
    %div3A_7 = arith.divf %broadcast_in_dim3A, %div3A_6 : vector<1x128xf32>
    %dot_general3A = arith.constant dense<0.000000e+00> : vector<1x128xf32>
    %dot_general3A_8 = tpu.matmul %div3A_7, %get3A_4, %dot_general3A {dimension_numbers = #tpu.dot_dimension_numbers<[1], [0], [0], [1], [0, 0, 1, 1], [], []>, transpose_lhs_hint = false} : vector<1x128xf32>, vector<128x128xf32>, vector<1x128xf32> -> vector<1x128xf32>
    %sub3A = vector.broadcast %dot_general3A_8 : vector<1x128xf32> to vector<1024x128xf32>
    %sub3A_9 = arith.subf %get3A_1, %sub3A : vector<1024x128xf32>
    %integer_pow3A = arith.mulf %sub3A_9, %sub3A_9 : vector<1024x128xf32>
    %reduce_sum3A_10 = arith.constant dense<0.000000e+00> : vector<128xf32>
    %reduce_sum3A_11 = vector.multi_reduction <add>, %integer_pow3A, %reduce_sum3A_10 [0] : vector<1024x128xf32> to vector<128xf32>
    %broadcast_in_dim3A_12 = vector.shape_cast %reduce_sum3A_11 : vector<128xf32> to vector<1x128xf32>
    %div3A_13 = arith.constant 1.024000e+03 : f32
    %div3A_14 = vector.broadcast %div3A_13 : f32 to vector<1x128xf32>
    %div3A_15 = arith.divf %broadcast_in_dim3A_12, %div3A_14 : vector<1x128xf32>
    %dot_general3A_16 = arith.constant dense<0.000000e+00> : vector<1x128xf32>
    %dot_general3A_17 = tpu.matmul %div3A_15, %get3A_4, %dot_general3A_16 {dimension_numbers = #tpu.dot_dimension_numbers<[1], [0], [0], [1], [0, 0, 1, 1], [], []>, transpose_lhs_hint = false} : vector<1x128xf32>, vector<128x128xf32>, vector<1x128xf32> -> vector<1x128xf32>
    %sub3A_18 = vector.broadcast %dot_general3A_8 : vector<1x128xf32> to vector<1024x128xf32>
    %sub3A_19 = arith.subf %get3A_1, %sub3A_18 : vector<1024x128xf32>
    %add3A = arith.constant 9.99999974E-6 : f32
    %add3A_20 = vector.broadcast %add3A : f32 to vector<1x128xf32>
    %add3A_21 = arith.addf %dot_general3A_17, %add3A_20 : vector<1x128xf32>
    %sqrt3A = math.sqrt %add3A_21 : vector<1x128xf32>
    %div3A_22 = vector.broadcast %sqrt3A : vector<1x128xf32> to vector<1024x128xf32>
    %div3A_23 = arith.divf %sub3A_19, %div3A_22 : vector<1024x128xf32>
    %get3A_24 = arith.constant 0 : index
    %get3A_25 = arith.constant 0 : index
    %get3A_26 = vector.load %arg10[%get3A_24, %get3A_25] : memref<1x128xf32, #tpu.memory_space<vmem>>, vector<1x128xf32>
    %mul3A = vector.broadcast %get3A_26 : vector<1x128xf32> to vector<1024x128xf32>
    %mul3A_27 = arith.mulf %div3A_23, %mul3A : vector<1024x128xf32>
    %get3A_28 = arith.constant 0 : index
    %get3A_29 = arith.constant 0 : index
    %get3A_30 = vector.load %arg11[%get3A_28, %get3A_29] : memref<1x128xf32, #tpu.memory_space<vmem>>, vector<1x128xf32>
    %add3A_31 = vector.broadcast %get3A_30 : vector<1x128xf32> to vector<1024x128xf32>
    %add3A_32 = arith.addf %mul3A_27, %add3A_31 : vector<1024x128xf32>
    %get3A_33 = arith.constant 0 : index
    %get3A_34 = arith.constant 0 : index
    %get3A_35 = vector.load %arg2[%get3A_33, %get3A_34] : memref<128x128xf32, #tpu.memory_space<vmem>>, vector<128x128xf32>
    %dot_general3A_36 = arith.constant dense<0.000000e+00> : vector<1024x128xf32>
    %dot_general3A_37 = tpu.matmul %add3A_32, %get3A_35, %dot_general3A_36 {dimension_numbers = #tpu.dot_dimension_numbers<[1], [0], [0], [1], [0, 0, 1, 1], [], []>, transpose_lhs_hint = false} : vector<1024x128xf32>, vector<128x128xf32>, vector<1024x128xf32> -> vector<1024x128xf32>
    %get3A_38 = arith.constant 0 : index
    %get3A_39 = arith.constant 0 : index
    %get3A_40 = vector.load %arg3[%get3A_38, %get3A_39] : memref<1x128xf32, #tpu.memory_space<vmem>>, vector<1x128xf32>
    %add3A_41 = vector.broadcast %get3A_40 : vector<1x128xf32> to vector<1024x128xf32>
    %add3A_42 = arith.addf %dot_general3A_37, %add3A_41 : vector<1024x128xf32>
    %gt3A = arith.constant 0.000000e+00 : f32
    %gt3A_43 = vector.broadcast %gt3A : f32 to vector<1024x128xf32>
    %gt3A_44 = arith.cmpf ogt, %add3A_42, %gt3A_43 : vector<1024x128xf32>
    %exp3A = math.exp %add3A_42 : vector<1024x128xf32>
    %sub3A_45 = arith.constant 1.000000e+00 : f32
    %sub3A_46 = vector.broadcast %sub3A_45 : f32 to vector<1024x128xf32>
    %sub3A_47 = arith.subf %exp3A, %sub3A_46 : vector<1024x128xf32>
    %mul3A_48 = arith.constant 1.67326319 : f32
    %mul3A_49 = vector.broadcast %mul3A_48 : f32 to vector<1024x128xf32>
    %mul3A_50 = arith.mulf %mul3A_49, %sub3A_47 : vector<1024x128xf32>
    %select_n3A = arith.select %gt3A_44, %add3A_42, %mul3A_50 : vector<1024x128xi1>, vector<1024x128xf32>
    %mul3A_51 = arith.constant 1.05070102 : f32
    %mul3A_52 = vector.broadcast %mul3A_51 : f32 to vector<1024x128xf32>
    %mul3A_53 = arith.mulf %mul3A_52, %select_n3A : vector<1024x128xf32>
    %reduce_sum3A_54 = arith.constant dense<0.000000e+00> : vector<128xf32>
    %reduce_sum3A_55 = vector.multi_reduction <add>, %mul3A_53, %reduce_sum3A_54 [0] : vector<1024x128xf32> to vector<128xf32>
    %broadcast_in_dim3A_56 = vector.shape_cast %reduce_sum3A_55 : vector<128xf32> to vector<1x128xf32>
    %div3A_57 = arith.constant 1.024000e+03 : f32
    %div3A_58 = vector.broadcast %div3A_57 : f32 to vector<1x128xf32>
    %div3A_59 = arith.divf %broadcast_in_dim3A_56, %div3A_58 : vector<1x128xf32>
    %dot_general3A_60 = arith.constant dense<0.000000e+00> : vector<1x128xf32>
    %dot_general3A_61 = tpu.matmul %div3A_59, %get3A_4, %dot_general3A_60 {dimension_numbers = #tpu.dot_dimension_numbers<[1], [0], [0], [1], [0, 0, 1, 1], [], []>, transpose_lhs_hint = false} : vector<1x128xf32>, vector<128x128xf32>, vector<1x128xf32> -> vector<1x128xf32>
    %sub3A_62 = vector.broadcast %dot_general3A_61 : vector<1x128xf32> to vector<1024x128xf32>
    %sub3A_63 = arith.subf %mul3A_53, %sub3A_62 : vector<1024x128xf32>
    %integer_pow3A_64 = arith.mulf %sub3A_63, %sub3A_63 : vector<1024x128xf32>
    %reduce_sum3A_65 = arith.constant dense<0.000000e+00> : vector<128xf32>
    %reduce_sum3A_66 = vector.multi_reduction <add>, %integer_pow3A_64, %reduce_sum3A_65 [0] : vector<1024x128xf32> to vector<128xf32>
    %broadcast_in_dim3A_67 = vector.shape_cast %reduce_sum3A_66 : vector<128xf32> to vector<1x128xf32>
    %div3A_68 = arith.constant 1.024000e+03 : f32
    %div3A_69 = vector.broadcast %div3A_68 : f32 to vector<1x128xf32>
    %div3A_70 = arith.divf %broadcast_in_dim3A_67, %div3A_69 : vector<1x128xf32>
    %dot_general3A_71 = arith.constant dense<0.000000e+00> : vector<1x128xf32>
    %dot_general3A_72 = tpu.matmul %div3A_70, %get3A_4, %dot_general3A_71 {dimension_numbers = #tpu.dot_dimension_numbers<[1], [0], [0], [1], [0, 0, 1, 1], [], []>, transpose_lhs_hint = false} : vector<1x128xf32>, vector<128x128xf32>, vector<1x128xf32> -> vector<1x128xf32>
    %sub3A_73 = vector.broadcast %dot_general3A_61 : vector<1x128xf32> to vector<1024x128xf32>
    %sub3A_74 = arith.subf %mul3A_53, %sub3A_73 : vector<1024x128xf32>
    %add3A_75 = arith.constant 9.99999974E-6 : f32
    %add3A_76 = vector.broadcast %add3A_75 : f32 to vector<1x128xf32>
    %add3A_77 = arith.addf %dot_general3A_72, %add3A_76 : vector<1x128xf32>
    %sqrt3A_78 = math.sqrt %add3A_77 : vector<1x128xf32>
    %div3A_79 = vector.broadcast %sqrt3A_78 : vector<1x128xf32> to vector<1024x128xf32>
    %div3A_80 = arith.divf %sub3A_74, %div3A_79 : vector<1024x128xf32>
    %get3A_81 = arith.constant 0 : index
    %get3A_82 = arith.constant 0 : index
    %get3A_83 = vector.load %arg12[%get3A_81, %get3A_82] : memref<1x128xf32, #tpu.memory_space<vmem>>, vector<1x128xf32>
    %mul3A_84 = vector.broadcast %get3A_83 : vector<1x128xf32> to vector<1024x128xf32>
    %mul3A_85 = arith.mulf %div3A_80, %mul3A_84 : vector<1024x128xf32>
    %get3A_86 = arith.constant 0 : index
    %get3A_87 = arith.constant 0 : index
    %get3A_88 = vector.load %arg13[%get3A_86, %get3A_87] : memref<1x128xf32, #tpu.memory_space<vmem>>, vector<1x128xf32>
    %add3A_89 = vector.broadcast %get3A_88 : vector<1x128xf32> to vector<1024x128xf32>
    %add3A_90 = arith.addf %mul3A_85, %add3A_89 : vector<1024x128xf32>
    %get3A_91 = arith.constant 0 : index
    %get3A_92 = arith.constant 0 : index
    %get3A_93 = vector.load %arg4[%get3A_91, %get3A_92] : memref<128x128xf32, #tpu.memory_space<vmem>>, vector<128x128xf32>
    %dot_general3A_94 = arith.constant dense<0.000000e+00> : vector<1024x128xf32>
    %dot_general3A_95 = tpu.matmul %add3A_90, %get3A_93, %dot_general3A_94 {dimension_numbers = #tpu.dot_dimension_numbers<[1], [0], [0], [1], [0, 0, 1, 1], [], []>, transpose_lhs_hint = false} : vector<1024x128xf32>, vector<128x128xf32>, vector<1024x128xf32> -> vector<1024x128xf32>
    %get3A_96 = arith.constant 0 : index
    %get3A_97 = arith.constant 0 : index
    %get3A_98 = vector.load %arg5[%get3A_96, %get3A_97] : memref<1x128xf32, #tpu.memory_space<vmem>>, vector<1x128xf32>
    %add3A_99 = vector.broadcast %get3A_98 : vector<1x128xf32> to vector<1024x128xf32>
    %add3A_100 = arith.addf %dot_general3A_95, %add3A_99 : vector<1024x128xf32>
    %get3A_101 = arith.constant 0 : index
    %get3A_102 = arith.constant 0 : index
    %get3A_103 = vector.load %arg1[%get3A_101, %get3A_102] : memref<1024x128xf32, #tpu.memory_space<vmem>>, vector<1024x128xf32>
    %get3A_104 = arith.constant 0 : index
    %get3A_105 = arith.constant 0 : index
    %get3A_106 = vector.load %arg6[%get3A_104, %get3A_105] : memref<128x128xf32, #tpu.memory_space<vmem>>, vector<128x128xf32>
    %dot_general3A_107 = arith.constant dense<0.000000e+00> : vector<1024x128xf32>
    %dot_general3A_108 = tpu.matmul %get3A_103, %get3A_106, %dot_general3A_107 {dimension_numbers = #tpu.dot_dimension_numbers<[1], [0], [0], [1], [0, 0, 1, 1], [], []>, transpose_lhs_hint = false} : vector<1024x128xf32>, vector<128x128xf32>, vector<1024x128xf32> -> vector<1024x128xf32>
    %get3A_109 = arith.constant 0 : index
    %get3A_110 = arith.constant 0 : index
    %get3A_111 = vector.load %arg7[%get3A_109, %get3A_110] : memref<128x128xf32, #tpu.memory_space<vmem>>, vector<128x128xf32>
    %dot_general3A_112 = arith.constant dense<0.000000e+00> : vector<1024x128xf32>
    %dot_general3A_113 = tpu.matmul %add3A_100, %get3A_111, %dot_general3A_112 {dimension_numbers = #tpu.dot_dimension_numbers<[1], [0], [0], [1], [0, 0, 1, 1], [], []>, transpose_lhs_hint = false} : vector<1024x128xf32>, vector<128x128xf32>, vector<1024x128xf32> -> vector<1024x128xf32>
    %add3A_114 = arith.addf %dot_general3A_108, %dot_general3A_113 : vector<1024x128xf32>
    %mul3A_115 = arith.mulf %get3A_103, %add3A_100 : vector<1024x128xf32>
    %get3A_116 = arith.constant 0 : index
    %get3A_117 = arith.constant 0 : index
    %get3A_118 = vector.load %arg8[%get3A_116, %get3A_117] : memref<128x128xf32, #tpu.memory_space<vmem>>, vector<128x128xf32>
    %dot_general3A_119 = arith.constant dense<0.000000e+00> : vector<1024x128xf32>
    %dot_general3A_120 = tpu.matmul %mul3A_115, %get3A_118, %dot_general3A_119 {dimension_numbers = #tpu.dot_dimension_numbers<[1], [0], [0], [1], [0, 0, 1, 1], [], []>, transpose_lhs_hint = false} : vector<1024x128xf32>, vector<128x128xf32>, vector<1024x128xf32> -> vector<1024x128xf32>
    %add3A_121 = arith.addf %add3A_114, %dot_general3A_120 : vector<1024x128xf32>
    %get3A_122 = arith.constant 0 : index
    %get3A_123 = arith.constant 0 : index
    %get3A_124 = vector.load %arg9[%get3A_122, %get3A_123] : memref<1x128xf32, #tpu.memory_space<vmem>>, vector<1x128xf32>
    %add3A_125 = vector.broadcast %get3A_124 : vector<1x128xf32> to vector<1024x128xf32>
    %add3A_126 = arith.addf %add3A_121, %add3A_125 : vector<1024x128xf32>
    %logistic3A = arith.negf %add3A_126 : vector<1024x128xf32>
    %logistic3A_127 = math.exp %logistic3A : vector<1024x128xf32>
    %logistic3A_128 = arith.constant 1.000000e+00 : f32
    %logistic3A_129 = vector.broadcast %logistic3A_128 : f32 to vector<1024x128xf32>
    %logistic3A_130 = arith.addf %logistic3A_129, %logistic3A_127 : vector<1024x128xf32>
    %logistic3A_131 = arith.divf %logistic3A_129, %logistic3A_130 : vector<1024x128xf32>
    %mul3A_132 = arith.mulf %logistic3A_131, %get3A_103 : vector<1024x128xf32>
    %sub3A_133 = arith.constant 1.000000e+00 : f32
    %sub3A_134 = vector.broadcast %sub3A_133 : f32 to vector<1024x128xf32>
    %sub3A_135 = arith.subf %sub3A_134, %logistic3A_131 : vector<1024x128xf32>
    %mul3A_136 = arith.mulf %sub3A_135, %add3A_100 : vector<1024x128xf32>
    %add3A_137 = arith.addf %mul3A_132, %mul3A_136 : vector<1024x128xf32>
    %swap3A = arith.constant 0 : index
    %swap3A_138 = arith.constant 0 : index
    %swap3A_139 = vector.load %arg15[%swap3A, %swap3A_138] : memref<1024x128xf32, #tpu.memory_space<vmem>>, vector<1024x128xf32>
    tpu.vector_store %arg15[%swap3A, %swap3A_138], %add3A_137 {strides = array<i32>} : memref<1024x128xf32, #tpu.memory_space<vmem>>, vector<1024x128xf32>,
    return
  }
}

</mosaic_0001>

<sc_bundles>
// kernel: kernel.7.cloned.1.call-start
scs
__scs_entry_jumppad:
0x0: {  	(pc) =	sbr.rel $0x88, $3  }
0x1: {  	(tag) =	ssettag $0x0;
	lr =	simm.s32 $0x1  }
0x2: {  	[smem:$0x3F8F] =	sst lr;
	_ =	strace $0xD0000000  }
0x3: {  	_ = 	snop  }
0x4: {  	_ = 	snop  }
0x5: {  	_ = 	snop  }
0x6: {  	_ = 	snop  }
0x7: {  	_ = 	snop  }
__scs_overlays_trampoline_lowered:
0x8: {  	[smem:$0x3F9E] =	sst s0  }
0x9: {  	[smem:$0x3F9F] =	sst s1  }
0xa: {  	[smem:$0x3FA0] =	sst s2  }
0xb: {  	[smem:$0x3FA1] =	sst s3  }
0xc: {  	[smem:$0x3FA2] =	sst s4  }
0xd: {  	[smem:$0x3FA3] =	sst s5  }
0xe: {  	[smem:$0x3FA4] =	sst s6  }
0xf: {  	[smem:$0x3FA5] =	sst s7  }
0x10: {  	[smem:$0x3FA6] =	sst s8  }
0x11: {  	[smem:$0x3FA7] =	sst s9;
	s0 =	simm.s32 @!p0 $0x0  }
0x12: {  	s1 =	sld [smem:$0x3F8D];
	s0 =	simm.s32 @p0 $0x1  }
0x13: {  	[smem:$0x3FA8] =	sst s0;
	s0 =	simm.s32 @!p1 $0x0  }
0x14: {  	s2 =	sld [smem:$0x3F8C];
	s0 =	simm.s32 @p1 $0x1  }
0x15: {  	[smem:$0x3FA9] =	sst s0;
	s0 =	simm.s32 @!p2 $0x0  }
0x16: {  	s3 =	sld [smem:$0x3FDB];
	s0 =	simm.s32 @p2 $0x1  }
0x17: {  	s4 =	simm.s32 $0x1BF5;
	[smem:$0x3FAB] =	sst s0  }
0x18: {  	s0 =	sld [smem:$0x3F8E];
	_ =	swait.ge [sflag:s4], $0x0  }
0x19: {  	s7 =	sld [smem:$0x3F8F]  }
0x1a: {  	s8 =	sadd.s32 $0xFFFFE003, lr  }
0x1b: {  	s9 =	sadd.s32 $0xFFFFFEF7, lr;
	s5 =	simm.s32 $0xFFFFFFFF;
	p2 =	slt.u32 s8, $0xFFFFF086  }
0x1c: {  	p1 =	slt.u32 s9, $0xF7A;
	s5 =	simm.s32 @!p2 $0x0  }
0x1d: {  	s5 =	simm.s32 @p1 $0x1;
	p0 =	seq.s32 s7, s2  }
0x1e: {  	s7 =	smul.u32 @!p0 $0xF7A, s2;
	p2 =	seq.s32 @!p0 s5, $0x0  }
0x1f: {  	s9 =	smul.u32 $0xF7A, s1;
	s8 =	simm.s32 @!p0 $0x1BF5;
	p2 =	por !p2, p0  }
0x20: {  	[sflag:s8] =	ssyncset.s32 @!p0 $0xFFFFF086;
	s6 =	sadd.s32 @!p0 s3, s7;
	s7 =	simm.s32 @!p0 $0x108  }
0x21: {  	s3 =	sadd.s32 s3, s9;
	s6 =	sadd.s32 @!p0 $0x88, s6;
	s7 =	simm.s32 @p2 $0x1082  }
0x22: {  	[simem:s7], [sflag:s8] =	dma.local @!p0 [hbm:s6], $0xF7A  }
0x23: {  	s9 =	sor.u32 $0xD0000000, s2;
	s6 =	simm.s32 $0x108;
	_ =	swait.ge @!p0 [sflag:s8], $0x0  }
0x24: {  	s3 =	sadd.s32 $0x88, s3;
	s6 =	simm.s32 @!p1 $0x1082;
	[sflag:s4] =	ssyncset.s32 $0xFFFFF086  }
0x25: {  	[simem:s6], [sflag:s4] =	dma.local [hbm:s3], $0xF7A  }
0x26: {  	[smem:$0x3F8F] =	sst s1;
	(tag) =	ssettag s2;
	_ =	strace s9  }
0x27: {  	s1 =	sld [smem:$0x3F9F]  }
0x28: {  	s2 =	sld [smem:$0x3FA0]  }
0x29: {  	s4 =	sld [smem:$0x3FA2]  }
0x2a: {  	p0 =	seq.s32 s5, $0x0;
	s5 =	sld [smem:$0x3FA3]  }
0x2b: {  	s6 =	sld [smem:$0x3FA4]  }
0x2c: {  	s7 =	sld [smem:$0x3FA5]  }
0x2d: {  	s3 =	simm.s32 $0x108;
	s8 =	sld [smem:$0x3FA6]  }
0x2e: {  	s3 =	simm.s32 @!p0 $0x1082;
	s9 =	sld [smem:$0x3FA7]  }
0x2f: {  	lr =	sadd.s32 s0, s3;
	s0 =	sld [smem:$0x3F9E]  }
0x30: {  	s3 =	sld [smem:$0x3FA1]  }
0x31: {  	[smem:$0x3FAA] =	sst s10  }
0x32: {  	s10 =	sld [smem:$0x3FA8];
	_ =	sdelay $0x3  }
0x33: {  	p0 =	seq.s32 s10, $0x1;
	s10 =	sld [smem:$0x3FAA];
	_ =	sdelay $0x3  }
0x34: {  	[smem:$0x3FAA] =	sst s10  }
0x35: {  	s10 =	sld [smem:$0x3FA9];
	_ =	sdelay $0x3  }
0x36: {  	p1 =	seq.s32 s10, $0x1;
	s10 =	sld [smem:$0x3FAA];
	_ =	sdelay $0x3  }
0x37: {  	[smem:$0x3FAA] =	sst s10  }
0x38: {  	s10 =	sld [smem:$0x3FAB]  }
0x39: {  	_ = 	snop;
	(pc) =	sbr.ind lr, $3  }
0x3a: {  	_ = 	snop  }
0x3b: {  	_ = 	snop  }
0x3c: {  	p2 =	seq.s32 s10, $0x1;
	s10 =	sld [smem:$0x3FAA]  }
0x3d: {  	_ =	shalt  }
0x3e: {  	_ =	shalt  }
0x3f: {  	_ =	shalt  }
0x40: {  	_ =	shalt  }
0x41: {  	_ =	shalt  }
0x42: {  	_ =	shalt  }
0x43: {  	_ =	shalt  }
0x44: {  	_ =	shalt  }
0x45: {  	_ =	shalt  }
0x46: {  	_ =	shalt  }
0x47: {  	_ =	shalt  }
0x48: {  	_ =	shalt  }
0x49: {  	_ =	shalt  }
0x4a: {  	_ =	shalt  }
0x4b: {  	_ =	shalt  }
0x4c: {  	_ =	shalt  }
0x4d: {  	_ =	shalt  }
0x4e: {  	_ =	shalt  }
0x4f: {  	_ =	shalt  }
0x50: {  	_ =	shalt  }
0x51: {  	_ =	shalt  }
0x52: {  	_ =	shalt  }
0x53: {  	_ =	shalt  }
0x54: {  	_ =	shalt  }
0x55: {  	_ =	shalt  }
0x56: {  	_ =	shalt  }
0x57: {  	_ =	shalt  }
0x58: {  	_ =	shalt  }
0x59: {  	_ =	shalt  }
0x5a: {  	_ =	shalt  }
0x5b: {  	_ =	shalt  }
0x5c: {  	_ =	shalt  }
0x5d: {  	_ =	shalt  }
0x5e: {  	_ =	shalt  }
0x5f: {  	_ =	shalt  }
0x60: {  	_ =	shalt  }
0x61: {  	_ =	shalt  }
0x62: {  	_ =	shalt  }
0x63: {  	_ =	shalt  }
0x64: {  	_ =	shalt  }
0x65: {  	_ =	shalt  }
0x66: {  	_ =	shalt  }
0x67: {  	_ =	shalt  }
0x68: {  	_ =	shalt  }
0x69: {  	_ =	shalt  }
0x6a: {  	_ =	shalt  }
0x6b: {  	_ =	shalt  }
0x6c: {  	_ =	shalt  }
0x6d: {  	_ =	shalt  }
0x6e: {  	_ =	shalt  }
0x6f: {  	_ =	shalt  }
0x70: {  	_ =	shalt  }
0x71: {  	_ =	shalt  }
0x72: {  	_ =	shalt  }
0x73: {  	_ =	shalt  }
0x74: {  	_ =	shalt  }
0x75: {  	_ =	shalt  }
0x76: {  	_ =	shalt  }
0x77: {  	_ =	shalt  }
0x78: {  	_ =	shalt  }
0x79: {  	_ =	shalt  }
0x7a: {  	_ =	shalt  }
0x7b: {  	_ =	shalt  }
0x7c: {  	_ =	shalt  }
0x7d: {  	_ =	shalt  }
0x7e: {  	_ =	shalt  }
0x7f: {  	_ =	shalt  }
0x80: {  	_ =	shalt  }
0x81: {  	_ =	shalt  }
0x82: {  	_ =	shalt  }
0x83: {  	_ =	shalt  }
0x84: {  	_ =	shalt  }
0x85: {  	_ =	shalt  }
0x86: {  	_ =	shalt  }
0x87: {  	_ =	shalt  }
.Lfunc_end0:
.L_simem_size_0:
called_computation_lowered:
.L_overlay_start_0:
0x88: {  	s2 =	sld [smem:$0x3FD9]  }
0x89: {  	s3 =	sld [smem:$0x3FFE];
	_ =	sdelay $0x1  }
0x8a: {  	s1 =	srdreg.scid  }
0x8b: {  	s0 =	sand.u32 $0x1, s1  }
0x8c: {  	s17 =	sshll.u32 s0, $0xA;
	s2 =	sadd.s32 s3, s2  }
0x8d: {  	s2 =	sadd.s32 s2, s17  }
0x8e: {  	[smem:$0x3FB6] =	sst s2  }
0x8f: {  	_ = 	snop  }
0x90: {  	s2 =	sld [smem:$0x3FD0];
	(tm) =	ssettm $0x1  }
0x91: {  	s18 =	sld [smem:$0x3FFB];
	_ =	sdelay $0x3  }
0x92: {  	_ =	strace s18  }
0x93: {  	s3 =	sld [smem:$0x3FFC];
	_ =	sdelay $0x3  }
0x94: {  	_ =	strace s3  }
0x95: {  	s3 =	sld [smem:$0x3FFD];
	_ =	sdelay $0x3  }
0x96: {  	_ =	strace s3  }
0x97: {  	_ =	strace $0x8FFFFFFF  }
0x98: {  	s19 =	sld [smem:$0x3FDB];
	_ =	sdelay $0x1  }
0x99: {  	s4 =	simm.s32 $_scs_section_size  }
0x9a: {  	s5 =	simm.s32 $_size__tile_overlayer_lowered;
	s6 =	simm.s32 $_tile_overlayer_lowered  }
0x9b: {  	s22 =	simm.s32 $0x1BFF;
	s21 =	sshll.u32 s6, $0x1;
	s3 =	sadd.s32 s4, s19  }
0x9c: {  	s7 =	simm.s32 $0x0;
	s20 =	sshll.u32 s5, $0x1;
	s5 =	sadd.s32 s21, s3  }
0x9d: {  	[timem:s7], [sflag:s22] =	dma.local [hbm:s5], s20  }
0x9e: {  	_ =	swait.ge [sflag:s22], s20  }
0x9f: {  	s4 =	ssub.s32 $0x0, s20;
	[sflag:s22] =	ssyncset.done $0x0  }
0xa0: {  	[sflag:s22] =	ssyncadd.s32 s4;
	_ =	sdelay $0x1  }
0xa1: {  	s23 =	simm.s32 $0x1B8B  }
0xa2: {  	_ =	swait.ge [sflag:s23], $0x1  }
0xa3: {  	[sflag:s23] =	ssyncset.done $0x0  }
0xa4: {  	s25 =	simm.s32 $0x1B8E;
	s24 =	sld [smem:$0x3FFE];
	[sflag:s23] =	ssyncadd.s32 $0xFFFFFFFF  }
0xa5: {  	s26 =	simm.s32 $execute0_lowered;
	[smem:$0x3FD2] =	sst s25  }
0xa6: {  	s5 =	sshll.u32 s26, $0x1;
	_ =	strace $0x80000046;
	[dreg:$0x1] =	wrdreg $0xFFFFFFFF  }
0xa7: {  	s28 =	simm.s32 $_size_execute0_lowered;
	s3 =	sadd.s32 s3, s5;
	[dreg:$0x0] =	wrdreg $0x0  }
0xa8: {  	s5 =	sshll.u32 s28, $0x1;
	[dreg:$0x2] =	wrdreg s3  }
0xa9: {  	[dreg:$0x3] =	wrdreg s5  }
0xaa: {  	[dreg:$0x4] =	wrdreg $0xC0  }
0xab: {  	_ =	task [dreg:s7], $0x5FFFF  }
0xac: {  	[dreg:$0x1] =	wrdreg $0xFFFFFFFF  }
0xad: {  	[dreg:$0x0] =	wrdreg $0x60  }
0xae: {  	[dreg:$0x2] =	wrdreg s24  }
0xaf: {  	[dreg:$0x3] =	wrdreg s2  }
0xb0: {  	[dreg:$0x4] =	wrdreg $0x9  }
0xb1: {  	_ =	task.clear_ibuf [dreg:s7], $0x5FFFF;
	_ =	strace $0x90000046  }
0xb2: {  	s29 =	simm.s32 $0x9;
	_ =	strace $0x80000048  }
0xb3: {  	_ =	swait.ge [sflag:s29], $0x1  }
0xb4: {  	[sflag:s29] =	ssyncadd.s32 $0xFFFFFFFF  }
0xb5: {  	_ =	strace $0x90000048  }
0xb6: {  	_ =	sfence  }
0xb7: {  	s30 =	sld [smem:$0x0];
	_ =	sdelay $0x2  }
0xb8: {  	s31 =	sshll.u32 s1, $0xD;
	s1 =	sshrl.u32 s1, $0x2  }
0xb9: {  	s3 =	sand.u32 $0x4000, s31;
	s1 =	sadd.s32 s1, s30  }
0xba: {  	s0 =	sor.u32 s3, s0;
	s1 =	sshll.u32 s1, $0x11  }
0xbb: {  	s0 =	sor.u32 s1, s0  }
0xbc: {  	s0 =	sadd.s32 $0x8F2B, s0  }
0xbd: {  	[sflag:s0] =	ssyncadd.remote.s32 $0x1  }
0xbe: {  	_ =	sfence.sel $0xFFFF  }
0xbf: {  	[dreg:$0x0] =	wrdreg $0xFFFFFFFF;
	(pc) =	sbr.abs _section_cstart, $3  }
0xc0: {  	[dreg:$0x1] =	wrdreg $0xFFFFFFFF  }
0xc1: {  	_ =	task.clear_ibuf [dreg:s7], $0x2FFFF;
	_ =	strace $0x9FFFFFFF  }
0xc2: {  	(tm) =	ssettm $0x7FFFFFFF  }
0xc3: {  	_ =	shalt  }
tec
execute0_lowered:
.L_overlay_start_1:
0x0: {  	(tag) =	ssettag $0x1  }
0x1: {  	s1 =	srdreg.scid;
	s5 =	rddreg [dreg:$0x0]  }
0x2: {  	s0 =	stileid.u32;
	s7 =	rddreg [dreg:$0x1]  }
0x3: {  	s2 =	simm.s32 $0x0;
	s17 =	simm.s32 $0x3980;
	s18 =	simm.s32 $0x0  }
0x4: {  	s6 =	sand.u32 $0x1, s1;
	s26 =	sshll.u32 s0, $0x1;
	s10 =	smul.u32 $0x64000, s0  }
0x5: {  	s1 =	rddreg [dreg:$0x2];
	s4 =	sadd.s32 $0x3E2200, s5;
	s14 =	smul.u32 $0x3200, s0  }
0x6: {  	[smem:$0x7FF] =	sst s2;
	s15 =	sadd.s32 $0x44A200, s5;
	s12 =	smul.u32 $0x32000, s6  }
0x7: {  	s8 =	sor.u32 s6, s26;
	_ =	strace $0x80000047;
	s16 =	smul.u32 $0x1900, s6  }
0x8: {  	s13 =	ssub.s32 $0x2, s6;
	s3 =	smul.u32 $0x1900, s8;
	s28 =	sshll.u32 s8, $0x4  }
0x9: {  	s29 =	sshrl.u32 s13, $0x1;
	s8 =	sshll.u32 s8, $0x9;
	s11 =	sadd.s32 s28, s5  }
0xa: {  	s13 =	ssub.s32 s13, s29;
	s30 =	sadd.s32 s12, s10;
	s31 =	sadd.s32 s16, s14  }
0xb: {  	s7 =	sadd.s32 s7, s8;
	s12 =	simm.s32 $0x80;
	s14 =	simm.s32 $0x2900  }
0xc: {  	s16 =	simm.s32 $0x3900;
	s3 =	sshrl.u32 s3, $0x3;
	s6 =	sadd.s32 $0xA000, s11  }
0xd: {  	s10 =	sshll.u32 s31, $0x2;
	s8 =	smax.u32 s13, $0x1;
	s11 =	simm.s32 $0x2  }
0xe: {  	s13 =	simm.s32 $0x1900;
	s9 =	sadd.s32 s3, s5;
	s3 =	sadd.s32 $0xA200, s5  }
0xf: {  	s10 =	sadd.s32 s10, s15;
	s5 =	sadd.s32 $0x3C00, s9;
	s9 =	sshrl.u32 s30, $0x3  }
0x10: {  	s10 =	sadd.s32 $0x200, s10;
	s9 =	sadd.s32 s9, s15;
	s15 =	simm.s32 $0x1  }
.LBB2_1:
0x11: {  	[tilespmem:s2], [sflag:$0x2] =	stream.linear.gather [hbm4b:s5+s2], $0x1900, $0x38;
	[tilespmem:$0x4980] =	vst v63  }
0x12: {  	_ =	swait.ge [sflag:s11], $0x1900  }
0x13: {  	[sflag:s11] =	ssyncset.done $0x0  }
0x14: {  	s19 =	simm.s32 $0x0;
	[sflag:s11] =	ssyncadd.s32 $0xFFFFE700  }
0x15: {  	[tilespmem:s13], [sflag:$0x1] =	stream.indirect.gather [hbm4b:s3+s12], $0x20, s19, s12, $0xb8;
	[tilespmem:$0x4980] =	vst v63  }
0x16: {  	s29 =	simm.s32 $0x80  }
0x17: {  	[tilespmem:s14], [sflag:$0x1] =	stream.indirect.gather [hbm4b:s3+s12], $0x20, s29, s12, $0xb8;
	[tilespmem:$0x4980] =	vst v63  }
0x18: {  	_ =	swait.ge [sflag:s15], $0x1000  }
0x19: {  	[sflag:s15] =	ssyncset.done $0x0  }
0x1a: {  	s30 =	sadd.s32 $0x0, s9;
	[sflag:s15] =	ssyncadd.s32 $0xFFFFF000  }
0x1b: {  	[hbm4b:s30+s2] =	stream.linear.scatter [tilespmem:s13], [sflag:$0x2], $0x1000, $0x38;
	[tilespmem:$0x4980] =	vst v63  }
0x1c: {  	_ =	swait.ge [sflag:s11], $0x1000  }
0x1d: {  	[sflag:s11] =	ssyncset.done $0x0  }
0x1e: {  	[sflag:s11] =	ssyncadd.s32 $0xFFFFF000  }
0x1f: {  	_ =	swait.ge [sflag:s15], $0x1000  }
0x20: {  	[sflag:s15] =	ssyncset.done $0x0  }
0x21: {  	s31 =	sadd.s32 $0x0, s10;
	[sflag:s15] =	ssyncadd.s32 $0xFFFFF000  }
0x22: {  	[hbm4b:s31+s2] =	stream.linear.scatter [tilespmem:s14], [sflag:$0x2], $0x1000, $0x38;
	[tilespmem:$0x4980] =	vst v63  }
0x23: {  	_ =	swait.ge [sflag:s11], $0x1000  }
0x24: {  	s20 =	simm.s32 $0x800;
	s19 =	simm.s32 $0x400;
	[sflag:s11] =	ssyncset.done $0x0  }
.LBB2_2:
0x25: {  	s21 =	sshra.s32 s19, $0x2  }
0x26: {  	[sflag:s11] =	ssyncadd.s32 $0xFFFFF000;
	s22 =	smov.u32 s20;
	s23 =	sadd.s32 $0x400, s20  }
0x27: {  	[tilespmem:s13], [sflag:$0x1] =	stream.indirect.gather [hbm4b:s3+s12], $0x20, s21, s12, $0xb8;
	[tilespmem:$0x4980] =	vst v63  }
0x28: {  	p0 =	sne.s32 s20, $0x6000;
	s20 =	sadd.s32 $0x80, s21  }
0x29: {  	[tilespmem:s14], [sflag:$0x1] =	stream.indirect.gather [hbm4b:s3+s12], $0x20, s20, s12, $0xb8;
	[tilespmem:$0x4980] =	vst v63  }
0x2a: {  	_ =	swait.ge [sflag:s15], $0x1000  }
0x2b: {  	[sflag:s15] =	ssyncset.done $0x0  }
0x2c: {  	s20 =	sadd.s32 s19, s9;
	[sflag:s15] =	ssyncadd.s32 $0xFFFFF000  }
0x2d: {  	[hbm4b:s20+s2] =	stream.linear.scatter [tilespmem:s13], [sflag:$0x2], $0x1000, $0x38;
	[tilespmem:$0x4980] =	vst v63  }
0x2e: {  	_ =	swait.ge [sflag:s11], $0x1000  }
0x2f: {  	[sflag:s11] =	ssyncset.done $0x0  }
0x30: {  	[sflag:s11] =	ssyncadd.s32 $0xFFFFF000  }
0x31: {  	_ =	swait.ge [sflag:s15], $0x1000  }
.Ltmp0:
0x32: {  	[sflag:s15] =	ssyncset.done $0x0;
	(pc) =	sbr.rel @p0 .LBB2_2-.Ltmp0, $4  }
0x33: {  	s20 =	sadd.s32 s19, s10;
	s19 =	smov.u32 s22;
	[sflag:s15] =	ssyncadd.s32 $0xFFFFF000  }
0x34: {  	[hbm4b:s20+s2] =	stream.linear.scatter [tilespmem:s14], [sflag:$0x2], $0x1000, $0x38;
	[tilespmem:$0x4980] =	vst v63  }
0x35: {  	_ =	swait.ge [sflag:s11], $0x1000  }
0x36: {  	s20 =	smov.u32 s23;
	[sflag:s11] =	ssyncset.done $0x0  }
0x37: {  	s20 =	sshra.s32 s19, $0x2;
	[sflag:s11] =	ssyncadd.s32 $0xFFFFF000  }
0x38: {  	[tilespmem:s13], [sflag:$0x1] =	stream.indirect.gather [hbm4b:s3+s12], $0x20, s20, s12, $0xb8;
	[tilespmem:$0x4980] =	vst v63  }
0x39: {  	s20 =	sadd.s32 $0x80, s20  }
0x3a: {  	[tilespmem:s14], [sflag:$0x1] =	stream.indirect.gather [hbm4b:s3+s12], $0x20, s20, s12, $0xb8;
	[tilespmem:$0x4980] =	vst v63  }
0x3b: {  	_ =	swait.ge [sflag:s15], $0x1000  }
0x3c: {  	[sflag:s15] =	ssyncset.done $0x0  }
0x3d: {  	s30 =	sadd.s32 s19, s9;
	[sflag:s15] =	ssyncadd.s32 $0xFFFFF000  }
0x3e: {  	[hbm4b:s30+s2] =	stream.linear.scatter [tilespmem:s13], [sflag:$0x2], $0x1000, $0x38;
	[tilespmem:$0x4980] =	vst v63  }
0x3f: {  	_ =	swait.ge [sflag:s11], $0x1000  }
0x40: {  	[sflag:s11] =	ssyncset.done $0x0  }
0x41: {  	[sflag:s11] =	ssyncadd.s32 $0xFFFFF000  }
0x42: {  	_ =	swait.ge [sflag:s15], $0x1000  }
0x43: {  	[sflag:s15] =	ssyncset.done $0x0  }
0x44: {  	s31 =	sadd.s32 s19, s10;
	[sflag:s15] =	ssyncadd.s32 $0xFFFFF000  }
0x45: {  	[hbm4b:s31+s2] =	stream.linear.scatter [tilespmem:s14], [sflag:$0x2], $0x1000, $0x38;
	[tilespmem:$0x4980] =	vst v63  }
0x46: {  	_ =	swait.ge [sflag:s11], $0x1000  }
0x47: {  	[sflag:s11] =	ssyncset.done $0x0  }
0x48: {  	[sflag:s11] =	ssyncadd.s32 $0xFFFFF000  }
0x49: {  	[tilespmem:s16], [sflag:$0x2] =	stream.linear.gather [hbm4b:s6+s2], $0x80, $0x38;
	[tilespmem:$0x4980] =	vst v63  }
0x4a: {  	_ =	swait.ge [sflag:s11], $0x80  }
0x4b: {  	[sflag:s11] =	ssyncset.done $0x0  }
0x4c: {  	[sflag:s11] =	ssyncadd.s32 $0xFFFFFF80  }
0x4d: {  	[tilespmem:s17], [sflag:$0x1] =	stream.indirect.gather [hbm4b:s4+s12], $0x20, s16, s12, $0xb8;
	[tilespmem:$0x4980] =	vst v63  }
0x4e: {  	s18 =	sadd.s32 $0x1, s18;
	_ =	swait.ge [sflag:s15], $0x1000  }
0x4f: {  	p0 =	sne.s32 s18, s8;
	[sflag:s15] =	ssyncset.done $0x0  }
.Ltmp1:
0x50: {  	[sflag:s15] =	ssyncadd.s32 $0xFFFFF000;
	(pc) =	sbr.rel @p0 .LBB2_1-.Ltmp1, $4  }
0x51: {  	[hbm4b:s7+s2] =	stream.linear.scatter [tilespmem:s17], [sflag:$0x2], $0x1000, $0x38;
	[tilespmem:$0x4980] =	vst v63  }
0x52: {  	_ =	swait.ge [sflag:s11], $0x1000  }
0x53: {  	[sflag:s11] =	ssyncset.done $0x0  }
0x54: {  	[sflag:s11] =	ssyncadd.s32 $0xFFFFF000  }
0x55: {  	_ =	sfence.sel $0x180000  }
0x56: {  	[bflag:$0x0] =	sbarrier.arrive $0xFFFF  }
0x57: {  	p0 =	sne.s32 s0, $0x0;
	_ =	strace $0x90000047  }
0x58: {  	s0 =	sadd.s32 @!p0 $0x100000, s1;
	[bflag:$0x2] =	sbarrier.arrive $0xFFFF  }
0x59: {  	[sflag:s0] =	ssyncadd.tile.s32 @!p0 $0x1;
	_ =	shalt  }
.Lfunc_end2:
_tile_overlayer_lowered:
.L_overlay_start_2:
0x5a: {  	(tag) =	ssettag $0x2  }
0x5b: {  	s0 =	rddreg [dreg:$0x0];
	s2 =	stileid.u32  }
0x5c: {  	s1 =	rddreg [dreg:$0x1];
	p0 =	sne.s32 s2, $0x0  }
0x5d: {  	s3 =	rddreg [dreg:$0x2];
	[bflag:$0x3] =	sbarrier.arrive $0xFFFF;
	s2 =	simm.s32 @!p0 $0x1C02  }
0x5e: {  	[timem:s3], [sflag:s2] =	dma.local @!p0 [hbm:s0], s1  }
0x5f: {  	s0 =	simm.s32 @!p0 $0x2  }
0x60: {  	_ =	swait.ge @!p0 [sflag:s0], s1  }
0x61: {  	s1 =	ssub.s32 @!p0 $0x0, s1;
	[sflag:s0] =	ssyncset.done @!p0 $0x0  }
0x62: {  	[sflag:s0] =	ssyncadd.s32 @!p0 s1  }
0x63: {  	[bflag:$0x3] =	sbarrier.arrive $0xFFFF  }
0x64: {  	_ =	shalt  }

</sc_bundles>
